<compile_context>
chip_gen: v7x
topology: tpu7x:2x2x1
jax: 0.10.2.dev20260603
libtpu: 0.0.44.dev20260713+nightly
codegen_flags: <defaults>
</compile_context>

<pallas_src>
import jax
import jax.numpy as jnp
from jax import lax
from jax.experimental import pallas as pl
from jax.experimental.pallas import tpu as pltpu
from jax.experimental.pallas import tpu_sc as plsc

B, S, D = 16, 2048, 1024
N = B * S
L = 16
K = 16
NB = 6
HALF = S // 2
G = HALF // K


def _body(bank, refresh, out, buf, idx, bnd, sem_g, sem_b, sem_s):
    cid = lax.axis_index("c")
    sid = lax.axis_index("s")
    wid = sid * 2 + cid
    b = wid // 2
    h = wid % 2
    wbase = b * S + h * HALF

    @pl.when(h == 0)
    def _():
        pltpu.make_async_copy(bank.at[pl.ds(b * S, 1)], bnd, sem_b).start()

    @pl.when(h == 1)
    def _():
        pltpu.make_async_copy(refresh.at[pl.ds(b, 1)], bnd, sem_b).start()

    def build_idx(g):
        seg = g % NB
        row0 = wbase + g * K + 1
        for c in range(K // L):
            vals = lax.iota(jnp.int32, L) + (row0 + c * L)
            idx[seg, pl.ds(c * L, L)] = jnp.minimum(vals, N - 1)

    def gather_start(g):
        seg = g % NB
        pltpu.make_async_copy(
            bank.at[idx.at[seg]],
            buf.at[pl.ds(seg * K, K)],
            sem_g,
        ).start()

    def gather_wait(g):
        seg = g % NB
        pltpu.make_async_copy(
            bank.at[idx.at[seg]], buf.at[pl.ds(seg * K, K)], sem_g
        ).wait()

    def scatter_start(g):
        seg = g % NB
        pltpu.make_async_copy(
            buf.at[pl.ds(seg * K, K)],
            out.at[pl.ds(wbase + g * K, K)],
            sem_s,
        ).start()

    def scatter_wait():
        pltpu.make_async_copy(
            buf.at[pl.ds(0, K)], out.at[pl.ds(wbase, K)], sem_s
        ).wait()

    build_idx(0)
    gather_start(0)
    build_idx(1)
    gather_start(1)
    pltpu.make_async_copy(refresh.at[pl.ds(b, 1)], bnd, sem_b).wait()

    def chunk(g, carry):
        seg = g % NB

        @pl.when(g + 2 < G)
        def _():
            @pl.when(g >= 4)
            def _():
                scatter_wait()

            build_idx(g + 2)
            gather_start(g + 2)

        gather_wait(g)

        @pl.when(jnp.logical_and(g == 0, h == 0))
        def _():
            for c in range(D // L):
                sl = pl.ds(c * L, L)
                buf[0, sl] = 0.5 * (bnd[0, sl] + buf[0, sl])

        @pl.when(jnp.logical_and(g == G - 1, h == 1))
        def _():
            for c in range(D // L):
                sl = pl.ds(c * L, L)
                buf[seg * K + K - 1, sl] = bnd[0, sl]

        scatter_start(g)
        return carry

    lax.fori_loop(0, G, chunk, 0)
    for _ in range(6):
        scatter_wait()


@jax.jit
def _shift(bank2, refresh2):
    mesh = plsc.VectorSubcoreMesh(core_axis_name="c", subcore_axis_name="s")
    return pl.kernel(
        _body,
        mesh=mesh,
        out_type=jax.ShapeDtypeStruct((N, D), jnp.float32),
        scratch_types=[
            pltpu.VMEM((NB * K, D), jnp.float32),
            pltpu.VMEM((NB, K), jnp.int32),
            pltpu.VMEM((1, D), jnp.float32),
            pltpu.SemaphoreType.DMA,
            pltpu.SemaphoreType.DMA,
            pltpu.SemaphoreType.DMA,
        ],
    )(bank2, refresh2)


def kernel(bank_states, refresh_states):
    bank2 = bank_states.reshape(N, D)
    refresh2 = refresh_states.reshape(B, D)
    return _shift(bank2, refresh2).reshape(B, S, D)

# --- scband reference (transcript-rebuilt; emitter-appended) ---
"""Pipeline reference for scband-long-memory-bank-63187558859376 (READ-ONLY COPY).

The authoritative reference and input builder live on the scoring server;
editing this copy changes nothing except your own understanding.
"""

import jax, jax.numpy as jnp
import numpy as np

D_MODEL = 1024
MAX_SLOTS = 2048
BATCH = 16

def setup_inputs(seed: int = 0) -> dict:
    key = jax.random.key(seed)
    k1, k2 = jax.random.split(key)
    bank_states = jax.random.normal(k1, (BATCH, MAX_SLOTS, D_MODEL), dtype=jnp.float32)
    refresh_states = jax.random.normal(k2, (BATCH, 1, D_MODEL), dtype=jnp.float32)
    return {"bank_states": bank_states, "refresh_states": refresh_states}

def reference(bank_states, refresh_states):
    # LongMemoryBank.write fast path: refresh has 1 slot, bank is full (size == max_slots >= 2).
    # Torch semantics:
    #   refresh_states = refresh_states.detach()
    #   updated = bank_states.clone()
    #   updated[:, 0, :] = 0.5 * (bank_states[:, 0, :] + bank_states[:, 1, :])
    #   updated[:, 1:-1, :] = bank_states[:, 2:, :]   # shift history left by one
    #   updated[:, -1:, :] = refresh_states            # scatter-write newest slot
    refresh = jax.lax.stop_gradient(refresh_states)
    updated = bank_states
    updated = updated.at[:, 0, :].set(0.5 * (bank_states[:, 0, :] + bank_states[:, 1, :]))
    updated = updated.at[:, 1:-1, :].set(bank_states[:, 2:, :])
    updated = updated.at[:, -1:, :].set(refresh)
    return updated

if __name__ == "__main__":
    import jax
    _d = setup_inputs()
    print(jax.jit(kernel)(*tuple(_d.values())))

</pallas_src>

<mosaic_0001>
#map = affine_map<(d0, d1) -> (0, 0)>
module attributes {stable_mosaic.version = 14 : i64} {
  func.func @_body(%arg0: i32, %arg1: i32, %arg2: memref<32768x1024xf32, #tpu.memory_space<hbm>>, %arg3: memref<16x1024xf32, #tpu.memory_space<hbm>>, %arg4: memref<32768x1024xf32, #tpu.memory_space<hbm>>, %arg5: memref<96x1024xf32, #tpu.memory_space<vmem>>, %arg6: memref<6x16xi32, #tpu.memory_space<vmem>>, %arg7: memref<1x1024xf32, #tpu.memory_space<vmem>>, %arg8: memref<!tpu.dma_semaphore, #tpu.memory_space<semaphore_mem>>, %arg9: memref<!tpu.dma_semaphore, #tpu.memory_space<semaphore_mem>>, %arg10: memref<!tpu.dma_semaphore, #tpu.memory_space<semaphore_mem>>) attributes {dimension_semantics = [#tpu.dimension_semantics<core_parallel>, #tpu.dimension_semantics<subcore_parallel>], iteration_bounds = array<i64: 2, 16>, scalar_prefetch = 0 : i64, scratch_operands = 6 : i64, tpu.core_type = #tpu.core_type<sc_vector_subcore>, window_params = [{transform_indices = #map}, {transform_indices = #map}, {transform_indices = #map}]} {
    %mul3A = arith.constant 2 : i32
    %mul3A_0 = arith.muli %arg1, %mul3A : i32
    %add3A = arith.addi %mul3A_0, %arg0 : i32
    %jit3A = arith.constant 2 : i32
    %div3A = arith.divsi %add3A, %jit3A : i32
    %sign3A = arith.constant 0 : i32
    %sign3A_1 = arith.cmpi sgt, %add3A, %sign3A : i32
    %sign3A_2 = arith.extui %sign3A_1 : i1 to i32
    %sign3A_3 = arith.constant 0 : i32
    %sign3A_4 = arith.cmpi slt, %add3A, %sign3A_3 : i32
    %sign3A_5 = arith.extui %sign3A_4 : i1 to i32
    %sign3A_6 = arith.subi %sign3A_2, %sign3A_5 : i32
    %sign3A_7 = arith.constant 0 : i32
    %sign3A_8 = arith.cmpi sgt, %jit3A, %sign3A_7 : i32
    %sign3A_9 = arith.extui %sign3A_8 : i1 to i32
    %sign3A_10 = arith.constant 0 : i32
    %sign3A_11 = arith.cmpi slt, %jit3A, %sign3A_10 : i32
    %sign3A_12 = arith.extui %sign3A_11 : i1 to i32
    %sign3A_13 = arith.subi %sign3A_9, %sign3A_12 : i32
    %ne3A = arith.cmpi ne, %sign3A_6, %sign3A_13 : i32
    %rem3A = arith.remsi %add3A, %jit3A : i32
    %ne3A_14 = arith.constant 0 : i32
    %ne3A_15 = arith.cmpi ne, %rem3A, %ne3A_14 : i32
    %and3A = arith.andi %ne3A, %ne3A_15 : i1
    %sub3A = arith.constant 1 : i32
    %sub3A_16 = arith.subi %div3A, %sub3A : i32
    %select_n3A = arith.select %and3A, %sub3A_16, %div3A : i32
    %jit3A_17 = arith.constant 2 : i32
    %eq3A = arith.constant 0 : i32
    %eq3A_18 = arith.cmpi eq, %jit3A_17, %eq3A : i32
    %jit3A_19 = arith.constant 1 : i32
    %select_n3A_20 = arith.select %eq3A_18, %jit3A_19, %jit3A_17 : i32
    %rem3A_21 = arith.remsi %add3A, %select_n3A_20 : i32
    %ne3A_22 = arith.constant 0 : i32
    %ne3A_23 = arith.cmpi ne, %rem3A_21, %ne3A_22 : i32
    %lt3A = arith.constant 0 : i32
    %lt3A_24 = arith.cmpi slt, %rem3A_21, %lt3A : i32
    %lt3A_25 = arith.constant 0 : i32
    %lt3A_26 = arith.cmpi slt, %select_n3A_20, %lt3A_25 : i32
    %ne3A_27 = arith.xori %lt3A_24, %lt3A_26 : i1
    %and3A_28 = arith.andi %ne3A_27, %ne3A_23 : i1
    %add3A_29 = arith.addi %rem3A_21, %select_n3A_20 : i32
    %select_n3A_30 = arith.select %and3A_28, %add3A_29, %rem3A_21 : i32
    %mul3A_31 = arith.constant 2048 : i32
    %mul3A_32 = arith.muli %select_n3A, %mul3A_31 : i32
    %mul3A_33 = arith.constant 1024 : i32
    %mul3A_34 = arith.muli %select_n3A_30, %mul3A_33 : i32
    %add3A_35 = arith.addi %mul3A_32, %mul3A_34 : i32
    %eq3A_36 = arith.constant 0 : i32
    %eq3A_37 = arith.cmpi eq, %select_n3A_30, %eq3A_36 : i32
    %convert_element_type3A = arith.extui %eq3A_37 : i1 to i32
    %cond3A = arith.constant 0 : i32
    %cond3A_38 = arith.cmpi ne, %convert_element_type3A, %cond3A : i32
    scf.if %cond3A_38 {
      %mul3A_164 = arith.constant 2048 : i32
      %mul3A_165 = arith.muli %select_n3A, %mul3A_164 : i32
      %dma_start3A_166 = arith.constant 0 : i32
      %dma_start3A_167 = tpu.memref_slice %arg2[%mul3A_165, %dma_start3A_166] : memref<32768x1024xf32, #tpu.memory_space<hbm>> -> memref<1x1024xf32, #tpu.memory_space<hbm>>
      %dma_start3A_168 = arith.constant 0 : i32
      %dma_start3A_169 = tpu.memref_slice %arg2[%mul3A_165, %dma_start3A_168] : memref<32768x1024xf32, #tpu.memory_space<hbm>> -> memref<1x1024xf32, #tpu.memory_space<hbm>>
      tpu.enqueue_dma source(%dma_start3A_169 : memref<1x1024xf32, #tpu.memory_space<hbm>>) target(%arg7 : memref<1x1024xf32, #tpu.memory_space<vmem>>) target_semaphore(%arg9 : memref<!tpu.dma_semaphore, #tpu.memory_space<semaphore_mem>>)
    } else {
    }
    %eq3A_39 = arith.constant 1 : i32
    %eq3A_40 = arith.cmpi eq, %select_n3A_30, %eq3A_39 : i32
    %convert_element_type3A_41 = arith.extui %eq3A_40 : i1 to i32
    %cond3A_42 = arith.constant 0 : i32
    %cond3A_43 = arith.cmpi ne, %convert_element_type3A_41, %cond3A_42 : i32
    scf.if %cond3A_43 {
      %dma_start3A_164 = arith.constant 0 : i32
      %dma_start3A_165 = tpu.memref_slice %arg3[%select_n3A, %dma_start3A_164] : memref<16x1024xf32, #tpu.memory_space<hbm>> -> memref<1x1024xf32, #tpu.memory_space<hbm>>
      %dma_start3A_166 = arith.constant 0 : i32
      %dma_start3A_167 = tpu.memref_slice %arg3[%select_n3A, %dma_start3A_166] : memref<16x1024xf32, #tpu.memory_space<hbm>> -> memref<1x1024xf32, #tpu.memory_space<hbm>>
      tpu.enqueue_dma source(%dma_start3A_167 : memref<1x1024xf32, #tpu.memory_space<hbm>>) target(%arg7 : memref<1x1024xf32, #tpu.memory_space<vmem>>) target_semaphore(%arg9 : memref<!tpu.dma_semaphore, #tpu.memory_space<semaphore_mem>>)
    } else {
    }
    %add3A_44 = arith.constant 0 : i32
    %add3A_45 = arith.addi %add3A_35, %add3A_44 : i32
    %add3A_46 = arith.constant 1 : i32
    %add3A_47 = arith.addi %add3A_45, %add3A_46 : i32
    %iota3A = tpu.iota {dimensions = array<i32: 0>} : vector<16xi32>
    %add3A_48 = arith.constant 0 : i32
    %add3A_49 = arith.addi %add3A_47, %add3A_48 : i32
    %add3A_50 = vector.broadcast %add3A_49 : i32 to vector<16xi32>
    %add3A_51 = arith.addi %iota3A, %add3A_50 : vector<16xi32>
    %min3A = arith.constant 32767 : i32
    %min3A_52 = vector.broadcast %min3A : i32 to vector<16xi32>
    %min3A_53 = arith.minsi %add3A_51, %min3A_52 : vector<16xi32>
    %swap3A = arith.constant 0 : i32
    %swap3A_54 = arith.index_cast %swap3A : i32 to index
    %swap3A_55 = arith.constant 0 : index
    %swap3A_56 = tpu.vector_load %arg6[%swap3A_54, %swap3A_55] {strides = array<i32>} : memref<6x16xi32, #tpu.memory_space<vmem>>, vector<1x16xi32>,
    %swap3A_57 = vector.shape_cast %swap3A_56 : vector<1x16xi32> to vector<16xi32>
    %swap3A_58 = vector.shape_cast %min3A_53 : vector<16xi32> to vector<1x16xi32>
    tpu.vector_store %arg6[%swap3A_54, %swap3A_55], %swap3A_58 {strides = array<i32>} : memref<6x16xi32, #tpu.memory_space<vmem>>, vector<1x16xi32>,
    %dma_start3A = arith.constant 0 : i32
    %dma_start3A_59 = arith.constant 0 : i32
    %dma_start3A_60 = arith.constant 0 : i32
    %dma_start3A_61 = tpu.memref_slice %arg5[%dma_start3A_59, %dma_start3A_60] : memref<96x1024xf32, #tpu.memory_space<vmem>> -> memref<16x1024xf32, #tpu.memory_space<vmem>>
    %dma_start3A_62 = arith.constant 0 : i32
    %dma_start3A_63 = tpu.memref_slice %arg6[%dma_start3A, %dma_start3A_62] : memref<6x16xi32, #tpu.memory_space<vmem>> -> memref<1x16xi32, #tpu.memory_space<vmem>>
    %dma_start3A_64 = tpu.memref_squeeze %dma_start3A_63 : memref<1x16xi32, #tpu.memory_space<vmem>> -> memref<16xi32, #tpu.memory_space<vmem>>
    %dma_start3A_65 = arith.constant 0 : i32
    %dma_start3A_66 = arith.constant 0 : i32
    %dma_start3A_67 = tpu.memref_slice %arg2[%dma_start3A_65, %dma_start3A_66] : memref<32768x1024xf32, #tpu.memory_space<hbm>> -> memref<32768x1024xf32, #tpu.memory_space<hbm>>
    tpu.enqueue_indirect_dma source(%dma_start3A_67 : memref<32768x1024xf32, #tpu.memory_space<hbm>>) target(%dma_start3A_61 : memref<16x1024xf32, #tpu.memory_space<vmem>>) offsets(%dma_start3A_64 : memref<16xi32, #tpu.memory_space<vmem>>) semaphore(%arg8 : memref<!tpu.dma_semaphore, #tpu.memory_space<semaphore_mem>>)
    %add3A_68 = arith.constant 16 : i32
    %add3A_69 = arith.addi %add3A_35, %add3A_68 : i32
    %add3A_70 = arith.constant 1 : i32
    %add3A_71 = arith.addi %add3A_69, %add3A_70 : i32
    %iota3A_72 = tpu.iota {dimensions = array<i32: 0>} : vector<16xi32>
    %add3A_73 = arith.constant 0 : i32
    %add3A_74 = arith.addi %add3A_71, %add3A_73 : i32
    %add3A_75 = vector.broadcast %add3A_74 : i32 to vector<16xi32>
    %add3A_76 = arith.addi %iota3A_72, %add3A_75 : vector<16xi32>
    %min3A_77 = arith.constant 32767 : i32
    %min3A_78 = vector.broadcast %min3A_77 : i32 to vector<16xi32>
    %min3A_79 = arith.minsi %add3A_76, %min3A_78 : vector<16xi32>
    %swap3A_80 = arith.constant 1 : i32
    %swap3A_81 = arith.index_cast %swap3A_80 : i32 to index
    %swap3A_82 = arith.constant 0 : index
    %swap3A_83 = tpu.vector_load %arg6[%swap3A_81, %swap3A_82] {strides = array<i32>} : memref<6x16xi32, #tpu.memory_space<vmem>>, vector<1x16xi32>,
    %swap3A_84 = vector.shape_cast %swap3A_83 : vector<1x16xi32> to vector<16xi32>
    %swap3A_85 = vector.shape_cast %min3A_79 : vector<16xi32> to vector<1x16xi32>
    tpu.vector_store %arg6[%swap3A_81, %swap3A_82], %swap3A_85 {strides = array<i32>} : memref<6x16xi32, #tpu.memory_space<vmem>>, vector<1x16xi32>,
    %dma_start3A_86 = arith.constant 1 : i32
    %dma_start3A_87 = arith.constant 16 : i32
    %dma_start3A_88 = arith.constant 0 : i32
    %dma_start3A_89 = tpu.memref_slice %arg5[%dma_start3A_87, %dma_start3A_88] : memref<96x1024xf32, #tpu.memory_space<vmem>> -> memref<16x1024xf32, #tpu.memory_space<vmem>>
    %dma_start3A_90 = arith.constant 0 : i32
    %dma_start3A_91 = tpu.memref_slice %arg6[%dma_start3A_86, %dma_start3A_90] : memref<6x16xi32, #tpu.memory_space<vmem>> -> memref<1x16xi32, #tpu.memory_space<vmem>>
    %dma_start3A_92 = tpu.memref_squeeze %dma_start3A_91 : memref<1x16xi32, #tpu.memory_space<vmem>> -> memref<16xi32, #tpu.memory_space<vmem>>
    %dma_start3A_93 = arith.constant 0 : i32
    %dma_start3A_94 = arith.constant 0 : i32
    %dma_start3A_95 = tpu.memref_slice %arg2[%dma_start3A_93, %dma_start3A_94] : memref<32768x1024xf32, #tpu.memory_space<hbm>> -> memref<32768x1024xf32, #tpu.memory_space<hbm>>
    tpu.enqueue_indirect_dma source(%dma_start3A_95 : memref<32768x1024xf32, #tpu.memory_space<hbm>>) target(%dma_start3A_89 : memref<16x1024xf32, #tpu.memory_space<vmem>>) offsets(%dma_start3A_92 : memref<16xi32, #tpu.memory_space<vmem>>) semaphore(%arg8 : memref<!tpu.dma_semaphore, #tpu.memory_space<semaphore_mem>>)
    %dma_wait3A = arith.constant 0 : i32
    %dma_wait3A_96 = tpu.memref_slice %arg3[%select_n3A, %dma_wait3A] : memref<16x1024xf32, #tpu.memory_space<hbm>> -> memref<1x1024xf32, #tpu.memory_space<hbm>>
    %dma_wait3A_97 = arith.constant 0 : i32
    %dma_wait3A_98 = tpu.memref_slice %arg3[%select_n3A, %dma_wait3A_97] : memref<16x1024xf32, #tpu.memory_space<hbm>> -> memref<1x1024xf32, #tpu.memory_space<hbm>>
    tpu.wait_dma2 semaphore(%arg9 : memref<!tpu.dma_semaphore, #tpu.memory_space<semaphore_mem>>) src(%dma_wait3A_98 : memref<1x1024xf32, #tpu.memory_space<hbm>>) dst(%arg7 : memref<1x1024xf32, #tpu.memory_space<vmem>>)
    %scan3A = arith.constant 0 : i32
    %scan3A_99 = arith.constant 0 : i32
    %scan3A_100 = arith.constant 64 : i32
    %scan3A_101 = arith.addi %scan3A_99, %scan3A_100 : i32
    %scan3A_102 = arith.constant 1 : i32
    scf.for %scan3A_164 = %scan3A_99 to %scan3A_101 step %scan3A_102  : i32 {
      %jit3A_165 = arith.constant 6 : i32
      %eq3A_166 = arith.constant 0 : i32
      %eq3A_167 = arith.cmpi eq, %jit3A_165, %eq3A_166 : i32
      %jit3A_168 = arith.constant 1 : i32
      %select_n3A_169 = arith.select %eq3A_167, %jit3A_168, %jit3A_165 : i32
      %rem3A_170 = arith.remsi %scan3A_164, %select_n3A_169 : i32
      %ne3A_171 = arith.constant 0 : i32
      %ne3A_172 = arith.cmpi ne, %rem3A_170, %ne3A_171 : i32
      %lt3A_173 = arith.constant 0 : i32
      %lt3A_174 = arith.cmpi slt, %rem3A_170, %lt3A_173 : i32
      %lt3A_175 = arith.constant 0 : i32
      %lt3A_176 = arith.cmpi slt, %select_n3A_169, %lt3A_175 : i32
      %ne3A_177 = arith.xori %lt3A_174, %lt3A_176 : i1
      %and3A_178 = arith.andi %ne3A_177, %ne3A_172 : i1
      %add3A_179 = arith.addi %rem3A_170, %select_n3A_169 : i32
      %select_n3A_180 = arith.select %and3A_178, %add3A_179, %rem3A_170 : i32
      %add3A_181 = arith.constant 2 : i32
      %add3A_182 = arith.addi %scan3A_164, %add3A_181 : i32
      %lt3A_183 = arith.constant 64 : i32
      %lt3A_184 = arith.cmpi slt, %add3A_182, %lt3A_183 : i32
      %convert_element_type3A_185 = arith.extui %lt3A_184 : i1 to i32
      %cond3A_186 = arith.constant 0 : i32
      %cond3A_187 = arith.cmpi ne, %convert_element_type3A_185, %cond3A_186 : i32
      scf.if %cond3A_187 {
        %ge3A = arith.constant 4 : i32
        %ge3A_259 = arith.cmpi sge, %scan3A_164, %ge3A : i32
        %convert_element_type3A_260 = arith.extui %ge3A_259 : i1 to i32
        %cond3A_261 = arith.constant 0 : i32
        %cond3A_262 = arith.cmpi ne, %convert_element_type3A_260, %cond3A_261 : i32
        scf.if %cond3A_262 {
          %dma_wait3A_327 = arith.constant 0 : i32
          %dma_wait3A_328 = arith.constant 0 : i32
          %dma_wait3A_329 = tpu.memref_slice %arg5[%dma_wait3A_327, %dma_wait3A_328] : memref<96x1024xf32, #tpu.memory_space<vmem>> -> memref<16x1024xf32, #tpu.memory_space<vmem>>
          %dma_wait3A_330 = arith.constant 0 : i32
          %dma_wait3A_331 = tpu.memref_slice %arg4[%add3A_35, %dma_wait3A_330] : memref<32768x1024xf32, #tpu.memory_space<hbm>> -> memref<16x1024xf32, #tpu.memory_space<hbm>>
          %dma_wait3A_332 = arith.constant 0 : i32
          %dma_wait3A_333 = tpu.memref_slice %arg4[%add3A_35, %dma_wait3A_332] : memref<32768x1024xf32, #tpu.memory_space<hbm>> -> memref<16x1024xf32, #tpu.memory_space<hbm>>
          %dma_wait3A_334 = arith.constant 0 : i32
          %dma_wait3A_335 = arith.constant 0 : i32
          %dma_wait3A_336 = tpu.memref_slice %arg5[%dma_wait3A_334, %dma_wait3A_335] : memref<96x1024xf32, #tpu.memory_space<vmem>> -> memref<16x1024xf32, #tpu.memory_space<vmem>>
          tpu.wait_dma2 semaphore(%arg10 : memref<!tpu.dma_semaphore, #tpu.memory_space<semaphore_mem>>) src(%dma_wait3A_336 : memref<16x1024xf32, #tpu.memory_space<vmem>>) dst(%dma_wait3A_333 : memref<16x1024xf32, #tpu.memory_space<hbm>>)
        } else {
        }
        %add3A_263 = arith.constant 2 : i32
        %add3A_264 = arith.addi %scan3A_164, %add3A_263 : i32
        %jit3A_265 = arith.constant 6 : i32
        %eq3A_266 = arith.constant 0 : i32
        %eq3A_267 = arith.cmpi eq, %jit3A_265, %eq3A_266 : i32
        %jit3A_268 = arith.constant 1 : i32
        %select_n3A_269 = arith.select %eq3A_267, %jit3A_268, %jit3A_265 : i32
        %rem3A_270 = arith.remsi %add3A_264, %select_n3A_269 : i32
        %ne3A_271 = arith.constant 0 : i32
        %ne3A_272 = arith.cmpi ne, %rem3A_270, %ne3A_271 : i32
        %lt3A_273 = arith.constant 0 : i32
        %lt3A_274 = arith.cmpi slt, %rem3A_270, %lt3A_273 : i32
        %lt3A_275 = arith.constant 0 : i32
        %lt3A_276 = arith.cmpi slt, %select_n3A_269, %lt3A_275 : i32
        %ne3A_277 = arith.xori %lt3A_274, %lt3A_276 : i1
        %and3A_278 = arith.andi %ne3A_277, %ne3A_272 : i1
        %add3A_279 = arith.addi %rem3A_270, %select_n3A_269 : i32
        %select_n3A_280 = arith.select %and3A_278, %add3A_279, %rem3A_270 : i32
        %mul3A_281 = arith.constant 16 : i32
        %mul3A_282 = arith.muli %add3A_264, %mul3A_281 : i32
        %add3A_283 = arith.addi %add3A_35, %mul3A_282 : i32
        %add3A_284 = arith.constant 1 : i32
        %add3A_285 = arith.addi %add3A_283, %add3A_284 : i32
        %iota3A_286 = tpu.iota {dimensions = array<i32: 0>} : vector<16xi32>
        %add3A_287 = arith.constant 0 : i32
        %add3A_288 = arith.addi %add3A_285, %add3A_287 : i32
        %add3A_289 = vector.broadcast %add3A_288 : i32 to vector<16xi32>
        %add3A_290 = arith.addi %iota3A_286, %add3A_289 : vector<16xi32>
        %min3A_291 = arith.constant 32767 : i32
        %min3A_292 = vector.broadcast %min3A_291 : i32 to vector<16xi32>
        %min3A_293 = arith.minsi %add3A_290, %min3A_292 : vector<16xi32>
        %swap3A_294 = arith.index_cast %select_n3A_280 : i32 to index
        %swap3A_295 = arith.constant 0 : index
        %swap3A_296 = tpu.vector_load %arg6[%swap3A_294, %swap3A_295] {strides = array<i32>} : memref<6x16xi32, #tpu.memory_space<vmem>>, vector<1x16xi32>,
        %swap3A_297 = vector.shape_cast %swap3A_296 : vector<1x16xi32> to vector<16xi32>
        %swap3A_298 = vector.shape_cast %min3A_293 : vector<16xi32> to vector<1x16xi32>
        tpu.vector_store %arg6[%swap3A_294, %swap3A_295], %swap3A_298 {strides = array<i32>} : memref<6x16xi32, #tpu.memory_space<vmem>>, vector<1x16xi32>,
        %add3A_299 = arith.constant 2 : i32
        %add3A_300 = arith.addi %scan3A_164, %add3A_299 : i32
        %jit3A_301 = arith.constant 6 : i32
        %eq3A_302 = arith.constant 0 : i32
        %eq3A_303 = arith.cmpi eq, %jit3A_301, %eq3A_302 : i32
        %jit3A_304 = arith.constant 1 : i32
        %select_n3A_305 = arith.select %eq3A_303, %jit3A_304, %jit3A_301 : i32
        %rem3A_306 = arith.remsi %add3A_300, %select_n3A_305 : i32
        %ne3A_307 = arith.constant 0 : i32
        %ne3A_308 = arith.cmpi ne, %rem3A_306, %ne3A_307 : i32
        %lt3A_309 = arith.constant 0 : i32
        %lt3A_310 = arith.cmpi slt, %rem3A_306, %lt3A_309 : i32
        %lt3A_311 = arith.constant 0 : i32
        %lt3A_312 = arith.cmpi slt, %select_n3A_305, %lt3A_311 : i32
        %ne3A_313 = arith.xori %lt3A_310, %lt3A_312 : i1
        %and3A_314 = arith.andi %ne3A_313, %ne3A_308 : i1
        %add3A_315 = arith.addi %rem3A_306, %select_n3A_305 : i32
        %select_n3A_316 = arith.select %and3A_314, %add3A_315, %rem3A_306 : i32
        %mul3A_317 = arith.constant 16 : i32
        %mul3A_318 = arith.muli %select_n3A_316, %mul3A_317 : i32
        %dma_start3A_319 = arith.constant 0 : i32
        %dma_start3A_320 = tpu.memref_slice %arg5[%mul3A_318, %dma_start3A_319] : memref<96x1024xf32, #tpu.memory_space<vmem>> -> memref<16x1024xf32, #tpu.memory_space<vmem>>
        %dma_start3A_321 = arith.constant 0 : i32
        %dma_start3A_322 = tpu.memref_slice %arg6[%select_n3A_316, %dma_start3A_321] : memref<6x16xi32, #tpu.memory_space<vmem>> -> memref<1x16xi32, #tpu.memory_space<vmem>>
        %dma_start3A_323 = tpu.memref_squeeze %dma_start3A_322 : memref<1x16xi32, #tpu.memory_space<vmem>> -> memref<16xi32, #tpu.memory_space<vmem>>
        %dma_start3A_324 = arith.constant 0 : i32
        %dma_start3A_325 = arith.constant 0 : i32
        %dma_start3A_326 = tpu.memref_slice %arg2[%dma_start3A_324, %dma_start3A_325] : memref<32768x1024xf32, #tpu.memory_space<hbm>> -> memref<32768x1024xf32, #tpu.memory_space<hbm>>
        tpu.enqueue_indirect_dma source(%dma_start3A_326 : memref<32768x1024xf32, #tpu.memory_space<hbm>>) target(%dma_start3A_320 : memref<16x1024xf32, #tpu.memory_space<vmem>>) offsets(%dma_start3A_323 : memref<16xi32, #tpu.memory_space<vmem>>) semaphore(%arg8 : memref<!tpu.dma_semaphore, #tpu.memory_space<semaphore_mem>>)
      } else {
      }
      %jit3A_188 = arith.constant 6 : i32
      %eq3A_189 = arith.constant 0 : i32
      %eq3A_190 = arith.cmpi eq, %jit3A_188, %eq3A_189 : i32
      %jit3A_191 = arith.constant 1 : i32
      %select_n3A_192 = arith.select %eq3A_190, %jit3A_191, %jit3A_188 : i32
      %rem3A_193 = arith.remsi %scan3A_164, %select_n3A_192 : i32
      %ne3A_194 = arith.constant 0 : i32
      %ne3A_195 = arith.cmpi ne, %rem3A_193, %ne3A_194 : i32
      %lt3A_196 = arith.constant 0 : i32
      %lt3A_197 = arith.cmpi slt, %rem3A_193, %lt3A_196 : i32
      %lt3A_198 = arith.constant 0 : i32
      %lt3A_199 = arith.cmpi slt, %select_n3A_192, %lt3A_198 : i32
      %ne3A_200 = arith.xori %lt3A_197, %lt3A_199 : i1
      %and3A_201 = arith.andi %ne3A_200, %ne3A_195 : i1
      %add3A_202 = arith.addi %rem3A_193, %select_n3A_192 : i32
      %select_n3A_203 = arith.select %and3A_201, %add3A_202, %rem3A_193 : i32
      %mul3A_204 = arith.constant 16 : i32
      %mul3A_205 = arith.muli %select_n3A_203, %mul3A_204 : i32
      %dma_wait3A_206 = arith.constant 0 : i32
      %dma_wait3A_207 = tpu.memref_slice %arg5[%mul3A_205, %dma_wait3A_206] : memref<96x1024xf32, #tpu.memory_space<vmem>> -> memref<16x1024xf32, #tpu.memory_space<vmem>>
      %dma_wait3A_208 = arith.constant 0 : i32
      %dma_wait3A_209 = tpu.memref_slice %arg6[%select_n3A_203, %dma_wait3A_208] : memref<6x16xi32, #tpu.memory_space<vmem>> -> memref<1x16xi32, #tpu.memory_space<vmem>>
      %dma_wait3A_210 = tpu.memref_squeeze %dma_wait3A_209 : memref<1x16xi32, #tpu.memory_space<vmem>> -> memref<16xi32, #tpu.memory_space<vmem>>
      %dma_wait3A_211 = arith.constant 0 : i32
      %dma_wait3A_212 = arith.constant 0 : i32
      %dma_wait3A_213 = tpu.memref_slice %arg2[%dma_wait3A_211, %dma_wait3A_212] : memref<32768x1024xf32, #tpu.memory_space<hbm>> -> memref<32768x1024xf32, #tpu.memory_space<hbm>>
      tpu.wait_indirect_dma semaphore(%arg8 : memref<!tpu.dma_semaphore, #tpu.memory_space<semaphore_mem>>) src(%dma_wait3A_213 : memref<32768x1024xf32, #tpu.memory_space<hbm>>) dst(%dma_wait3A_207 : memref<16x1024xf32, #tpu.memory_space<vmem>>)
      %eq3A_214 = arith.constant 0 : i32
      %eq3A_215 = arith.cmpi eq, %scan3A_164, %eq3A_214 : i32
      %eq3A_216 = arith.constant 0 : i32
      %eq3A_217 = arith.cmpi eq, %select_n3A_30, %eq3A_216 : i32
      %and3A_218 = arith.andi %eq3A_215, %eq3A_217 : i1
      %convert_element_type3A_219 = arith.extui %and3A_218 : i1 to i32
      %cond3A_220 = arith.constant 0 : i32
      %cond3A_221 = arith.cmpi ne, %convert_element_type3A_219, %cond3A_220 : i32
      scf.if %cond3A_221 {
        %get3A = arith.constant 0 : i32
        %get3A_259 = arith.index_cast %get3A : i32 to index
        %get3A_260 = arith.constant 0 : index
        %get3A_261 = tpu.vector_load %arg7[%get3A_259, %get3A_260] {strides = array<i32>} : memref<1x1024xf32, #tpu.memory_space<vmem>>, vector<1x16xf32>,
        %get3A_262 = vector.shape_cast %get3A_261 : vector<1x16xf32> to vector<16xf32>
        %get3A_263 = arith.constant 0 : i32
        %get3A_264 = arith.index_cast %get3A_263 : i32 to index
        %get3A_265 = arith.constant 0 : index
        %get3A_266 = tpu.vector_load %arg5[%get3A_264, %get3A_265] {strides = array<i32>} : memref<96x1024xf32, #tpu.memory_space<vmem>>, vector<1x16xf32>,
        %get3A_267 = vector.shape_cast %get3A_266 : vector<1x16xf32> to vector<16xf32>
        %add3A_268 = arith.addf %get3A_262, %get3A_267 : vector<16xf32>
        %mul3A_269 = arith.constant 5.000000e-01 : f32
        %mul3A_270 = vector.broadcast %mul3A_269 : f32 to vector<16xf32>
        %mul3A_271 = arith.mulf %mul3A_270, %add3A_268 : vector<16xf32>
        %swap3A_272 = arith.constant 0 : i32
        %swap3A_273 = arith.index_cast %swap3A_272 : i32 to index
        %swap3A_274 = arith.constant 0 : index
        %swap3A_275 = tpu.vector_load %arg5[%swap3A_273, %swap3A_274] {strides = array<i32>} : memref<96x1024xf32, #tpu.memory_space<vmem>>, vector<1x16xf32>,
        %swap3A_276 = vector.shape_cast %swap3A_275 : vector<1x16xf32> to vector<16xf32>
        %swap3A_277 = vector.shape_cast %mul3A_271 : vector<16xf32> to vector<1x16xf32>
        tpu.vector_store %arg5[%swap3A_273, %swap3A_274], %swap3A_277 {strides = array<i32>} : memref<96x1024xf32, #tpu.memory_space<vmem>>, vector<1x16xf32>,
        %get3A_278 = arith.constant 0 : i32
        %get3A_279 = arith.index_cast %get3A_278 : i32 to index
        %get3A_280 = arith.constant 16 : index
        %get3A_281 = tpu.vector_load %arg7[%get3A_279, %get3A_280] {strides = array<i32>} : memref<1x1024xf32, #tpu.memory_space<vmem>>, vector<1x16xf32>,
        %get3A_282 = vector.shape_cast %get3A_281 : vector<1x16xf32> to vector<16xf32>
        %get3A_283 = arith.constant 0 : i32
        %get3A_284 = arith.index_cast %get3A_283 : i32 to index
        %get3A_285 = arith.constant 16 : index
        %get3A_286 = tpu.vector_load %arg5[%get3A_284, %get3A_285] {strides = array<i32>} : memref<96x1024xf32, #tpu.memory_space<vmem>>, vector<1x16xf32>,
        %get3A_287 = vector.shape_cast %get3A_286 : vector<1x16xf32> to vector<16xf32>
        %add3A_288 = arith.addf %get3A_282, %get3A_287 : vector<16xf32>
        %mul3A_289 = arith.constant 5.000000e-01 : f32
        %mul3A_290 = vector.broadcast %mul3A_289 : f32 to vector<16xf32>
        %mul3A_291 = arith.mulf %mul3A_290, %add3A_288 : vector<16xf32>
        %swap3A_292 = arith.constant 0 : i32
        %swap3A_293 = arith.index_cast %swap3A_292 : i32 to index
        %swap3A_294 = arith.constant 16 : index
        %swap3A_295 = tpu.vector_load %arg5[%swap3A_293, %swap3A_294] {strides = array<i32>} : memref<96x1024xf32, #tpu.memory_space<vmem>>, vector<1x16xf32>,
        %swap3A_296 = vector.shape_cast %swap3A_295 : vector<1x16xf32> to vector<16xf32>
        %swap3A_297 = vector.shape_cast %mul3A_291 : vector<16xf32> to vector<1x16xf32>
        tpu.vector_store %arg5[%swap3A_293, %swap3A_294], %swap3A_297 {strides = array<i32>} : memref<96x1024xf32, #tpu.memory_space<vmem>>, vector<1x16xf32>,
        %get3A_298 = arith.constant 0 : i32
        %get3A_299 = arith.index_cast %get3A_298 : i32 to index
        %get3A_300 = arith.constant 32 : index
        %get3A_301 = tpu.vector_load %arg7[%get3A_299, %get3A_300] {strides = array<i32>} : memref<1x1024xf32, #tpu.memory_space<vmem>>, vector<1x16xf32>,
        %get3A_302 = vector.shape_cast %get3A_301 : vector<1x16xf32> to vector<16xf32>
        %get3A_303 = arith.constant 0 : i32
        %get3A_304 = arith.index_cast %get3A_303 : i32 to index
        %get3A_305 = arith.constant 32 : index
        %get3A_306 = tpu.vector_load %arg5[%get3A_304, %get3A_305] {strides = array<i32>} : memref<96x1024xf32, #tpu.memory_space<vmem>>, vector<1x16xf32>,
        %get3A_307 = vector.shape_cast %get3A_306 : vector<1x16xf32> to vector<16xf32>
        %add3A_308 = arith.addf %get3A_302, %get3A_307 : vector<16xf32>
        %mul3A_309 = arith.constant 5.000000e-01 : f32
        %mul3A_310 = vector.broadcast %mul3A_309 : f32 to vector<16xf32>
        %mul3A_311 = arith.mulf %mul3A_310, %add3A_308 : vector<16xf32>
        %swap3A_312 = arith.constant 0 : i32
        %swap3A_313 = arith.index_cast %swap3A_312 : i32 to index
        %swap3A_314 = arith.constant 32 : index
        %swap3A_315 = tpu.vector_load %arg5[%swap3A_313, %swap3A_314] {strides = array<i32>} : memref<96x1024xf32, #tpu.memory_space<vmem>>, vector<1x16xf32>,
        %swap3A_316 = vector.shape_cast %swap3A_315 : vector<1x16xf32> to vector<16xf32>
        %swap3A_317 = vector.shape_cast %mul3A_311 : vector<16xf32> to vector<1x16xf32>
        tpu.vector_store %arg5[%swap3A_313, %swap3A_314], %swap3A_317 {strides = array<i32>} : memref<96x1024xf32, #tpu.memory_space<vmem>>, vector<1x16xf32>,
        %get3A_318 = arith.constant 0 : i32
        %get3A_319 = arith.index_cast %get3A_318 : i32 to index
        %get3A_320 = arith.constant 48 : index
        %get3A_321 = tpu.vector_load %arg7[%get3A_319, %get3A_320] {strides = array<i32>} : memref<1x1024xf32, #tpu.memory_space<vmem>>, vector<1x16xf32>,
        %get3A_322 = vector.shape_cast %get3A_321 : vector<1x16xf32> to vector<16xf32>
        %get3A_323 = arith.constant 0 : i32
        %get3A_324 = arith.index_cast %get3A_323 : i32 to index
        %get3A_325 = arith.constant 48 : index
        %get3A_326 = tpu.vector_load %arg5[%get3A_324, %get3A_325] {strides = array<i32>} : memref<96x1024xf32, #tpu.memory_space<vmem>>, vector<1x16xf32>,
        %get3A_327 = vector.shape_cast %get3A_326 : vector<1x16xf32> to vector<16xf32>
        %add3A_328 = arith.addf %get3A_322, %get3A_327 : vector<16xf32>
        %mul3A_329 = arith.constant 5.000000e-01 : f32
        %mul3A_330 = vector.broadcast %mul3A_329 : f32 to vector<16xf32>
        %mul3A_331 = arith.mulf %mul3A_330, %add3A_328 : vector<16xf32>
        %swap3A_332 = arith.constant 0 : i32
        %swap3A_333 = arith.index_cast %swap3A_332 : i32 to index
        %swap3A_334 = arith.constant 48 : index
        %swap3A_335 = tpu.vector_load %arg5[%swap3A_333, %swap3A_334] {strides = array<i32>} : memref<96x1024xf32, #tpu.memory_space<vmem>>, vector<1x16xf32>,
        %swap3A_336 = vector.shape_cast %swap3A_335 : vector<1x16xf32> to vector<16xf32>
        %swap3A_337 = vector.shape_cast %mul3A_331 : vector<16xf32> to vector<1x16xf32>
        tpu.vector_store %arg5[%swap3A_333, %swap3A_334], %swap3A_337 {strides = array<i32>} : memref<96x1024xf32, #tpu.memory_space<vmem>>, vector<1x16xf32>,
        %get3A_338 = arith.constant 0 : i32
        %get3A_339 = arith.index_cast %get3A_338 : i32 to index
        %get3A_340 = arith.constant 64 : index
        %get3A_341 = tpu.vector_load %arg7[%get3A_339, %get3A_340] {strides = array<i32>} : memref<1x1024xf32, #tpu.memory_space<vmem>>, vector<1x16xf32>,
        %get3A_342 = vector.shape_cast %get3A_341 : vector<1x16xf32> to vector<16xf32>
        %get3A_343 = arith.constant 0 : i32
        %get3A_344 = arith.index_cast %get3A_343 : i32 to index
        %get3A_345 = arith.constant 64 : index
        %get3A_346 = tpu.vector_load %arg5[%get3A_344, %get3A_345] {strides = array<i32>} : memref<96x1024xf32, #tpu.memory_space<vmem>>, vector<1x16xf32>,
        %get3A_347 = vector.shape_cast %get3A_346 : vector<1x16xf32> to vector<16xf32>
        %add3A_348 = arith.addf %get3A_342, %get3A_347 : vector<16xf32>
        %mul3A_349 = arith.constant 5.000000e-01 : f32
        %mul3A_350 = vector.broadcast %mul3A_349 : f32 to vector<16xf32>
        %mul3A_351 = arith.mulf %mul3A_350, %add3A_348 : vector<16xf32>
        %swap3A_352 = arith.constant 0 : i32
        %swap3A_353 = arith.index_cast %swap3A_352 : i32 to index
        %swap3A_354 = arith.constant 64 : index
        %swap3A_355 = tpu.vector_load %arg5[%swap3A_353, %swap3A_354] {strides = array<i32>} : memref<96x1024xf32, #tpu.memory_space<vmem>>, vector<1x16xf32>,
        %swap3A_356 = vector.shape_cast %swap3A_355 : vector<1x16xf32> to vector<16xf32>
        %swap3A_357 = vector.shape_cast %mul3A_351 : vector<16xf32> to vector<1x16xf32>
        tpu.vector_store %arg5[%swap3A_353, %swap3A_354], %swap3A_357 {strides = array<i32>} : memref<96x1024xf32, #tpu.memory_space<vmem>>, vector<1x16xf32>,
        %get3A_358 = arith.constant 0 : i32
        %get3A_359 = arith.index_cast %get3A_358 : i32 to index
        %get3A_360 = arith.constant 80 : index
        %get3A_361 = tpu.vector_load %arg7[%get3A_359, %get3A_360] {strides = array<i32>} : memref<1x1024xf32, #tpu.memory_space<vmem>>, vector<1x16xf32>,
        %get3A_362 = vector.shape_cast %get3A_361 : vector<1x16xf32> to vector<16xf32>
        %get3A_363 = arith.constant 0 : i32
        %get3A_364 = arith.index_cast %get3A_363 : i32 to index
        %get3A_365 = arith.constant 80 : index
        %get3A_366 = tpu.vector_load %arg5[%get3A_364, %get3A_365] {strides = array<i32>} : memref<96x1024xf32, #tpu.memory_space<vmem>>, vector<1x16xf32>,
        %get3A_367 = vector.shape_cast %get3A_366 : vector<1x16xf32> to vector<16xf32>
        %add3A_368 = arith.addf %get3A_362, %get3A_367 : vector<16xf32>
        %mul3A_369 = arith.constant 5.000000e-01 : f32
        %mul3A_370 = vector.broadcast %mul3A_369 : f32 to vector<16xf32>
        %mul3A_371 = arith.mulf %mul3A_370, %add3A_368 : vector<16xf32>
        %swap3A_372 = arith.constant 0 : i32
        %swap3A_373 = arith.index_cast %swap3A_372 : i32 to index
        %swap3A_374 = arith.constant 80 : index
        %swap3A_375 = tpu.vector_load %arg5[%swap3A_373, %swap3A_374] {strides = array<i32>} : memref<96x1024xf32, #tpu.memory_space<vmem>>, vector<1x16xf32>,
        %swap3A_376 = vector.shape_cast %swap3A_375 : vector<1x16xf32> to vector<16xf32>
        %swap3A_377 = vector.shape_cast %mul3A_371 : vector<16xf32> to vector<1x16xf32>
        tpu.vector_store %arg5[%swap3A_373, %swap3A_374], %swap3A_377 {strides = array<i32>} : memref<96x1024xf32, #tpu.memory_space<vmem>>, vector<1x16xf32>,
        %get3A_378 = arith.constant 0 : i32
        %get3A_379 = arith.index_cast %get3A_378 : i32 to index
        %get3A_380 = arith.constant 96 : index
        %get3A_381 = tpu.vector_load %arg7[%get3A_379, %get3A_380] {strides = array<i32>} : memref<1x1024xf32, #tpu.memory_space<vmem>>, vector<1x16xf32>,
        %get3A_382 = vector.shape_cast %get3A_381 : vector<1x16xf32> to vector<16xf32>
        %get3A_383 = arith.constant 0 : i32
        %get3A_384 = arith.index_cast %get3A_383 : i32 to index
        %get3A_385 = arith.constant 96 : index
        %get3A_386 = tpu.vector_load %arg5[%get3A_384, %get3A_385] {strides = array<i32>} : memref<96x1024xf32, #tpu.memory_space<vmem>>, vector<1x16xf32>,
        %get3A_387 = vector.shape_cast %get3A_386 : vector<1x16xf32> to vector<16xf32>
        %add3A_388 = arith.addf %get3A_382, %get3A_387 : vector<16xf32>
        %mul3A_389 = arith.constant 5.000000e-01 : f32
        %mul3A_390 = vector.broadcast %mul3A_389 : f32 to vector<16xf32>
        %mul3A_391 = arith.mulf %mul3A_390, %add3A_388 : vector<16xf32>
        %swap3A_392 = arith.constant 0 : i32
        %swap3A_393 = arith.index_cast %swap3A_392 : i32 to index
        %swap3A_394 = arith.constant 96 : index
        %swap3A_395 = tpu.vector_load %arg5[%swap3A_393, %swap3A_394] {strides = array<i32>} : memref<96x1024xf32, #tpu.memory_space<vmem>>, vector<1x16xf32>,
        %swap3A_396 = vector.shape_cast %swap3A_395 : vector<1x16xf32> to vector<16xf32>
        %swap3A_397 = vector.shape_cast %mul3A_391 : vector<16xf32> to vector<1x16xf32>
        tpu.vector_store %arg5[%swap3A_393, %swap3A_394], %swap3A_397 {strides = array<i32>} : memref<96x1024xf32, #tpu.memory_space<vmem>>, vector<1x16xf32>,
        %get3A_398 = arith.constant 0 : i32
        %get3A_399 = arith.index_cast %get3A_398 : i32 to index
        %get3A_400 = arith.constant 112 : index
        %get3A_401 = tpu.vector_load %arg7[%get3A_399, %get3A_400] {strides = array<i32>} : memref<1x1024xf32, #tpu.memory_space<vmem>>, vector<1x16xf32>,
        %get3A_402 = vector.shape_cast %get3A_401 : vector<1x16xf32> to vector<16xf32>
        %get3A_403 = arith.constant 0 : i32
        %get3A_404 = arith.index_cast %get3A_403 : i32 to index
        %get3A_405 = arith.constant 112 : index
        %get3A_406 = tpu.vector_load %arg5[%get3A_404, %get3A_405] {strides = array<i32>} : memref<96x1024xf32, #tpu.memory_space<vmem>>, vector<1x16xf32>,
        %get3A_407 = vector.shape_cast %get3A_406 : vector<1x16xf32> to vector<16xf32>
        %add3A_408 = arith.addf %get3A_402, %get3A_407 : vector<16xf32>
        %mul3A_409 = arith.constant 5.000000e-01 : f32
        %mul3A_410 = vector.broadcast %mul3A_409 : f32 to vector<16xf32>
        %mul3A_411 = arith.mulf %mul3A_410, %add3A_408 : vector<16xf32>
        %swap3A_412 = arith.constant 0 : i32
        %swap3A_413 = arith.index_cast %swap3A_412 : i32 to index
        %swap3A_414 = arith.constant 112 : index
        %swap3A_415 = tpu.vector_load %arg5[%swap3A_413, %swap3A_414] {strides = array<i32>} : memref<96x1024xf32, #tpu.memory_space<vmem>>, vector<1x16xf32>,
        %swap3A_416 = vector.shape_cast %swap3A_415 : vector<1x16xf32> to vector<16xf32>
        %swap3A_417 = vector.shape_cast %mul3A_411 : vector<16xf32> to vector<1x16xf32>
        tpu.vector_store %arg5[%swap3A_413, %swap3A_414], %swap3A_417 {strides = array<i32>} : memref<96x1024xf32, #tpu.memory_space<vmem>>, vector<1x16xf32>,
        %get3A_418 = arith.constant 0 : i32
        %get3A_419 = arith.index_cast %get3A_418 : i32 to index
        %get3A_420 = arith.constant 128 : index
        %get3A_421 = tpu.vector_load %arg7[%get3A_419, %get3A_420] {strides = array<i32>} : memref<1x1024xf32, #tpu.memory_space<vmem>>, vector<1x16xf32>,
        %get3A_422 = vector.shape_cast %get3A_421 : vector<1x16xf32> to vector<16xf32>
        %get3A_423 = arith.constant 0 : i32
        %get3A_424 = arith.index_cast %get3A_423 : i32 to index
        %get3A_425 = arith.constant 128 : index
        %get3A_426 = tpu.vector_load %arg5[%get3A_424, %get3A_425] {strides = array<i32>} : memref<96x1024xf32, #tpu.memory_space<vmem>>, vector<1x16xf32>,
        %get3A_427 = vector.shape_cast %get3A_426 : vector<1x16xf32> to vector<16xf32>
        %add3A_428 = arith.addf %get3A_422, %get3A_427 : vector<16xf32>
        %mul3A_429 = arith.constant 5.000000e-01 : f32
        %mul3A_430 = vector.broadcast %mul3A_429 : f32 to vector<16xf32>
        %mul3A_431 = arith.mulf %mul3A_430, %add3A_428 : vector<16xf32>
        %swap3A_432 = arith.constant 0 : i32
        %swap3A_433 = arith.index_cast %swap3A_432 : i32 to index
        %swap3A_434 = arith.constant 128 : index
        %swap3A_435 = tpu.vector_load %arg5[%swap3A_433, %swap3A_434] {strides = array<i32>} : memref<96x1024xf32, #tpu.memory_space<vmem>>, vector<1x16xf32>,
        %swap3A_436 = vector.shape_cast %swap3A_435 : vector<1x16xf32> to vector<16xf32>
        %swap3A_437 = vector.shape_cast %mul3A_431 : vector<16xf32> to vector<1x16xf32>
        tpu.vector_store %arg5[%swap3A_433, %swap3A_434], %swap3A_437 {strides = array<i32>} : memref<96x1024xf32, #tpu.memory_space<vmem>>, vector<1x16xf32>,
        %get3A_438 = arith.constant 0 : i32
        %get3A_439 = arith.index_cast %get3A_438 : i32 to index
        %get3A_440 = arith.constant 144 : index
        %get3A_441 = tpu.vector_load %arg7[%get3A_439, %get3A_440] {strides = array<i32>} : memref<1x1024xf32, #tpu.memory_space<vmem>>, vector<1x16xf32>,
        %get3A_442 = vector.shape_cast %get3A_441 : vector<1x16xf32> to vector<16xf32>
        %get3A_443 = arith.constant 0 : i32
        %get3A_444 = arith.index_cast %get3A_443 : i32 to index
        %get3A_445 = arith.constant 144 : index
        %get3A_446 = tpu.vector_load %arg5[%get3A_444, %get3A_445] {strides = array<i32>} : memref<96x1024xf32, #tpu.memory_space<vmem>>, vector<1x16xf32>,
        %get3A_447 = vector.shape_cast %get3A_446 : vector<1x16xf32> to vector<16xf32>
        %add3A_448 = arith.addf %get3A_442, %get3A_447 : vector<16xf32>
        %mul3A_449 = arith.constant 5.000000e-01 : f32
        %mul3A_450 = vector.broadcast %mul3A_449 : f32 to vector<16xf32>
        %mul3A_451 = arith.mulf %mul3A_450, %add3A_448 : vector<16xf32>
        %swap3A_452 = arith.constant 0 : i32
        %swap3A_453 = arith.index_cast %swap3A_452 : i32 to index
        %swap3A_454 = arith.constant 144 : index
        %swap3A_455 = tpu.vector_load %arg5[%swap3A_453, %swap3A_454] {strides = array<i32>} : memref<96x1024xf32, #tpu.memory_space<vmem>>, vector<1x16xf32>,
        %swap3A_456 = vector.shape_cast %swap3A_455 : vector<1x16xf32> to vector<16xf32>
        %swap3A_457 = vector.shape_cast %mul3A_451 : vector<16xf32> to vector<1x16xf32>
        tpu.vector_store %arg5[%swap3A_453, %swap3A_454], %swap3A_457 {strides = array<i32>} : memref<96x1024xf32, #tpu.memory_space<vmem>>, vector<1x16xf32>,
        %get3A_458 = arith.constant 0 : i32
        %get3A_459 = arith.index_cast %get3A_458 : i32 to index
        %get3A_460 = arith.constant 160 : index
        %get3A_461 = tpu.vector_load %arg7[%get3A_459, %get3A_460] {strides = array<i32>} : memref<1x1024xf32, #tpu.memory_space<vmem>>, vector<1x16xf32>,
        %get3A_462 = vector.shape_cast %get3A_461 : vector<1x16xf32> to vector<16xf32>
        %get3A_463 = arith.constant 0 : i32
        %get3A_464 = arith.index_cast %get3A_463 : i32 to index
        %get3A_465 = arith.constant 160 : index
        %get3A_466 = tpu.vector_load %arg5[%get3A_464, %get3A_465] {strides = array<i32>} : memref<96x1024xf32, #tpu.memory_space<vmem>>, vector<1x16xf32>,
        %get3A_467 = vector.shape_cast %get3A_466 : vector<1x16xf32> to vector<16xf32>
        %add3A_468 = arith.addf %get3A_462, %get3A_467 : vector<16xf32>
        %mul3A_469 = arith.constant 5.000000e-01 : f32
        %mul3A_470 = vector.broadcast %mul3A_469 : f32 to vector<16xf32>
        %mul3A_471 = arith.mulf %mul3A_470, %add3A_468 : vector<16xf32>
        %swap3A_472 = arith.constant 0 : i32
        %swap3A_473 = arith.index_cast %swap3A_472 : i32 to index
        %swap3A_474 = arith.constant 160 : index
        %swap3A_475 = tpu.vector_load %arg5[%swap3A_473, %swap3A_474] {strides = array<i32>} : memref<96x1024xf32, #tpu.memory_space<vmem>>, vector<1x16xf32>,
        %swap3A_476 = vector.shape_cast %swap3A_475 : vector<1x16xf32> to vector<16xf32>
        %swap3A_477 = vector.shape_cast %mul3A_471 : vector<16xf32> to vector<1x16xf32>
        tpu.vector_store %arg5[%swap3A_473, %swap3A_474], %swap3A_477 {strides = array<i32>} : memref<96x1024xf32, #tpu.memory_space<vmem>>, vector<1x16xf32>,
        %get3A_478 = arith.constant 0 : i32
        %get3A_479 = arith.index_cast %get3A_478 : i32 to index
        %get3A_480 = arith.constant 176 : index
        %get3A_481 = tpu.vector_load %arg7[%get3A_479, %get3A_480] {strides = array<i32>} : memref<1x1024xf32, #tpu.memory_space<vmem>>, vector<1x16xf32>,
        %get3A_482 = vector.shape_cast %get3A_481 : vector<1x16xf32> to vector<16xf32>
        %get3A_483 = arith.constant 0 : i32
        %get3A_484 = arith.index_cast %get3A_483 : i32 to index
        %get3A_485 = arith.constant 176 : index
        %get3A_486 = tpu.vector_load %arg5[%get3A_484, %get3A_485] {strides = array<i32>} : memref<96x1024xf32, #tpu.memory_space<vmem>>, vector<1x16xf32>,
        %get3A_487 = vector.shape_cast %get3A_486 : vector<1x16xf32> to vector<16xf32>
        %add3A_488 = arith.addf %get3A_482, %get3A_487 : vector<16xf32>
        %mul3A_489 = arith.constant 5.000000e-01 : f32
        %mul3A_490 = vector.broadcast %mul3A_489 : f32 to vector<16xf32>
        %mul3A_491 = arith.mulf %mul3A_490, %add3A_488 : vector<16xf32>
        %swap3A_492 = arith.constant 0 : i32
        %swap3A_493 = arith.index_cast %swap3A_492 : i32 to index
        %swap3A_494 = arith.constant 176 : index
        %swap3A_495 = tpu.vector_load %arg5[%swap3A_493, %swap3A_494] {strides = array<i32>} : memref<96x1024xf32, #tpu.memory_space<vmem>>, vector<1x16xf32>,
        %swap3A_496 = vector.shape_cast %swap3A_495 : vector<1x16xf32> to vector<16xf32>
        %swap3A_497 = vector.shape_cast %mul3A_491 : vector<16xf32> to vector<1x16xf32>
        tpu.vector_store %arg5[%swap3A_493, %swap3A_494], %swap3A_497 {strides = array<i32>} : memref<96x1024xf32, #tpu.memory_space<vmem>>, vector<1x16xf32>,
        %get3A_498 = arith.constant 0 : i32
        %get3A_499 = arith.index_cast %get3A_498 : i32 to index
        %get3A_500 = arith.constant 192 : index
        %get3A_501 = tpu.vector_load %arg7[%get3A_499, %get3A_500] {strides = array<i32>} : memref<1x1024xf32, #tpu.memory_space<vmem>>, vector<1x16xf32>,
        %get3A_502 = vector.shape_cast %get3A_501 : vector<1x16xf32> to vector<16xf32>
        %get3A_503 = arith.constant 0 : i32
        %get3A_504 = arith.index_cast %get3A_503 : i32 to index
        %get3A_505 = arith.constant 192 : index
        %get3A_506 = tpu.vector_load %arg5[%get3A_504, %get3A_505] {strides = array<i32>} : memref<96x1024xf32, #tpu.memory_space<vmem>>, vector<1x16xf32>,
        %get3A_507 = vector.shape_cast %get3A_506 : vector<1x16xf32> to vector<16xf32>
        %add3A_508 = arith.addf %get3A_502, %get3A_507 : vector<16xf32>
        %mul3A_509 = arith.constant 5.000000e-01 : f32
        %mul3A_510 = vector.broadcast %mul3A_509 : f32 to vector<16xf32>
        %mul3A_511 = arith.mulf %mul3A_510, %add3A_508 : vector<16xf32>
        %swap3A_512 = arith.constant 0 : i32
        %swap3A_513 = arith.index_cast %swap3A_512 : i32 to index
        %swap3A_514 = arith.constant 192 : index
        %swap3A_515 = tpu.vector_load %arg5[%swap3A_513, %swap3A_514] {strides = array<i32>} : memref<96x1024xf32, #tpu.memory_space<vmem>>, vector<1x16xf32>,
        %swap3A_516 = vector.shape_cast %swap3A_515 : vector<1x16xf32> to vector<16xf32>
        %swap3A_517 = vector.shape_cast %mul3A_511 : vector<16xf32> to vector<1x16xf32>
        tpu.vector_store %arg5[%swap3A_513, %swap3A_514], %swap3A_517 {strides = array<i32>} : memref<96x1024xf32, #tpu.memory_space<vmem>>, vector<1x16xf32>,
        %get3A_518 = arith.constant 0 : i32
        %get3A_519 = arith.index_cast %get3A_518 : i32 to index
        %get3A_520 = arith.constant 208 : index
        %get3A_521 = tpu.vector_load %arg7[%get3A_519, %get3A_520] {strides = array<i32>} : memref<1x1024xf32, #tpu.memory_space<vmem>>, vector<1x16xf32>,
        %get3A_522 = vector.shape_cast %get3A_521 : vector<1x16xf32> to vector<16xf32>
        %get3A_523 = arith.constant 0 : i32
        %get3A_524 = arith.index_cast %get3A_523 : i32 to index
        %get3A_525 = arith.constant 208 : index
        %get3A_526 = tpu.vector_load %arg5[%get3A_524, %get3A_525] {strides = array<i32>} : memref<96x1024xf32, #tpu.memory_space<vmem>>, vector<1x16xf32>,
        %get3A_527 = vector.shape_cast %get3A_526 : vector<1x16xf32> to vector<16xf32>
        %add3A_528 = arith.addf %get3A_522, %get3A_527 : vector<16xf32>
        %mul3A_529 = arith.constant 5.000000e-01 : f32
        %mul3A_530 = vector.broadcast %mul3A_529 : f32 to vector<16xf32>
        %mul3A_531 = arith.mulf %mul3A_530, %add3A_528 : vector<16xf32>
        %swap3A_532 = arith.constant 0 : i32
        %swap3A_533 = arith.index_cast %swap3A_532 : i32 to index
        %swap3A_534 = arith.constant 208 : index
        %swap3A_535 = tpu.vector_load %arg5[%swap3A_533, %swap3A_534] {strides = array<i32>} : memref<96x1024xf32, #tpu.memory_space<vmem>>, vector<1x16xf32>,
        %swap3A_536 = vector.shape_cast %swap3A_535 : vector<1x16xf32> to vector<16xf32>
        %swap3A_537 = vector.shape_cast %mul3A_531 : vector<16xf32> to vector<1x16xf32>
        tpu.vector_store %arg5[%swap3A_533, %swap3A_534], %swap3A_537 {strides = array<i32>} : memref<96x1024xf32, #tpu.memory_space<vmem>>, vector<1x16xf32>,
        %get3A_538 = arith.constant 0 : i32
        %get3A_539 = arith.index_cast %get3A_538 : i32 to index
        %get3A_540 = arith.constant 224 : index
        %get3A_541 = tpu.vector_load %arg7[%get3A_539, %get3A_540] {strides = array<i32>} : memref<1x1024xf32, #tpu.memory_space<vmem>>, vector<1x16xf32>,
        %get3A_542 = vector.shape_cast %get3A_541 : vector<1x16xf32> to vector<16xf32>
        %get3A_543 = arith.constant 0 : i32
        %get3A_544 = arith.index_cast %get3A_543 : i32 to index
        %get3A_545 = arith.constant 224 : index
        %get3A_546 = tpu.vector_load %arg5[%get3A_544, %get3A_545] {strides = array<i32>} : memref<96x1024xf32, #tpu.memory_space<vmem>>, vector<1x16xf32>,
        %get3A_547 = vector.shape_cast %get3A_546 : vector<1x16xf32> to vector<16xf32>
        %add3A_548 = arith.addf %get3A_542, %get3A_547 : vector<16xf32>
        %mul3A_549 = arith.constant 5.000000e-01 : f32
        %mul3A_550 = vector.broadcast %mul3A_549 : f32 to vector<16xf32>
        %mul3A_551 = arith.mulf %mul3A_550, %add3A_548 : vector<16xf32>
        %swap3A_552 = arith.constant 0 : i32
        %swap3A_553 = arith.index_cast %swap3A_552 : i32 to index
        %swap3A_554 = arith.constant 224 : index
        %swap3A_555 = tpu.vector_load %arg5[%swap3A_553, %swap3A_554] {strides = array<i32>} : memref<96x1024xf32, #tpu.memory_space<vmem>>, vector<1x16xf32>,
        %swap3A_556 = vector.shape_cast %swap3A_555 : vector<1x16xf32> to vector<16xf32>
        %swap3A_557 = vector.shape_cast %mul3A_551 : vector<16xf32> to vector<1x16xf32>
        tpu.vector_store %arg5[%swap3A_553, %swap3A_554], %swap3A_557 {strides = array<i32>} : memref<96x1024xf32, #tpu.memory_space<vmem>>, vector<1x16xf32>,
        %get3A_558 = arith.constant 0 : i32
        %get3A_559 = arith.index_cast %get3A_558 : i32 to index
        %get3A_560 = arith.constant 240 : index
        %get3A_561 = tpu.vector_load %arg7[%get3A_559, %get3A_560] {strides = array<i32>} : memref<1x1024xf32, #tpu.memory_space<vmem>>, vector<1x16xf32>,
        %get3A_562 = vector.shape_cast %get3A_561 : vector<1x16xf32> to vector<16xf32>
        %get3A_563 = arith.constant 0 : i32
        %get3A_564 = arith.index_cast %get3A_563 : i32 to index
        %get3A_565 = arith.constant 240 : index
        %get3A_566 = tpu.vector_load %arg5[%get3A_564, %get3A_565] {strides = array<i32>} : memref<96x1024xf32, #tpu.memory_space<vmem>>, vector<1x16xf32>,
        %get3A_567 = vector.shape_cast %get3A_566 : vector<1x16xf32> to vector<16xf32>
        %add3A_568 = arith.addf %get3A_562, %get3A_567 : vector<16xf32>
        %mul3A_569 = arith.constant 5.000000e-01 : f32
        %mul3A_570 = vector.broadcast %mul3A_569 : f32 to vector<16xf32>
        %mul3A_571 = arith.mulf %mul3A_570, %add3A_568 : vector<16xf32>
        %swap3A_572 = arith.constant 0 : i32
        %swap3A_573 = arith.index_cast %swap3A_572 : i32 to index
        %swap3A_574 = arith.constant 240 : index
        %swap3A_575 = tpu.vector_load %arg5[%swap3A_573, %swap3A_574] {strides = array<i32>} : memref<96x1024xf32, #tpu.memory_space<vmem>>, vector<1x16xf32>,
        %swap3A_576 = vector.shape_cast %swap3A_575 : vector<1x16xf32> to vector<16xf32>
        %swap3A_577 = vector.shape_cast %mul3A_571 : vector<16xf32> to vector<1x16xf32>
        tpu.vector_store %arg5[%swap3A_573, %swap3A_574], %swap3A_577 {strides = array<i32>} : memref<96x1024xf32, #tpu.memory_space<vmem>>, vector<1x16xf32>,
        %get3A_578 = arith.constant 0 : i32
        %get3A_579 = arith.index_cast %get3A_578 : i32 to index
        %get3A_580 = arith.constant 256 : index
        %get3A_581 = tpu.vector_load %arg7[%get3A_579, %get3A_580] {strides = array<i32>} : memref<1x1024xf32, #tpu.memory_space<vmem>>, vector<1x16xf32>,
        %get3A_582 = vector.shape_cast %get3A_581 : vector<1x16xf32> to vector<16xf32>
        %get3A_583 = arith.constant 0 : i32
        %get3A_584 = arith.index_cast %get3A_583 : i32 to index
        %get3A_585 = arith.constant 256 : index
        %get3A_586 = tpu.vector_load %arg5[%get3A_584, %get3A_585] {strides = array<i32>} : memref<96x1024xf32, #tpu.memory_space<vmem>>, vector<1x16xf32>,
        %get3A_587 = vector.shape_cast %get3A_586 : vector<1x16xf32> to vector<16xf32>
        %add3A_588 = arith.addf %get3A_582, %get3A_587 : vector<16xf32>
        %mul3A_589 = arith.constant 5.000000e-01 : f32
        %mul3A_590 = vector.broadcast %mul3A_589 : f32 to vector<16xf32>
        %mul3A_591 = arith.mulf %mul3A_590, %add3A_588 : vector<16xf32>
        %swap3A_592 = arith.constant 0 : i32
        %swap3A_593 = arith.index_cast %swap3A_592 : i32 to index
        %swap3A_594 = arith.constant 256 : index
        %swap3A_595 = tpu.vector_load %arg5[%swap3A_593, %swap3A_594] {strides = array<i32>} : memref<96x1024xf32, #tpu.memory_space<vmem>>, vector<1x16xf32>,
        %swap3A_596 = vector.shape_cast %swap3A_595 : vector<1x16xf32> to vector<16xf32>
        %swap3A_597 = vector.shape_cast %mul3A_591 : vector<16xf32> to vector<1x16xf32>
        tpu.vector_store %arg5[%swap3A_593, %swap3A_594], %swap3A_597 {strides = array<i32>} : memref<96x1024xf32, #tpu.memory_space<vmem>>, vector<1x16xf32>,
        %get3A_598 = arith.constant 0 : i32
        %get3A_599 = arith.index_cast %get3A_598 : i32 to index
        %get3A_600 = arith.constant 272 : index
        %get3A_601 = tpu.vector_load %arg7[%get3A_599, %get3A_600] {strides = array<i32>} : memref<1x1024xf32, #tpu.memory_space<vmem>>, vector<1x16xf32>,
        %get3A_602 = vector.shape_cast %get3A_601 : vector<1x16xf32> to vector<16xf32>
        %get3A_603 = arith.constant 0 : i32
        %get3A_604 = arith.index_cast %get3A_603 : i32 to index
        %get3A_605 = arith.constant 272 : index
        %get3A_606 = tpu.vector_load %arg5[%get3A_604, %get3A_605] {strides = array<i32>} : memref<96x1024xf32, #tpu.memory_space<vmem>>, vector<1x16xf32>,
        %get3A_607 = vector.shape_cast %get3A_606 : vector<1x16xf32> to vector<16xf32>
        %add3A_608 = arith.addf %get3A_602, %get3A_607 : vector<16xf32>
        %mul3A_609 = arith.constant 5.000000e-01 : f32
        %mul3A_610 = vector.broadcast %mul3A_609 : f32 to vector<16xf32>
        %mul3A_611 = arith.mulf %mul3A_610, %add3A_608 : vector<16xf32>
        %swap3A_612 = arith.constant 0 : i32
        %swap3A_613 = arith.index_cast %swap3A_612 : i32 to index
        %swap3A_614 = arith.constant 272 : index
        %swap3A_615 = tpu.vector_load %arg5[%swap3A_613, %swap3A_614] {strides = array<i32>} : memref<96x1024xf32, #tpu.memory_space<vmem>>, vector<1x16xf32>,
        %swap3A_616 = vector.shape_cast %swap3A_615 : vector<1x16xf32> to vector<16xf32>
        %swap3A_617 = vector.shape_cast %mul3A_611 : vector<16xf32> to vector<1x16xf32>
        tpu.vector_store %arg5[%swap3A_613, %swap3A_614], %swap3A_617 {strides = array<i32>} : memref<96x1024xf32, #tpu.memory_space<vmem>>, vector<1x16xf32>,
        %get3A_618 = arith.constant 0 : i32
        %get3A_619 = arith.index_cast %get3A_618 : i32 to index
        %get3A_620 = arith.constant 288 : index
        %get3A_621 = tpu.vector_load %arg7[%get3A_619, %get3A_620] {strides = array<i32>} : memref<1x1024xf32, #tpu.memory_space<vmem>>, vector<1x16xf32>,
        %get3A_622 = vector.shape_cast %get3A_621 : vector<1x16xf32> to vector<16xf32>
        %get3A_623 = arith.constant 0 : i32
        %get3A_624 = arith.index_cast %get3A_623 : i32 to index
        %get3A_625 = arith.constant 288 : index
        %get3A_626 = tpu.vector_load %arg5[%get3A_624, %get3A_625] {strides = array<i32>} : memref<96x1024xf32, #tpu.memory_space<vmem>>, vector<1x16xf32>,
        %get3A_627 = vector.shape_cast %get3A_626 : vector<1x16xf32> to vector<16xf32>
        %add3A_628 = arith.addf %get3A_622, %get3A_627 : vector<16xf32>
        %mul3A_629 = arith.constant 5.000000e-01 : f32
        %mul3A_630 = vector.broadcast %mul3A_629 : f32 to vector<16xf32>
        %mul3A_631 = arith.mulf %mul3A_630, %add3A_628 : vector<16xf32>
        %swap3A_632 = arith.constant 0 : i32
        %swap3A_633 = arith.index_cast %swap3A_632 : i32 to index
        %swap3A_634 = arith.constant 288 : index
        %swap3A_635 = tpu.vector_load %arg5[%swap3A_633, %swap3A_634] {strides = array<i32>} : memref<96x1024xf32, #tpu.memory_space<vmem>>, vector<1x16xf32>,
        %swap3A_636 = vector.shape_cast %swap3A_635 : vector<1x16xf32> to vector<16xf32>
        %swap3A_637 = vector.shape_cast %mul3A_631 : vector<16xf32> to vector<1x16xf32>
        tpu.vector_store %arg5[%swap3A_633, %swap3A_634], %swap3A_637 {strides = array<i32>} : memref<96x1024xf32, #tpu.memory_space<vmem>>, vector<1x16xf32>,
        %get3A_638 = arith.constant 0 : i32
        %get3A_639 = arith.index_cast %get3A_638 : i32 to index
        %get3A_640 = arith.constant 304 : index
        %get3A_641 = tpu.vector_load %arg7[%get3A_639, %get3A_640] {strides = array<i32>} : memref<1x1024xf32, #tpu.memory_space<vmem>>, vector<1x16xf32>,
        %get3A_642 = vector.shape_cast %get3A_641 : vector<1x16xf32> to vector<16xf32>
        %get3A_643 = arith.constant 0 : i32
        %get3A_644 = arith.index_cast %get3A_643 : i32 to index
        %get3A_645 = arith.constant 304 : index
        %get3A_646 = tpu.vector_load %arg5[%get3A_644, %get3A_645] {strides = array<i32>} : memref<96x1024xf32, #tpu.memory_space<vmem>>, vector<1x16xf32>,
        %get3A_647 = vector.shape_cast %get3A_646 : vector<1x16xf32> to vector<16xf32>
        %add3A_648 = arith.addf %get3A_642, %get3A_647 : vector<16xf32>
        %mul3A_649 = arith.constant 5.000000e-01 : f32
        %mul3A_650 = vector.broadcast %mul3A_649 : f32 to vector<16xf32>
        %mul3A_651 = arith.mulf %mul3A_650, %add3A_648 : vector<16xf32>
        %swap3A_652 = arith.constant 0 : i32
        %swap3A_653 = arith.index_cast %swap3A_652 : i32 to index
        %swap3A_654 = arith.constant 304 : index
        %swap3A_655 = tpu.vector_load %arg5[%swap3A_653, %swap3A_654] {strides = array<i32>} : memref<96x1024xf32, #tpu.memory_space<vmem>>, vector<1x16xf32>,
        %swap3A_656 = vector.shape_cast %swap3A_655 : vector<1x16xf32> to vector<16xf32>
        %swap3A_657 = vector.shape_cast %mul3A_651 : vector<16xf32> to vector<1x16xf32>
        tpu.vector_store %arg5[%swap3A_653, %swap3A_654], %swap3A_657 {strides = array<i32>} : memref<96x1024xf32, #tpu.memory_space<vmem>>, vector<1x16xf32>,
        %get3A_658 = arith.constant 0 : i32
        %get3A_659 = arith.index_cast %get3A_658 : i32 to index
        %get3A_660 = arith.constant 320 : index
        %get3A_661 = tpu.vector_load %arg7[%get3A_659, %get3A_660] {strides = array<i32>} : memref<1x1024xf32, #tpu.memory_space<vmem>>, vector<1x16xf32>,
        %get3A_662 = vector.shape_cast %get3A_661 : vector<1x16xf32> to vector<16xf32>
        %get3A_663 = arith.constant 0 : i32
        %get3A_664 = arith.index_cast %get3A_663 : i32 to index
        %get3A_665 = arith.constant 320 : index
        %get3A_666 = tpu.vector_load %arg5[%get3A_664, %get3A_665] {strides = array<i32>} : memref<96x1024xf32, #tpu.memory_space<vmem>>, vector<1x16xf32>,
        %get3A_667 = vector.shape_cast %get3A_666 : vector<1x16xf32> to vector<16xf32>
        %add3A_668 = arith.addf %get3A_662, %get3A_667 : vector<16xf32>
        %mul3A_669 = arith.constant 5.000000e-01 : f32
        %mul3A_670 = vector.broadcast %mul3A_669 : f32 to vector<16xf32>
        %mul3A_671 = arith.mulf %mul3A_670, %add3A_668 : vector<16xf32>
        %swap3A_672 = arith.constant 0 : i32
        %swap3A_673 = arith.index_cast %swap3A_672 : i32 to index
        %swap3A_674 = arith.constant 320 : index
        %swap3A_675 = tpu.vector_load %arg5[%swap3A_673, %swap3A_674] {strides = array<i32>} : memref<96x1024xf32, #tpu.memory_space<vmem>>, vector<1x16xf32>,
        %swap3A_676 = vector.shape_cast %swap3A_675 : vector<1x16xf32> to vector<16xf32>
        %swap3A_677 = vector.shape_cast %mul3A_671 : vector<16xf32> to vector<1x16xf32>
        tpu.vector_store %arg5[%swap3A_673, %swap3A_674], %swap3A_677 {strides = array<i32>} : memref<96x1024xf32, #tpu.memory_space<vmem>>, vector<1x16xf32>,
        %get3A_678 = arith.constant 0 : i32
        %get3A_679 = arith.index_cast %get3A_678 : i32 to index
        %get3A_680 = arith.constant 336 : index
        %get3A_681 = tpu.vector_load %arg7[%get3A_679, %get3A_680] {strides = array<i32>} : memref<1x1024xf32, #tpu.memory_space<vmem>>, vector<1x16xf32>,
        %get3A_682 = vector.shape_cast %get3A_681 : vector<1x16xf32> to vector<16xf32>
        %get3A_683 = arith.constant 0 : i32
        %get3A_684 = arith.index_cast %get3A_683 : i32 to index
        %get3A_685 = arith.constant 336 : index
        %get3A_686 = tpu.vector_load %arg5[%get3A_684, %get3A_685] {strides = array<i32>} : memref<96x1024xf32, #tpu.memory_space<vmem>>, vector<1x16xf32>,
        %get3A_687 = vector.shape_cast %get3A_686 : vector<1x16xf32> to vector<16xf32>
        %add3A_688 = arith.addf %get3A_682, %get3A_687 : vector<16xf32>
        %mul3A_689 = arith.constant 5.000000e-01 : f32
        %mul3A_690 = vector.broadcast %mul3A_689 : f32 to vector<16xf32>
        %mul3A_691 = arith.mulf %mul3A_690, %add3A_688 : vector<16xf32>
        %swap3A_692 = arith.constant 0 : i32
        %swap3A_693 = arith.index_cast %swap3A_692 : i32 to index
        %swap3A_694 = arith.constant 336 : index
        %swap3A_695 = tpu.vector_load %arg5[%swap3A_693, %swap3A_694] {strides = array<i32>} : memref<96x1024xf32, #tpu.memory_space<vmem>>, vector<1x16xf32>,
        %swap3A_696 = vector.shape_cast %swap3A_695 : vector<1x16xf32> to vector<16xf32>
        %swap3A_697 = vector.shape_cast %mul3A_691 : vector<16xf32> to vector<1x16xf32>
        tpu.vector_store %arg5[%swap3A_693, %swap3A_694], %swap3A_697 {strides = array<i32>} : memref<96x1024xf32, #tpu.memory_space<vmem>>, vector<1x16xf32>,
        %get3A_698 = arith.constant 0 : i32
        %get3A_699 = arith.index_cast %get3A_698 : i32 to index
        %get3A_700 = arith.constant 352 : index
        %get3A_701 = tpu.vector_load %arg7[%get3A_699, %get3A_700] {strides = array<i32>} : memref<1x1024xf32, #tpu.memory_space<vmem>>, vector<1x16xf32>,
        %get3A_702 = vector.shape_cast %get3A_701 : vector<1x16xf32> to vector<16xf32>
        %get3A_703 = arith.constant 0 : i32
        %get3A_704 = arith.index_cast %get3A_703 : i32 to index
        %get3A_705 = arith.constant 352 : index
        %get3A_706 = tpu.vector_load %arg5[%get3A_704, %get3A_705] {strides = array<i32>} : memref<96x1024xf32, #tpu.memory_space<vmem>>, vector<1x16xf32>,
        %get3A_707 = vector.shape_cast %get3A_706 : vector<1x16xf32> to vector<16xf32>
        %add3A_708 = arith.addf %get3A_702, %get3A_707 : vector<16xf32>
        %mul3A_709 = arith.constant 5.000000e-01 : f32
        %mul3A_710 = vector.broadcast %mul3A_709 : f32 to vector<16xf32>
        %mul3A_711 = arith.mulf %mul3A_710, %add3A_708 : vector<16xf32>
        %swap3A_712 = arith.constant 0 : i32
        %swap3A_713 = arith.index_cast %swap3A_712 : i32 to index
        %swap3A_714 = arith.constant 352 : index
        %swap3A_715 = tpu.vector_load %arg5[%swap3A_713, %swap3A_714] {strides = array<i32>} : memref<96x1024xf32, #tpu.memory_space<vmem>>, vector<1x16xf32>,
        %swap3A_716 = vector.shape_cast %swap3A_715 : vector<1x16xf32> to vector<16xf32>
        %swap3A_717 = vector.shape_cast %mul3A_711 : vector<16xf32> to vector<1x16xf32>
        tpu.vector_store %arg5[%swap3A_713, %swap3A_714], %swap3A_717 {strides = array<i32>} : memref<96x1024xf32, #tpu.memory_space<vmem>>, vector<1x16xf32>,
        %get3A_718 = arith.constant 0 : i32
        %get3A_719 = arith.index_cast %get3A_718 : i32 to index
        %get3A_720 = arith.constant 368 : index
        %get3A_721 = tpu.vector_load %arg7[%get3A_719, %get3A_720] {strides = array<i32>} : memref<1x1024xf32, #tpu.memory_space<vmem>>, vector<1x16xf32>,
        %get3A_722 = vector.shape_cast %get3A_721 : vector<1x16xf32> to vector<16xf32>
        %get3A_723 = arith.constant 0 : i32
        %get3A_724 = arith.index_cast %get3A_723 : i32 to index
        %get3A_725 = arith.constant 368 : index
        %get3A_726 = tpu.vector_load %arg5[%get3A_724, %get3A_725] {strides = array<i32>} : memref<96x1024xf32, #tpu.memory_space<vmem>>, vector<1x16xf32>,
        %get3A_727 = vector.shape_cast %get3A_726 : vector<1x16xf32> to vector<16xf32>
        %add3A_728 = arith.addf %get3A_722, %get3A_727 : vector<16xf32>
        %mul3A_729 = arith.constant 5.000000e-01 : f32
        %mul3A_730 = vector.broadcast %mul3A_729 : f32 to vector<16xf32>
        %mul3A_731 = arith.mulf %mul3A_730, %add3A_728 : vector<16xf32>
        %swap3A_732 = arith.constant 0 : i32
        %swap3A_733 = arith.index_cast %swap3A_732 : i32 to index
        %swap3A_734 = arith.constant 368 : index
        %swap3A_735 = tpu.vector_load %arg5[%swap3A_733, %swap3A_734] {strides = array<i32>} : memref<96x1024xf32, #tpu.memory_space<vmem>>, vector<1x16xf32>,
        %swap3A_736 = vector.shape_cast %swap3A_735 : vector<1x16xf32> to vector<16xf32>
        %swap3A_737 = vector.shape_cast %mul3A_731 : vector<16xf32> to vector<1x16xf32>
        tpu.vector_store %arg5[%swap3A_733, %swap3A_734], %swap3A_737 {strides = array<i32>} : memref<96x1024xf32, #tpu.memory_space<vmem>>, vector<1x16xf32>,
        %get3A_738 = arith.constant 0 : i32
        %get3A_739 = arith.index_cast %get3A_738 : i32 to index
        %get3A_740 = arith.constant 384 : index
        %get3A_741 = tpu.vector_load %arg7[%get3A_739, %get3A_740] {strides = array<i32>} : memref<1x1024xf32, #tpu.memory_space<vmem>>, vector<1x16xf32>,
        %get3A_742 = vector.shape_cast %get3A_741 : vector<1x16xf32> to vector<16xf32>
        %get3A_743 = arith.constant 0 : i32
        %get3A_744 = arith.index_cast %get3A_743 : i32 to index
        %get3A_745 = arith.constant 384 : index
        %get3A_746 = tpu.vector_load %arg5[%get3A_744, %get3A_745] {strides = array<i32>} : memref<96x1024xf32, #tpu.memory_space<vmem>>, vector<1x16xf32>,
        %get3A_747 = vector.shape_cast %get3A_746 : vector<1x16xf32> to vector<16xf32>
        %add3A_748 = arith.addf %get3A_742, %get3A_747 : vector<16xf32>
        %mul3A_749 = arith.constant 5.000000e-01 : f32
        %mul3A_750 = vector.broadcast %mul3A_749 : f32 to vector<16xf32>
        %mul3A_751 = arith.mulf %mul3A_750, %add3A_748 : vector<16xf32>
        %swap3A_752 = arith.constant 0 : i32
        %swap3A_753 = arith.index_cast %swap3A_752 : i32 to index
        %swap3A_754 = arith.constant 384 : index
        %swap3A_755 = tpu.vector_load %arg5[%swap3A_753, %swap3A_754] {strides = array<i32>} : memref<96x1024xf32, #tpu.memory_space<vmem>>, vector<1x16xf32>,
        %swap3A_756 = vector.shape_cast %swap3A_755 : vector<1x16xf32> to vector<16xf32>
        %swap3A_757 = vector.shape_cast %mul3A_751 : vector<16xf32> to vector<1x16xf32>
        tpu.vector_store %arg5[%swap3A_753, %swap3A_754], %swap3A_757 {strides = array<i32>} : memref<96x1024xf32, #tpu.memory_space<vmem>>, vector<1x16xf32>,
        %get3A_758 = arith.constant 0 : i32
        %get3A_759 = arith.index_cast %get3A_758 : i32 to index
        %get3A_760 = arith.constant 400 : index
        %get3A_761 = tpu.vector_load %arg7[%get3A_759, %get3A_760] {strides = array<i32>} : memref<1x1024xf32, #tpu.memory_space<vmem>>, vector<1x16xf32>,
        %get3A_762 = vector.shape_cast %get3A_761 : vector<1x16xf32> to vector<16xf32>
        %get3A_763 = arith.constant 0 : i32
        %get3A_764 = arith.index_cast %get3A_763 : i32 to index
        %get3A_765 = arith.constant 400 : index
        %get3A_766 = tpu.vector_load %arg5[%get3A_764, %get3A_765] {strides = array<i32>} : memref<96x1024xf32, #tpu.memory_space<vmem>>, vector<1x16xf32>,
        %get3A_767 = vector.shape_cast %get3A_766 : vector<1x16xf32> to vector<16xf32>
        %add3A_768 = arith.addf %get3A_762, %get3A_767 : vector<16xf32>
        %mul3A_769 = arith.constant 5.000000e-01 : f32
        %mul3A_770 = vector.broadcast %mul3A_769 : f32 to vector<16xf32>
        %mul3A_771 = arith.mulf %mul3A_770, %add3A_768 : vector<16xf32>
        %swap3A_772 = arith.constant 0 : i32
        %swap3A_773 = arith.index_cast %swap3A_772 : i32 to index
        %swap3A_774 = arith.constant 400 : index
        %swap3A_775 = tpu.vector_load %arg5[%swap3A_773, %swap3A_774] {strides = array<i32>} : memref<96x1024xf32, #tpu.memory_space<vmem>>, vector<1x16xf32>,
        %swap3A_776 = vector.shape_cast %swap3A_775 : vector<1x16xf32> to vector<16xf32>
        %swap3A_777 = vector.shape_cast %mul3A_771 : vector<16xf32> to vector<1x16xf32>
        tpu.vector_store %arg5[%swap3A_773, %swap3A_774], %swap3A_777 {strides = array<i32>} : memref<96x1024xf32, #tpu.memory_space<vmem>>, vector<1x16xf32>,
        %get3A_778 = arith.constant 0 : i32
        %get3A_779 = arith.index_cast %get3A_778 : i32 to index
        %get3A_780 = arith.constant 416 : index
        %get3A_781 = tpu.vector_load %arg7[%get3A_779, %get3A_780] {strides = array<i32>} : memref<1x1024xf32, #tpu.memory_space<vmem>>, vector<1x16xf32>,
        %get3A_782 = vector.shape_cast %get3A_781 : vector<1x16xf32> to vector<16xf32>
        %get3A_783 = arith.constant 0 : i32
        %get3A_784 = arith.index_cast %get3A_783 : i32 to index
        %get3A_785 = arith.constant 416 : index
        %get3A_786 = tpu.vector_load %arg5[%get3A_784, %get3A_785] {strides = array<i32>} : memref<96x1024xf32, #tpu.memory_space<vmem>>, vector<1x16xf32>,
        %get3A_787 = vector.shape_cast %get3A_786 : vector<1x16xf32> to vector<16xf32>
        %add3A_788 = arith.addf %get3A_782, %get3A_787 : vector<16xf32>
        %mul3A_789 = arith.constant 5.000000e-01 : f32
        %mul3A_790 = vector.broadcast %mul3A_789 : f32 to vector<16xf32>
        %mul3A_791 = arith.mulf %mul3A_790, %add3A_788 : vector<16xf32>
        %swap3A_792 = arith.constant 0 : i32
        %swap3A_793 = arith.index_cast %swap3A_792 : i32 to index
        %swap3A_794 = arith.constant 416 : index
        %swap3A_795 = tpu.vector_load %arg5[%swap3A_793, %swap3A_794] {strides = array<i32>} : memref<96x1024xf32, #tpu.memory_space<vmem>>, vector<1x16xf32>,
        %swap3A_796 = vector.shape_cast %swap3A_795 : vector<1x16xf32> to vector<16xf32>
        %swap3A_797 = vector.shape_cast %mul3A_791 : vector<16xf32> to vector<1x16xf32>
        tpu.vector_store %arg5[%swap3A_793, %swap3A_794], %swap3A_797 {strides = array<i32>} : memref<96x1024xf32, #tpu.memory_space<vmem>>, vector<1x16xf32>,
        %get3A_798 = arith.constant 0 : i32
        %get3A_799 = arith.index_cast %get3A_798 : i32 to index
        %get3A_800 = arith.constant 432 : index
        %get3A_801 = tpu.vector_load %arg7[%get3A_799, %get3A_800] {strides = array<i32>} : memref<1x1024xf32, #tpu.memory_space<vmem>>, vector<1x16xf32>,
        %get3A_802 = vector.shape_cast %get3A_801 : vector<1x16xf32> to vector<16xf32>
        %get3A_803 = arith.constant 0 : i32
        %get3A_804 = arith.index_cast %get3A_803 : i32 to index
        %get3A_805 = arith.constant 432 : index
        %get3A_806 = tpu.vector_load %arg5[%get3A_804, %get3A_805] {strides = array<i32>} : memref<96x1024xf32, #tpu.memory_space<vmem>>, vector<1x16xf32>,
        %get3A_807 = vector.shape_cast %get3A_806 : vector<1x16xf32> to vector<16xf32>
        %add3A_808 = arith.addf %get3A_802, %get3A_807 : vector<16xf32>
        %mul3A_809 = arith.constant 5.000000e-01 : f32
        %mul3A_810 = vector.broadcast %mul3A_809 : f32 to vector<16xf32>
        %mul3A_811 = arith.mulf %mul3A_810, %add3A_808 : vector<16xf32>
        %swap3A_812 = arith.constant 0 : i32
        %swap3A_813 = arith.index_cast %swap3A_812 : i32 to index
        %swap3A_814 = arith.constant 432 : index
        %swap3A_815 = tpu.vector_load %arg5[%swap3A_813, %swap3A_814] {strides = array<i32>} : memref<96x1024xf32, #tpu.memory_space<vmem>>, vector<1x16xf32>,
        %swap3A_816 = vector.shape_cast %swap3A_815 : vector<1x16xf32> to vector<16xf32>
        %swap3A_817 = vector.shape_cast %mul3A_811 : vector<16xf32> to vector<1x16xf32>
        tpu.vector_store %arg5[%swap3A_813, %swap3A_814], %swap3A_817 {strides = array<i32>} : memref<96x1024xf32, #tpu.memory_space<vmem>>, vector<1x16xf32>,
        %get3A_818 = arith.constant 0 : i32
        %get3A_819 = arith.index_cast %get3A_818 : i32 to index
        %get3A_820 = arith.constant 448 : index
        %get3A_821 = tpu.vector_load %arg7[%get3A_819, %get3A_820] {strides = array<i32>} : memref<1x1024xf32, #tpu.memory_space<vmem>>, vector<1x16xf32>,
        %get3A_822 = vector.shape_cast %get3A_821 : vector<1x16xf32> to vector<16xf32>
        %get3A_823 = arith.constant 0 : i32
        %get3A_824 = arith.index_cast %get3A_823 : i32 to index
        %get3A_825 = arith.constant 448 : index
        %get3A_826 = tpu.vector_load %arg5[%get3A_824, %get3A_825] {strides = array<i32>} : memref<96x1024xf32, #tpu.memory_space<vmem>>, vector<1x16xf32>,
        %get3A_827 = vector.shape_cast %get3A_826 : vector<1x16xf32> to vector<16xf32>
        %add3A_828 = arith.addf %get3A_822, %get3A_827 : vector<16xf32>
        %mul3A_829 = arith.constant 5.000000e-01 : f32
        %mul3A_830 = vector.broadcast %mul3A_829 : f32 to vector<16xf32>
        %mul3A_831 = arith.mulf %mul3A_830, %add3A_828 : vector<16xf32>
        %swap3A_832 = arith.constant 0 : i32
        %swap3A_833 = arith.index_cast %swap3A_832 : i32 to index
        %swap3A_834 = arith.constant 448 : index
        %swap3A_835 = tpu.vector_load %arg5[%swap3A_833, %swap3A_834] {strides = array<i32>} : memref<96x1024xf32, #tpu.memory_space<vmem>>, vector<1x16xf32>,
        %swap3A_836 = vector.shape_cast %swap3A_835 : vector<1x16xf32> to vector<16xf32>
        %swap3A_837 = vector.shape_cast %mul3A_831 : vector<16xf32> to vector<1x16xf32>
        tpu.vector_store %arg5[%swap3A_833, %swap3A_834], %swap3A_837 {strides = array<i32>} : memref<96x1024xf32, #tpu.memory_space<vmem>>, vector<1x16xf32>,
        %get3A_838 = arith.constant 0 : i32
        %get3A_839 = arith.index_cast %get3A_838 : i32 to index
        %get3A_840 = arith.constant 464 : index
        %get3A_841 = tpu.vector_load %arg7[%get3A_839, %get3A_840] {strides = array<i32>} : memref<1x1024xf32, #tpu.memory_space<vmem>>, vector<1x16xf32>,
        %get3A_842 = vector.shape_cast %get3A_841 : vector<1x16xf32> to vector<16xf32>
        %get3A_843 = arith.constant 0 : i32
        %get3A_844 = arith.index_cast %get3A_843 : i32 to index
        %get3A_845 = arith.constant 464 : index
        %get3A_846 = tpu.vector_load %arg5[%get3A_844, %get3A_845] {strides = array<i32>} : memref<96x1024xf32, #tpu.memory_space<vmem>>, vector<1x16xf32>,
        %get3A_847 = vector.shape_cast %get3A_846 : vector<1x16xf32> to vector<16xf32>
        %add3A_848 = arith.addf %get3A_842, %get3A_847 : vector<16xf32>
        %mul3A_849 = arith.constant 5.000000e-01 : f32
        %mul3A_850 = vector.broadcast %mul3A_849 : f32 to vector<16xf32>
        %mul3A_851 = arith.mulf %mul3A_850, %add3A_848 : vector<16xf32>
        %swap3A_852 = arith.constant 0 : i32
        %swap3A_853 = arith.index_cast %swap3A_852 : i32 to index
        %swap3A_854 = arith.constant 464 : index
        %swap3A_855 = tpu.vector_load %arg5[%swap3A_853, %swap3A_854] {strides = array<i32>} : memref<96x1024xf32, #tpu.memory_space<vmem>>, vector<1x16xf32>,
        %swap3A_856 = vector.shape_cast %swap3A_855 : vector<1x16xf32> to vector<16xf32>
        %swap3A_857 = vector.shape_cast %mul3A_851 : vector<16xf32> to vector<1x16xf32>
        tpu.vector_store %arg5[%swap3A_853, %swap3A_854], %swap3A_857 {strides = array<i32>} : memref<96x1024xf32, #tpu.memory_space<vmem>>, vector<1x16xf32>,
        %get3A_858 = arith.constant 0 : i32
        %get3A_859 = arith.index_cast %get3A_858 : i32 to index
        %get3A_860 = arith.constant 480 : index
        %get3A_861 = tpu.vector_load %arg7[%get3A_859, %get3A_860] {strides = array<i32>} : memref<1x1024xf32, #tpu.memory_space<vmem>>, vector<1x16xf32>,
        %get3A_862 = vector.shape_cast %get3A_861 : vector<1x16xf32> to vector<16xf32>
        %get3A_863 = arith.constant 0 : i32
        %get3A_864 = arith.index_cast %get3A_863 : i32 to index
        %get3A_865 = arith.constant 480 : index
        %get3A_866 = tpu.vector_load %arg5[%get3A_864, %get3A_865] {strides = array<i32>} : memref<96x1024xf32, #tpu.memory_space<vmem>>, vector<1x16xf32>,
        %get3A_867 = vector.shape_cast %get3A_866 : vector<1x16xf32> to vector<16xf32>
        %add3A_868 = arith.addf %get3A_862, %get3A_867 : vector<16xf32>
        %mul3A_869 = arith.constant 5.000000e-01 : f32
        %mul3A_870 = vector.broadcast %mul3A_869 : f32 to vector<16xf32>
        %mul3A_871 = arith.mulf %mul3A_870, %add3A_868 : vector<16xf32>
        %swap3A_872 = arith.constant 0 : i32
        %swap3A_873 = arith.index_cast %swap3A_872 : i32 to index
        %swap3A_874 = arith.constant 480 : index
        %swap3A_875 = tpu.vector_load %arg5[%swap3A_873, %swap3A_874] {strides = array<i32>} : memref<96x1024xf32, #tpu.memory_space<vmem>>, vector<1x16xf32>,
        %swap3A_876 = vector.shape_cast %swap3A_875 : vector<1x16xf32> to vector<16xf32>
        %swap3A_877 = vector.shape_cast %mul3A_871 : vector<16xf32> to vector<1x16xf32>
        tpu.vector_store %arg5[%swap3A_873, %swap3A_874], %swap3A_877 {strides = array<i32>} : memref<96x1024xf32, #tpu.memory_space<vmem>>, vector<1x16xf32>,
        %get3A_878 = arith.constant 0 : i32
        %get3A_879 = arith.index_cast %get3A_878 : i32 to index
        %get3A_880 = arith.constant 496 : index
        %get3A_881 = tpu.vector_load %arg7[%get3A_879, %get3A_880] {strides = array<i32>} : memref<1x1024xf32, #tpu.memory_space<vmem>>, vector<1x16xf32>,
        %get3A_882 = vector.shape_cast %get3A_881 : vector<1x16xf32> to vector<16xf32>
        %get3A_883 = arith.constant 0 : i32
        %get3A_884 = arith.index_cast %get3A_883 : i32 to index
        %get3A_885 = arith.constant 496 : index
        %get3A_886 = tpu.vector_load %arg5[%get3A_884, %get3A_885] {strides = array<i32>} : memref<96x1024xf32, #tpu.memory_space<vmem>>, vector<1x16xf32>,
        %get3A_887 = vector.shape_cast %get3A_886 : vector<1x16xf32> to vector<16xf32>
        %add3A_888 = arith.addf %get3A_882, %get3A_887 : vector<16xf32>
        %mul3A_889 = arith.constant 5.000000e-01 : f32
        %mul3A_890 = vector.broadcast %mul3A_889 : f32 to vector<16xf32>
        %mul3A_891 = arith.mulf %mul3A_890, %add3A_888 : vector<16xf32>
        %swap3A_892 = arith.constant 0 : i32
        %swap3A_893 = arith.index_cast %swap3A_892 : i32 to index
        %swap3A_894 = arith.constant 496 : index
        %swap3A_895 = tpu.vector_load %arg5[%swap3A_893, %swap3A_894] {strides = array<i32>} : memref<96x1024xf32, #tpu.memory_space<vmem>>, vector<1x16xf32>,
        %swap3A_896 = vector.shape_cast %swap3A_895 : vector<1x16xf32> to vector<16xf32>
        %swap3A_897 = vector.shape_cast %mul3A_891 : vector<16xf32> to vector<1x16xf32>
        tpu.vector_store %arg5[%swap3A_893, %swap3A_894], %swap3A_897 {strides = array<i32>} : memref<96x1024xf32, #tpu.memory_space<vmem>>, vector<1x16xf32>,
        %get3A_898 = arith.constant 0 : i32
        %get3A_899 = arith.index_cast %get3A_898 : i32 to index
        %get3A_900 = arith.constant 512 : index
        %get3A_901 = tpu.vector_load %arg7[%get3A_899, %get3A_900] {strides = array<i32>} : memref<1x1024xf32, #tpu.memory_space<vmem>>, vector<1x16xf32>,
        %get3A_902 = vector.shape_cast %get3A_901 : vector<1x16xf32> to vector<16xf32>
        %get3A_903 = arith.constant 0 : i32
        %get3A_904 = arith.index_cast %get3A_903 : i32 to index
        %get3A_905 = arith.constant 512 : index
        %get3A_906 = tpu.vector_load %arg5[%get3A_904, %get3A_905] {strides = array<i32>} : memref<96x1024xf32, #tpu.memory_space<vmem>>, vector<1x16xf32>,
        %get3A_907 = vector.shape_cast %get3A_906 : vector<1x16xf32> to vector<16xf32>
        %add3A_908 = arith.addf %get3A_902, %get3A_907 : vector<16xf32>
        %mul3A_909 = arith.constant 5.000000e-01 : f32
        %mul3A_910 = vector.broadcast %mul3A_909 : f32 to vector<16xf32>
        %mul3A_911 = arith.mulf %mul3A_910, %add3A_908 : vector<16xf32>
        %swap3A_912 = arith.constant 0 : i32
        %swap3A_913 = arith.index_cast %swap3A_912 : i32 to index
        %swap3A_914 = arith.constant 512 : index
        %swap3A_915 = tpu.vector_load %arg5[%swap3A_913, %swap3A_914] {strides = array<i32>} : memref<96x1024xf32, #tpu.memory_space<vmem>>, vector<1x16xf32>,
        %swap3A_916 = vector.shape_cast %swap3A_915 : vector<1x16xf32> to vector<16xf32>
        %swap3A_917 = vector.shape_cast %mul3A_911 : vector<16xf32> to vector<1x16xf32>
        tpu.vector_store %arg5[%swap3A_913, %swap3A_914], %swap3A_917 {strides = array<i32>} : memref<96x1024xf32, #tpu.memory_space<vmem>>, vector<1x16xf32>,
        %get3A_918 = arith.constant 0 : i32
        %get3A_919 = arith.index_cast %get3A_918 : i32 to index
        %get3A_920 = arith.constant 528 : index
        %get3A_921 = tpu.vector_load %arg7[%get3A_919, %get3A_920] {strides = array<i32>} : memref<1x1024xf32, #tpu.memory_space<vmem>>, vector<1x16xf32>,
        %get3A_922 = vector.shape_cast %get3A_921 : vector<1x16xf32> to vector<16xf32>
        %get3A_923 = arith.constant 0 : i32
        %get3A_924 = arith.index_cast %get3A_923 : i32 to index
        %get3A_925 = arith.constant 528 : index
        %get3A_926 = tpu.vector_load %arg5[%get3A_924, %get3A_925] {strides = array<i32>} : memref<96x1024xf32, #tpu.memory_space<vmem>>, vector<1x16xf32>,
        %get3A_927 = vector.shape_cast %get3A_926 : vector<1x16xf32> to vector<16xf32>
        %add3A_928 = arith.addf %get3A_922, %get3A_927 : vector<16xf32>
        %mul3A_929 = arith.constant 5.000000e-01 : f32
        %mul3A_930 = vector.broadcast %mul3A_929 : f32 to vector<16xf32>
        %mul3A_931 = arith.mulf %mul3A_930, %add3A_928 : vector<16xf32>
        %swap3A_932 = arith.constant 0 : i32
        %swap3A_933 = arith.index_cast %swap3A_932 : i32 to index
        %swap3A_934 = arith.constant 528 : index
        %swap3A_935 = tpu.vector_load %arg5[%swap3A_933, %swap3A_934] {strides = array<i32>} : memref<96x1024xf32, #tpu.memory_space<vmem>>, vector<1x16xf32>,
        %swap3A_936 = vector.shape_cast %swap3A_935 : vector<1x16xf32> to vector<16xf32>
        %swap3A_937 = vector.shape_cast %mul3A_931 : vector<16xf32> to vector<1x16xf32>
        tpu.vector_store %arg5[%swap3A_933, %swap3A_934], %swap3A_937 {strides = array<i32>} : memref<96x1024xf32, #tpu.memory_space<vmem>>, vector<1x16xf32>,
        %get3A_938 = arith.constant 0 : i32
        %get3A_939 = arith.index_cast %get3A_938 : i32 to index
        %get3A_940 = arith.constant 544 : index
        %get3A_941 = tpu.vector_load %arg7[%get3A_939, %get3A_940] {strides = array<i32>} : memref<1x1024xf32, #tpu.memory_space<vmem>>, vector<1x16xf32>,
        %get3A_942 = vector.shape_cast %get3A_941 : vector<1x16xf32> to vector<16xf32>
        %get3A_943 = arith.constant 0 : i32
        %get3A_944 = arith.index_cast %get3A_943 : i32 to index
        %get3A_945 = arith.constant 544 : index
        %get3A_946 = tpu.vector_load %arg5[%get3A_944, %get3A_945] {strides = array<i32>} : memref<96x1024xf32, #tpu.memory_space<vmem>>, vector<1x16xf32>,
        %get3A_947 = vector.shape_cast %get3A_946 : vector<1x16xf32> to vector<16xf32>
        %add3A_948 = arith.addf %get3A_942, %get3A_947 : vector<16xf32>
        %mul3A_949 = arith.constant 5.000000e-01 : f32
        %mul3A_950 = vector.broadcast %mul3A_949 : f32 to vector<16xf32>
        %mul3A_951 = arith.mulf %mul3A_950, %add3A_948 : vector<16xf32>
        %swap3A_952 = arith.constant 0 : i32
        %swap3A_953 = arith.index_cast %swap3A_952 : i32 to index
        %swap3A_954 = arith.constant 544 : index
        %swap3A_955 = tpu.vector_load %arg5[%swap3A_953, %swap3A_954] {strides = array<i32>} : memref<96x1024xf32, #tpu.memory_space<vmem>>, vector<1x16xf32>,
        %swap3A_956 = vector.shape_cast %swap3A_955 : vector<1x16xf32> to vector<16xf32>
        %swap3A_957 = vector.shape_cast %mul3A_951 : vector<16xf32> to vector<1x16xf32>
        tpu.vector_store %arg5[%swap3A_953, %swap3A_954], %swap3A_957 {strides = array<i32>} : memref<96x1024xf32, #tpu.memory_space<vmem>>, vector<1x16xf32>,
        %get3A_958 = arith.constant 0 : i32
        %get3A_959 = arith.index_cast %get3A_958 : i32 to index
        %get3A_960 = arith.constant 560 : index
        %get3A_961 = tpu.vector_load %arg7[%get3A_959, %get3A_960] {strides = array<i32>} : memref<1x1024xf32, #tpu.memory_space<vmem>>, vector<1x16xf32>,
        %get3A_962 = vector.shape_cast %get3A_961 : vector<1x16xf32> to vector<16xf32>
        %get3A_963 = arith.constant 0 : i32
        %get3A_964 = arith.index_cast %get3A_963 : i32 to index
        %get3A_965 = arith.constant 560 : index
        %get3A_966 = tpu.vector_load %arg5[%get3A_964, %get3A_965] {strides = array<i32>} : memref<96x1024xf32, #tpu.memory_space<vmem>>, vector<1x16xf32>,
        %get3A_967 = vector.shape_cast %get3A_966 : vector<1x16xf32> to vector<16xf32>
        %add3A_968 = arith.addf %get3A_962, %get3A_967 : vector<16xf32>
        %mul3A_969 = arith.constant 5.000000e-01 : f32
        %mul3A_970 = vector.broadcast %mul3A_969 : f32 to vector<16xf32>
        %mul3A_971 = arith.mulf %mul3A_970, %add3A_968 : vector<16xf32>
        %swap3A_972 = arith.constant 0 : i32
        %swap3A_973 = arith.index_cast %swap3A_972 : i32 to index
        %swap3A_974 = arith.constant 560 : index
        %swap3A_975 = tpu.vector_load %arg5[%swap3A_973, %swap3A_974] {strides = array<i32>} : memref<96x1024xf32, #tpu.memory_space<vmem>>, vector<1x16xf32>,
        %swap3A_976 = vector.shape_cast %swap3A_975 : vector<1x16xf32> to vector<16xf32>
        %swap3A_977 = vector.shape_cast %mul3A_971 : vector<16xf32> to vector<1x16xf32>
        tpu.vector_store %arg5[%swap3A_973, %swap3A_974], %swap3A_977 {strides = array<i32>} : memref<96x1024xf32, #tpu.memory_space<vmem>>, vector<1x16xf32>,
        %get3A_978 = arith.constant 0 : i32
        %get3A_979 = arith.index_cast %get3A_978 : i32 to index
        %get3A_980 = arith.constant 576 : index
        %get3A_981 = tpu.vector_load %arg7[%get3A_979, %get3A_980] {strides = array<i32>} : memref<1x1024xf32, #tpu.memory_space<vmem>>, vector<1x16xf32>,
        %get3A_982 = vector.shape_cast %get3A_981 : vector<1x16xf32> to vector<16xf32>
        %get3A_983 = arith.constant 0 : i32
        %get3A_984 = arith.index_cast %get3A_983 : i32 to index
        %get3A_985 = arith.constant 576 : index
        %get3A_986 = tpu.vector_load %arg5[%get3A_984, %get3A_985] {strides = array<i32>} : memref<96x1024xf32, #tpu.memory_space<vmem>>, vector<1x16xf32>,
        %get3A_987 = vector.shape_cast %get3A_986 : vector<1x16xf32> to vector<16xf32>
        %add3A_988 = arith.addf %get3A_982, %get3A_987 : vector<16xf32>
        %mul3A_989 = arith.constant 5.000000e-01 : f32
        %mul3A_990 = vector.broadcast %mul3A_989 : f32 to vector<16xf32>
        %mul3A_991 = arith.mulf %mul3A_990, %add3A_988 : vector<16xf32>
        %swap3A_992 = arith.constant 0 : i32
        %swap3A_993 = arith.index_cast %swap3A_992 : i32 to index
        %swap3A_994 = arith.constant 576 : index
        %swap3A_995 = tpu.vector_load %arg5[%swap3A_993, %swap3A_994] {strides = array<i32>} : memref<96x1024xf32, #tpu.memory_space<vmem>>, vector<1x16xf32>,
        %swap3A_996 = vector.shape_cast %swap3A_995 : vector<1x16xf32> to vector<16xf32>
        %swap3A_997 = vector.shape_cast %mul3A_991 : vector<16xf32> to vector<1x16xf32>
        tpu.vector_store %arg5[%swap3A_993, %swap3A_994], %swap3A_997 {strides = array<i32>} : memref<96x1024xf32, #tpu.memory_space<vmem>>, vector<1x16xf32>,
        %get3A_998 = arith.constant 0 : i32
        %get3A_999 = arith.index_cast %get3A_998 : i32 to index
        %get3A_1000 = arith.constant 592 : index
        %get3A_1001 = tpu.vector_load %arg7[%get3A_999, %get3A_1000] {strides = array<i32>} : memref<1x1024xf32, #tpu.memory_space<vmem>>, vector<1x16xf32>,
        %get3A_1002 = vector.shape_cast %get3A_1001 : vector<1x16xf32> to vector<16xf32>
        %get3A_1003 = arith.constant 0 : i32
        %get3A_1004 = arith.index_cast %get3A_1003 : i32 to index
        %get3A_1005 = arith.constant 592 : index
        %get3A_1006 = tpu.vector_load %arg5[%get3A_1004, %get3A_1005] {strides = array<i32>} : memref<96x1024xf32, #tpu.memory_space<vmem>>, vector<1x16xf32>,
        %get3A_1007 = vector.shape_cast %get3A_1006 : vector<1x16xf32> to vector<16xf32>
        %add3A_1008 = arith.addf %get3A_1002, %get3A_1007 : vector<16xf32>
        %mul3A_1009 = arith.constant 5.000000e-01 : f32
        %mul3A_1010 = vector.broadcast %mul3A_1009 : f32 to vector<16xf32>
        %mul3A_1011 = arith.mulf %mul3A_1010, %add3A_1008 : vector<16xf32>
        %swap3A_1012 = arith.constant 0 : i32
        %swap3A_1013 = arith.index_cast %swap3A_1012 : i32 to index
        %swap3A_1014 = arith.constant 592 : index
        %swap3A_1015 = tpu.vector_load %arg5[%swap3A_1013, %swap3A_1014] {strides = array<i32>} : memref<96x1024xf32, #tpu.memory_space<vmem>>, vector<1x16xf32>,
        %swap3A_1016 = vector.shape_cast %swap3A_1015 : vector<1x16xf32> to vector<16xf32>
        %swap3A_1017 = vector.shape_cast %mul3A_1011 : vector<16xf32> to vector<1x16xf32>
        tpu.vector_store %arg5[%swap3A_1013, %swap3A_1014], %swap3A_1017 {strides = array<i32>} : memref<96x1024xf32, #tpu.memory_space<vmem>>, vector<1x16xf32>,
        %get3A_1018 = arith.constant 0 : i32
        %get3A_1019 = arith.index_cast %get3A_1018 : i32 to index
        %get3A_1020 = arith.constant 608 : index
        %get3A_1021 = tpu.vector_load %arg7[%get3A_1019, %get3A_1020] {strides = array<i32>} : memref<1x1024xf32, #tpu.memory_space<vmem>>, vector<1x16xf32>,
        %get3A_1022 = vector.shape_cast %get3A_1021 : vector<1x16xf32> to vector<16xf32>
        %get3A_1023 = arith.constant 0 : i32
        %get3A_1024 = arith.index_cast %get3A_1023 : i32 to index
        %get3A_1025 = arith.constant 608 : index
        %get3A_1026 = tpu.vector_load %arg5[%get3A_1024, %get3A_1025] {strides = array<i32>} : memref<96x1024xf32, #tpu.memory_space<vmem>>, vector<1x16xf32>,
        %get3A_1027 = vector.shape_cast %get3A_1026 : vector<1x16xf32> to vector<16xf32>
        %add3A_1028 = arith.addf %get3A_1022, %get3A_1027 : vector<16xf32>
        %mul3A_1029 = arith.constant 5.000000e-01 : f32
        %mul3A_1030 = vector.broadcast %mul3A_1029 : f32 to vector<16xf32>
        %mul3A_1031 = arith.mulf %mul3A_1030, %add3A_1028 : vector<16xf32>
        %swap3A_1032 = arith.constant 0 : i32
        %swap3A_1033 = arith.index_cast %swap3A_1032 : i32 to index
        %swap3A_1034 = arith.constant 608 : index
        %swap3A_1035 = tpu.vector_load %arg5[%swap3A_1033, %swap3A_1034] {strides = array<i32>} : memref<96x1024xf32, #tpu.memory_space<vmem>>, vector<1x16xf32>,
        %swap3A_1036 = vector.shape_cast %swap3A_1035 : vector<1x16xf32> to vector<16xf32>
        %swap3A_1037 = vector.shape_cast %mul3A_1031 : vector<16xf32> to vector<1x16xf32>
        tpu.vector_store %arg5[%swap3A_1033, %swap3A_1034], %swap3A_1037 {strides = array<i32>} : memref<96x1024xf32, #tpu.memory_space<vmem>>, vector<1x16xf32>,
        %get3A_1038 = arith.constant 0 : i32
        %get3A_1039 = arith.index_cast %get3A_1038 : i32 to index
        %get3A_1040 = arith.constant 624 : index
        %get3A_1041 = tpu.vector_load %arg7[%get3A_1039, %get3A_1040] {strides = array<i32>} : memref<1x1024xf32, #tpu.memory_space<vmem>>, vector<1x16xf32>,
        %get3A_1042 = vector.shape_cast %get3A_1041 : vector<1x16xf32> to vector<16xf32>
        %get3A_1043 = arith.constant 0 : i32
        %get3A_1044 = arith.index_cast %get3A_1043 : i32 to index
        %get3A_1045 = arith.constant 624 : index
        %get3A_1046 = tpu.vector_load %arg5[%get3A_1044, %get3A_1045] {strides = array<i32>} : memref<96x1024xf32, #tpu.memory_space<vmem>>, vector<1x16xf32>,
        %get3A_1047 = vector.shape_cast %get3A_1046 : vector<1x16xf32> to vector<16xf32>
        %add3A_1048 = arith.addf %get3A_1042, %get3A_1047 : vector<16xf32>
        %mul3A_1049 = arith.constant 5.000000e-01 : f32
        %mul3A_1050 = vector.broadcast %mul3A_1049 : f32 to vector<16xf32>
        %mul3A_1051 = arith.mulf %mul3A_1050, %add3A_1048 : vector<16xf32>
        %swap3A_1052 = arith.constant 0 : i32
        %swap3A_1053 = arith.index_cast %swap3A_1052 : i32 to index
        %swap3A_1054 = arith.constant 624 : index
        %swap3A_1055 = tpu.vector_load %arg5[%swap3A_1053, %swap3A_1054] {strides = array<i32>} : memref<96x1024xf32, #tpu.memory_space<vmem>>, vector<1x16xf32>,
        %swap3A_1056 = vector.shape_cast %swap3A_1055 : vector<1x16xf32> to vector<16xf32>
        %swap3A_1057 = vector.shape_cast %mul3A_1051 : vector<16xf32> to vector<1x16xf32>
        tpu.vector_store %arg5[%swap3A_1053, %swap3A_1054], %swap3A_1057 {strides = array<i32>} : memref<96x1024xf32, #tpu.memory_space<vmem>>, vector<1x16xf32>,
        %get3A_1058 = arith.constant 0 : i32
        %get3A_1059 = arith.index_cast %get3A_1058 : i32 to index
        %get3A_1060 = arith.constant 640 : index
        %get3A_1061 = tpu.vector_load %arg7[%get3A_1059, %get3A_1060] {strides = array<i32>} : memref<1x1024xf32, #tpu.memory_space<vmem>>, vector<1x16xf32>,
        %get3A_1062 = vector.shape_cast %get3A_1061 : vector<1x16xf32> to vector<16xf32>
        %get3A_1063 = arith.constant 0 : i32
        %get3A_1064 = arith.index_cast %get3A_1063 : i32 to index
        %get3A_1065 = arith.constant 640 : index
        %get3A_1066 = tpu.vector_load %arg5[%get3A_1064, %get3A_1065] {strides = array<i32>} : memref<96x1024xf32, #tpu.memory_space<vmem>>, vector<1x16xf32>,
        %get3A_1067 = vector.shape_cast %get3A_1066 : vector<1x16xf32> to vector<16xf32>
        %add3A_1068 = arith.addf %get3A_1062, %get3A_1067 : vector<16xf32>
        %mul3A_1069 = arith.constant 5.000000e-01 : f32
        %mul3A_1070 = vector.broadcast %mul3A_1069 : f32 to vector<16xf32>
        %mul3A_1071 = arith.mulf %mul3A_1070, %add3A_1068 : vector<16xf32>
        %swap3A_1072 = arith.constant 0 : i32
        %swap3A_1073 = arith.index_cast %swap3A_1072 : i32 to index
        %swap3A_1074 = arith.constant 640 : index
        %swap3A_1075 = tpu.vector_load %arg5[%swap3A_1073, %swap3A_1074] {strides = array<i32>} : memref<96x1024xf32, #tpu.memory_space<vmem>>, vector<1x16xf32>,
        %swap3A_1076 = vector.shape_cast %swap3A_1075 : vector<1x16xf32> to vector<16xf32>
        %swap3A_1077 = vector.shape_cast %mul3A_1071 : vector<16xf32> to vector<1x16xf32>
        tpu.vector_store %arg5[%swap3A_1073, %swap3A_1074], %swap3A_1077 {strides = array<i32>} : memref<96x1024xf32, #tpu.memory_space<vmem>>, vector<1x16xf32>,
        %get3A_1078 = arith.constant 0 : i32
        %get3A_1079 = arith.index_cast %get3A_1078 : i32 to index
        %get3A_1080 = arith.constant 656 : index
        %get3A_1081 = tpu.vector_load %arg7[%get3A_1079, %get3A_1080] {strides = array<i32>} : memref<1x1024xf32, #tpu.memory_space<vmem>>, vector<1x16xf32>,
        %get3A_1082 = vector.shape_cast %get3A_1081 : vector<1x16xf32> to vector<16xf32>
        %get3A_1083 = arith.constant 0 : i32
        %get3A_1084 = arith.index_cast %get3A_1083 : i32 to index
        %get3A_1085 = arith.constant 656 : index
        %get3A_1086 = tpu.vector_load %arg5[%get3A_1084, %get3A_1085] {strides = array<i32>} : memref<96x1024xf32, #tpu.memory_space<vmem>>, vector<1x16xf32>,
        %get3A_1087 = vector.shape_cast %get3A_1086 : vector<1x16xf32> to vector<16xf32>
        %add3A_1088 = arith.addf %get3A_1082, %get3A_1087 : vector<16xf32>
        %mul3A_1089 = arith.constant 5.000000e-01 : f32
        %mul3A_1090 = vector.broadcast %mul3A_1089 : f32 to vector<16xf32>
        %mul3A_1091 = arith.mulf %mul3A_1090, %add3A_1088 : vector<16xf32>
        %swap3A_1092 = arith.constant 0 : i32
        %swap3A_1093 = arith.index_cast %swap3A_1092 : i32 to index
        %swap3A_1094 = arith.constant 656 : index
        %swap3A_1095 = tpu.vector_load %arg5[%swap3A_1093, %swap3A_1094] {strides = array<i32>} : memref<96x1024xf32, #tpu.memory_space<vmem>>, vector<1x16xf32>,
        %swap3A_1096 = vector.shape_cast %swap3A_1095 : vector<1x16xf32> to vector<16xf32>
        %swap3A_1097 = vector.shape_cast %mul3A_1091 : vector<16xf32> to vector<1x16xf32>
        tpu.vector_store %arg5[%swap3A_1093, %swap3A_1094], %swap3A_1097 {strides = array<i32>} : memref<96x1024xf32, #tpu.memory_space<vmem>>, vector<1x16xf32>,
        %get3A_1098 = arith.constant 0 : i32
        %get3A_1099 = arith.index_cast %get3A_1098 : i32 to index
        %get3A_1100 = arith.constant 672 : index
        %get3A_1101 = tpu.vector_load %arg7[%get3A_1099, %get3A_1100] {strides = array<i32>} : memref<1x1024xf32, #tpu.memory_space<vmem>>, vector<1x16xf32>,
        %get3A_1102 = vector.shape_cast %get3A_1101 : vector<1x16xf32> to vector<16xf32>
        %get3A_1103 = arith.constant 0 : i32
        %get3A_1104 = arith.index_cast %get3A_1103 : i32 to index
        %get3A_1105 = arith.constant 672 : index
        %get3A_1106 = tpu.vector_load %arg5[%get3A_1104, %get3A_1105] {strides = array<i32>} : memref<96x1024xf32, #tpu.memory_space<vmem>>, vector<1x16xf32>,
        %get3A_1107 = vector.shape_cast %get3A_1106 : vector<1x16xf32> to vector<16xf32>
        %add3A_1108 = arith.addf %get3A_1102, %get3A_1107 : vector<16xf32>
        %mul3A_1109 = arith.constant 5.000000e-01 : f32
        %mul3A_1110 = vector.broadcast %mul3A_1109 : f32 to vector<16xf32>
        %mul3A_1111 = arith.mulf %mul3A_1110, %add3A_1108 : vector<16xf32>
        %swap3A_1112 = arith.constant 0 : i32
        %swap3A_1113 = arith.index_cast %swap3A_1112 : i32 to index
        %swap3A_1114 = arith.constant 672 : index
        %swap3A_1115 = tpu.vector_load %arg5[%swap3A_1113, %swap3A_1114] {strides = array<i32>} : memref<96x1024xf32, #tpu.memory_space<vmem>>, vector<1x16xf32>,
        %swap3A_1116 = vector.shape_cast %swap3A_1115 : vector<1x16xf32> to vector<16xf32>
        %swap3A_1117 = vector.shape_cast %mul3A_1111 : vector<16xf32> to vector<1x16xf32>
        tpu.vector_store %arg5[%swap3A_1113, %swap3A_1114], %swap3A_1117 {strides = array<i32>} : memref<96x1024xf32, #tpu.memory_space<vmem>>, vector<1x16xf32>,
        %get3A_1118 = arith.constant 0 : i32
        %get3A_1119 = arith.index_cast %get3A_1118 : i32 to index
        %get3A_1120 = arith.constant 688 : index
        %get3A_1121 = tpu.vector_load %arg7[%get3A_1119, %get3A_1120] {strides = array<i32>} : memref<1x1024xf32, #tpu.memory_space<vmem>>, vector<1x16xf32>,
        %get3A_1122 = vector.shape_cast %get3A_1121 : vector<1x16xf32> to vector<16xf32>
        %get3A_1123 = arith.constant 0 : i32
        %get3A_1124 = arith.index_cast %get3A_1123 : i32 to index
        %get3A_1125 = arith.constant 688 : index
        %get3A_1126 = tpu.vector_load %arg5[%get3A_1124, %get3A_1125] {strides = array<i32>} : memref<96x1024xf32, #tpu.memory_space<vmem>>, vector<1x16xf32>,
        %get3A_1127 = vector.shape_cast %get3A_1126 : vector<1x16xf32> to vector<16xf32>
        %add3A_1128 = arith.addf %get3A_1122, %get3A_1127 : vector<16xf32>
        %mul3A_1129 = arith.constant 5.000000e-01 : f32
        %mul3A_1130 = vector.broadcast %mul3A_1129 : f32 to vector<16xf32>
        %mul3A_1131 = arith.mulf %mul3A_1130, %add3A_1128 : vector<16xf32>
        %swap3A_1132 = arith.constant 0 : i32
        %swap3A_1133 = arith.index_cast %swap3A_1132 : i32 to index
        %swap3A_1134 = arith.constant 688 : index
        %swap3A_1135 = tpu.vector_load %arg5[%swap3A_1133, %swap3A_1134] {strides = array<i32>} : memref<96x1024xf32, #tpu.memory_space<vmem>>, vector<1x16xf32>,
        %swap3A_1136 = vector.shape_cast %swap3A_1135 : vector<1x16xf32> to vector<16xf32>
        %swap3A_1137 = vector.shape_cast %mul3A_1131 : vector<16xf32> to vector<1x16xf32>
        tpu.vector_store %arg5[%swap3A_1133, %swap3A_1134], %swap3A_1137 {strides = array<i32>} : memref<96x1024xf32, #tpu.memory_space<vmem>>, vector<1x16xf32>,
        %get3A_1138 = arith.constant 0 : i32
        %get3A_1139 = arith.index_cast %get3A_1138 : i32 to index
        %get3A_1140 = arith.constant 704 : index
        %get3A_1141 = tpu.vector_load %arg7[%get3A_1139, %get3A_1140] {strides = array<i32>} : memref<1x1024xf32, #tpu.memory_space<vmem>>, vector<1x16xf32>,
        %get3A_1142 = vector.shape_cast %get3A_1141 : vector<1x16xf32> to vector<16xf32>
        %get3A_1143 = arith.constant 0 : i32
        %get3A_1144 = arith.index_cast %get3A_1143 : i32 to index
        %get3A_1145 = arith.constant 704 : index
        %get3A_1146 = tpu.vector_load %arg5[%get3A_1144, %get3A_1145] {strides = array<i32>} : memref<96x1024xf32, #tpu.memory_space<vmem>>, vector<1x16xf32>,
        %get3A_1147 = vector.shape_cast %get3A_1146 : vector<1x16xf32> to vector<16xf32>
        %add3A_1148 = arith.addf %get3A_1142, %get3A_1147 : vector<16xf32>
        %mul3A_1149 = arith.constant 5.000000e-01 : f32
        %mul3A_1150 = vector.broadcast %mul3A_1149 : f32 to vector<16xf32>
        %mul3A_1151 = arith.mulf %mul3A_1150, %add3A_1148 : vector<16xf32>
        %swap3A_1152 = arith.constant 0 : i32
        %swap3A_1153 = arith.index_cast %swap3A_1152 : i32 to index
        %swap3A_1154 = arith.constant 704 : index
        %swap3A_1155 = tpu.vector_load %arg5[%swap3A_1153, %swap3A_1154] {strides = array<i32>} : memref<96x1024xf32, #tpu.memory_space<vmem>>, vector<1x16xf32>,
        %swap3A_1156 = vector.shape_cast %swap3A_1155 : vector<1x16xf32> to vector<16xf32>
        %swap3A_1157 = vector.shape_cast %mul3A_1151 : vector<16xf32> to vector<1x16xf32>
        tpu.vector_store %arg5[%swap3A_1153, %swap3A_1154], %swap3A_1157 {strides = array<i32>} : memref<96x1024xf32, #tpu.memory_space<vmem>>, vector<1x16xf32>,
        %get3A_1158 = arith.constant 0 : i32
        %get3A_1159 = arith.index_cast %get3A_1158 : i32 to index
        %get3A_1160 = arith.constant 720 : index
        %get3A_1161 = tpu.vector_load %arg7[%get3A_1159, %get3A_1160] {strides = array<i32>} : memref<1x1024xf32, #tpu.memory_space<vmem>>, vector<1x16xf32>,
        %get3A_1162 = vector.shape_cast %get3A_1161 : vector<1x16xf32> to vector<16xf32>
        %get3A_1163 = arith.constant 0 : i32
        %get3A_1164 = arith.index_cast %get3A_1163 : i32 to index
        %get3A_1165 = arith.constant 720 : index
        %get3A_1166 = tpu.vector_load %arg5[%get3A_1164, %get3A_1165] {strides = array<i32>} : memref<96x1024xf32, #tpu.memory_space<vmem>>, vector<1x16xf32>,
        %get3A_1167 = vector.shape_cast %get3A_1166 : vector<1x16xf32> to vector<16xf32>
        %add3A_1168 = arith.addf %get3A_1162, %get3A_1167 : vector<16xf32>
        %mul3A_1169 = arith.constant 5.000000e-01 : f32
        %mul3A_1170 = vector.broadcast %mul3A_1169 : f32 to vector<16xf32>
        %mul3A_1171 = arith.mulf %mul3A_1170, %add3A_1168 : vector<16xf32>
        %swap3A_1172 = arith.constant 0 : i32
        %swap3A_1173 = arith.index_cast %swap3A_1172 : i32 to index
        %swap3A_1174 = arith.constant 720 : index
        %swap3A_1175 = tpu.vector_load %arg5[%swap3A_1173, %swap3A_1174] {strides = array<i32>} : memref<96x1024xf32, #tpu.memory_space<vmem>>, vector<1x16xf32>,
        %swap3A_1176 = vector.shape_cast %swap3A_1175 : vector<1x16xf32> to vector<16xf32>
        %swap3A_1177 = vector.shape_cast %mul3A_1171 : vector<16xf32> to vector<1x16xf32>
        tpu.vector_store %arg5[%swap3A_1173, %swap3A_1174], %swap3A_1177 {strides = array<i32>} : memref<96x1024xf32, #tpu.memory_space<vmem>>, vector<1x16xf32>,
        %get3A_1178 = arith.constant 0 : i32
        %get3A_1179 = arith.index_cast %get3A_1178 : i32 to index
        %get3A_1180 = arith.constant 736 : index
        %get3A_1181 = tpu.vector_load %arg7[%get3A_1179, %get3A_1180] {strides = array<i32>} : memref<1x1024xf32, #tpu.memory_space<vmem>>, vector<1x16xf32>,
        %get3A_1182 = vector.shape_cast %get3A_1181 : vector<1x16xf32> to vector<16xf32>
        %get3A_1183 = arith.constant 0 : i32
        %get3A_1184 = arith.index_cast %get3A_1183 : i32 to index
        %get3A_1185 = arith.constant 736 : index
        %get3A_1186 = tpu.vector_load %arg5[%get3A_1184, %get3A_1185] {strides = array<i32>} : memref<96x1024xf32, #tpu.memory_space<vmem>>, vector<1x16xf32>,
        %get3A_1187 = vector.shape_cast %get3A_1186 : vector<1x16xf32> to vector<16xf32>
        %add3A_1188 = arith.addf %get3A_1182, %get3A_1187 : vector<16xf32>
        %mul3A_1189 = arith.constant 5.000000e-01 : f32
        %mul3A_1190 = vector.broadcast %mul3A_1189 : f32 to vector<16xf32>
        %mul3A_1191 = arith.mulf %mul3A_1190, %add3A_1188 : vector<16xf32>
        %swap3A_1192 = arith.constant 0 : i32
        %swap3A_1193 = arith.index_cast %swap3A_1192 : i32 to index
        %swap3A_1194 = arith.constant 736 : index
        %swap3A_1195 = tpu.vector_load %arg5[%swap3A_1193, %swap3A_1194] {strides = array<i32>} : memref<96x1024xf32, #tpu.memory_space<vmem>>, vector<1x16xf32>,
        %swap3A_1196 = vector.shape_cast %swap3A_1195 : vector<1x16xf32> to vector<16xf32>
        %swap3A_1197 = vector.shape_cast %mul3A_1191 : vector<16xf32> to vector<1x16xf32>
        tpu.vector_store %arg5[%swap3A_1193, %swap3A_1194], %swap3A_1197 {strides = array<i32>} : memref<96x1024xf32, #tpu.memory_space<vmem>>, vector<1x16xf32>,
        %get3A_1198 = arith.constant 0 : i32
        %get3A_1199 = arith.index_cast %get3A_1198 : i32 to index
        %get3A_1200 = arith.constant 752 : index
        %get3A_1201 = tpu.vector_load %arg7[%get3A_1199, %get3A_1200] {strides = array<i32>} : memref<1x1024xf32, #tpu.memory_space<vmem>>, vector<1x16xf32>,
        %get3A_1202 = vector.shape_cast %get3A_1201 : vector<1x16xf32> to vector<16xf32>
        %get3A_1203 = arith.constant 0 : i32
        %get3A_1204 = arith.index_cast %get3A_1203 : i32 to index
        %get3A_1205 = arith.constant 752 : index
        %get3A_1206 = tpu.vector_load %arg5[%get3A_1204, %get3A_1205] {strides = array<i32>} : memref<96x1024xf32, #tpu.memory_space<vmem>>, vector<1x16xf32>,
        %get3A_1207 = vector.shape_cast %get3A_1206 : vector<1x16xf32> to vector<16xf32>
        %add3A_1208 = arith.addf %get3A_1202, %get3A_1207 : vector<16xf32>
        %mul3A_1209 = arith.constant 5.000000e-01 : f32
        %mul3A_1210 = vector.broadcast %mul3A_1209 : f32 to vector<16xf32>
        %mul3A_1211 = arith.mulf %mul3A_1210, %add3A_1208 : vector<16xf32>
        %swap3A_1212 = arith.constant 0 : i32
        %swap3A_1213 = arith.index_cast %swap3A_1212 : i32 to index
        %swap3A_1214 = arith.constant 752 : index
        %swap3A_1215 = tpu.vector_load %arg5[%swap3A_1213, %swap3A_1214] {strides = array<i32>} : memref<96x1024xf32, #tpu.memory_space<vmem>>, vector<1x16xf32>,
        %swap3A_1216 = vector.shape_cast %swap3A_1215 : vector<1x16xf32> to vector<16xf32>
        %swap3A_1217 = vector.shape_cast %mul3A_1211 : vector<16xf32> to vector<1x16xf32>
        tpu.vector_store %arg5[%swap3A_1213, %swap3A_1214], %swap3A_1217 {strides = array<i32>} : memref<96x1024xf32, #tpu.memory_space<vmem>>, vector<1x16xf32>,
        %get3A_1218 = arith.constant 0 : i32
        %get3A_1219 = arith.index_cast %get3A_1218 : i32 to index
        %get3A_1220 = arith.constant 768 : index
        %get3A_1221 = tpu.vector_load %arg7[%get3A_1219, %get3A_1220] {strides = array<i32>} : memref<1x1024xf32, #tpu.memory_space<vmem>>, vector<1x16xf32>,
        %get3A_1222 = vector.shape_cast %get3A_1221 : vector<1x16xf32> to vector<16xf32>
        %get3A_1223 = arith.constant 0 : i32
        %get3A_1224 = arith.index_cast %get3A_1223 : i32 to index
        %get3A_1225 = arith.constant 768 : index
        %get3A_1226 = tpu.vector_load %arg5[%get3A_1224, %get3A_1225] {strides = array<i32>} : memref<96x1024xf32, #tpu.memory_space<vmem>>, vector<1x16xf32>,
        %get3A_1227 = vector.shape_cast %get3A_1226 : vector<1x16xf32> to vector<16xf32>
        %add3A_1228 = arith.addf %get3A_1222, %get3A_1227 : vector<16xf32>
        %mul3A_1229 = arith.constant 5.000000e-01 : f32
        %mul3A_1230 = vector.broadcast %mul3A_1229 : f32 to vector<16xf32>
        %mul3A_1231 = arith.mulf %mul3A_1230, %add3A_1228 : vector<16xf32>
        %swap3A_1232 = arith.constant 0 : i32
        %swap3A_1233 = arith.index_cast %swap3A_1232 : i32 to index
        %swap3A_1234 = arith.constant 768 : index
        %swap3A_1235 = tpu.vector_load %arg5[%swap3A_1233, %swap3A_1234] {strides = array<i32>} : memref<96x1024xf32, #tpu.memory_space<vmem>>, vector<1x16xf32>,
        %swap3A_1236 = vector.shape_cast %swap3A_1235 : vector<1x16xf32> to vector<16xf32>
        %swap3A_1237 = vector.shape_cast %mul3A_1231 : vector<16xf32> to vector<1x16xf32>
        tpu.vector_store %arg5[%swap3A_1233, %swap3A_1234], %swap3A_1237 {strides = array<i32>} : memref<96x1024xf32, #tpu.memory_space<vmem>>, vector<1x16xf32>,
        %get3A_1238 = arith.constant 0 : i32
        %get3A_1239 = arith.index_cast %get3A_1238 : i32 to index
        %get3A_1240 = arith.constant 784 : index
        %get3A_1241 = tpu.vector_load %arg7[%get3A_1239, %get3A_1240] {strides = array<i32>} : memref<1x1024xf32, #tpu.memory_space<vmem>>, vector<1x16xf32>,
        %get3A_1242 = vector.shape_cast %get3A_1241 : vector<1x16xf32> to vector<16xf32>
        %get3A_1243 = arith.constant 0 : i32
        %get3A_1244 = arith.index_cast %get3A_1243 : i32 to index
        %get3A_1245 = arith.constant 784 : index
        %get3A_1246 = tpu.vector_load %arg5[%get3A_1244, %get3A_1245] {strides = array<i32>} : memref<96x1024xf32, #tpu.memory_space<vmem>>, vector<1x16xf32>,
        %get3A_1247 = vector.shape_cast %get3A_1246 : vector<1x16xf32> to vector<16xf32>
        %add3A_1248 = arith.addf %get3A_1242, %get3A_1247 : vector<16xf32>
        %mul3A_1249 = arith.constant 5.000000e-01 : f32
        %mul3A_1250 = vector.broadcast %mul3A_1249 : f32 to vector<16xf32>
        %mul3A_1251 = arith.mulf %mul3A_1250, %add3A_1248 : vector<16xf32>
        %swap3A_1252 = arith.constant 0 : i32
        %swap3A_1253 = arith.index_cast %swap3A_1252 : i32 to index
        %swap3A_1254 = arith.constant 784 : index
        %swap3A_1255 = tpu.vector_load %arg5[%swap3A_1253, %swap3A_1254] {strides = array<i32>} : memref<96x1024xf32, #tpu.memory_space<vmem>>, vector<1x16xf32>,
        %swap3A_1256 = vector.shape_cast %swap3A_1255 : vector<1x16xf32> to vector<16xf32>
        %swap3A_1257 = vector.shape_cast %mul3A_1251 : vector<16xf32> to vector<1x16xf32>
        tpu.vector_store %arg5[%swap3A_1253, %swap3A_1254], %swap3A_1257 {strides = array<i32>} : memref<96x1024xf32, #tpu.memory_space<vmem>>, vector<1x16xf32>,
        %get3A_1258 = arith.constant 0 : i32
        %get3A_1259 = arith.index_cast %get3A_1258 : i32 to index
        %get3A_1260 = arith.constant 800 : index
        %get3A_1261 = tpu.vector_load %arg7[%get3A_1259, %get3A_1260] {strides = array<i32>} : memref<1x1024xf32, #tpu.memory_space<vmem>>, vector<1x16xf32>,
        %get3A_1262 = vector.shape_cast %get3A_1261 : vector<1x16xf32> to vector<16xf32>
        %get3A_1263 = arith.constant 0 : i32
        %get3A_1264 = arith.index_cast %get3A_1263 : i32 to index
        %get3A_1265 = arith.constant 800 : index
        %get3A_1266 = tpu.vector_load %arg5[%get3A_1264, %get3A_1265] {strides = array<i32>} : memref<96x1024xf32, #tpu.memory_space<vmem>>, vector<1x16xf32>,
        %get3A_1267 = vector.shape_cast %get3A_1266 : vector<1x16xf32> to vector<16xf32>
        %add3A_1268 = arith.addf %get3A_1262, %get3A_1267 : vector<16xf32>
        %mul3A_1269 = arith.constant 5.000000e-01 : f32
        %mul3A_1270 = vector.broadcast %mul3A_1269 : f32 to vector<16xf32>
        %mul3A_1271 = arith.mulf %mul3A_1270, %add3A_1268 : vector<16xf32>
        %swap3A_1272 = arith.constant 0 : i32
        %swap3A_1273 = arith.index_cast %swap3A_1272 : i32 to index
        %swap3A_1274 = arith.constant 800 : index
        %swap3A_1275 = tpu.vector_load %arg5[%swap3A_1273, %swap3A_1274] {strides = array<i32>} : memref<96x1024xf32, #tpu.memory_space<vmem>>, vector<1x16xf32>,
        %swap3A_1276 = vector.shape_cast %swap3A_1275 : vector<1x16xf32> to vector<16xf32>
        %swap3A_1277 = vector.shape_cast %mul3A_1271 : vector<16xf32> to vector<1x16xf32>
        tpu.vector_store %arg5[%swap3A_1273, %swap3A_1274], %swap3A_1277 {strides = array<i32>} : memref<96x1024xf32, #tpu.memory_space<vmem>>, vector<1x16xf32>,
        %get3A_1278 = arith.constant 0 : i32
        %get3A_1279 = arith.index_cast %get3A_1278 : i32 to index
        %get3A_1280 = arith.constant 816 : index
        %get3A_1281 = tpu.vector_load %arg7[%get3A_1279, %get3A_1280] {strides = array<i32>} : memref<1x1024xf32, #tpu.memory_space<vmem>>, vector<1x16xf32>,
        %get3A_1282 = vector.shape_cast %get3A_1281 : vector<1x16xf32> to vector<16xf32>
        %get3A_1283 = arith.constant 0 : i32
        %get3A_1284 = arith.index_cast %get3A_1283 : i32 to index
        %get3A_1285 = arith.constant 816 : index
        %get3A_1286 = tpu.vector_load %arg5[%get3A_1284, %get3A_1285] {strides = array<i32>} : memref<96x1024xf32, #tpu.memory_space<vmem>>, vector<1x16xf32>,
        %get3A_1287 = vector.shape_cast %get3A_1286 : vector<1x16xf32> to vector<16xf32>
        %add3A_1288 = arith.addf %get3A_1282, %get3A_1287 : vector<16xf32>
        %mul3A_1289 = arith.constant 5.000000e-01 : f32
        %mul3A_1290 = vector.broadcast %mul3A_1289 : f32 to vector<16xf32>
        %mul3A_1291 = arith.mulf %mul3A_1290, %add3A_1288 : vector<16xf32>
        %swap3A_1292 = arith.constant 0 : i32
        %swap3A_1293 = arith.index_cast %swap3A_1292 : i32 to index
        %swap3A_1294 = arith.constant 816 : index
        %swap3A_1295 = tpu.vector_load %arg5[%swap3A_1293, %swap3A_1294] {strides = array<i32>} : memref<96x1024xf32, #tpu.memory_space<vmem>>, vector<1x16xf32>,
        %swap3A_1296 = vector.shape_cast %swap3A_1295 : vector<1x16xf32> to vector<16xf32>
        %swap3A_1297 = vector.shape_cast %mul3A_1291 : vector<16xf32> to vector<1x16xf32>
        tpu.vector_store %arg5[%swap3A_1293, %swap3A_1294], %swap3A_1297 {strides = array<i32>} : memref<96x1024xf32, #tpu.memory_space<vmem>>, vector<1x16xf32>,
        %get3A_1298 = arith.constant 0 : i32
        %get3A_1299 = arith.index_cast %get3A_1298 : i32 to index
        %get3A_1300 = arith.constant 832 : index
        %get3A_1301 = tpu.vector_load %arg7[%get3A_1299, %get3A_1300] {strides = array<i32>} : memref<1x1024xf32, #tpu.memory_space<vmem>>, vector<1x16xf32>,
        %get3A_1302 = vector.shape_cast %get3A_1301 : vector<1x16xf32> to vector<16xf32>
        %get3A_1303 = arith.constant 0 : i32
        %get3A_1304 = arith.index_cast %get3A_1303 : i32 to index
        %get3A_1305 = arith.constant 832 : index
        %get3A_1306 = tpu.vector_load %arg5[%get3A_1304, %get3A_1305] {strides = array<i32>} : memref<96x1024xf32, #tpu.memory_space<vmem>>, vector<1x16xf32>,
        %get3A_1307 = vector.shape_cast %get3A_1306 : vector<1x16xf32> to vector<16xf32>
        %add3A_1308 = arith.addf %get3A_1302, %get3A_1307 : vector<16xf32>
        %mul3A_1309 = arith.constant 5.000000e-01 : f32
        %mul3A_1310 = vector.broadcast %mul3A_1309 : f32 to vector<16xf32>
        %mul3A_1311 = arith.mulf %mul3A_1310, %add3A_1308 : vector<16xf32>
        %swap3A_1312 = arith.constant 0 : i32
        %swap3A_1313 = arith.index_cast %swap3A_1312 : i32 to index
        %swap3A_1314 = arith.constant 832 : index
        %swap3A_1315 = tpu.vector_load %arg5[%swap3A_1313, %swap3A_1314] {strides = array<i32>} : memref<96x1024xf32, #tpu.memory_space<vmem>>, vector<1x16xf32>,
        %swap3A_1316 = vector.shape_cast %swap3A_1315 : vector<1x16xf32> to vector<16xf32>
        %swap3A_1317 = vector.shape_cast %mul3A_1311 : vector<16xf32> to vector<1x16xf32>
        tpu.vector_store %arg5[%swap3A_1313, %swap3A_1314], %swap3A_1317 {strides = array<i32>} : memref<96x1024xf32, #tpu.memory_space<vmem>>, vector<1x16xf32>,
        %get3A_1318 = arith.constant 0 : i32
        %get3A_1319 = arith.index_cast %get3A_1318 : i32 to index
        %get3A_1320 = arith.constant 848 : index
        %get3A_1321 = tpu.vector_load %arg7[%get3A_1319, %get3A_1320] {strides = array<i32>} : memref<1x1024xf32, #tpu.memory_space<vmem>>, vector<1x16xf32>,
        %get3A_1322 = vector.shape_cast %get3A_1321 : vector<1x16xf32> to vector<16xf32>
        %get3A_1323 = arith.constant 0 : i32
        %get3A_1324 = arith.index_cast %get3A_1323 : i32 to index
        %get3A_1325 = arith.constant 848 : index
        %get3A_1326 = tpu.vector_load %arg5[%get3A_1324, %get3A_1325] {strides = array<i32>} : memref<96x1024xf32, #tpu.memory_space<vmem>>, vector<1x16xf32>,
        %get3A_1327 = vector.shape_cast %get3A_1326 : vector<1x16xf32> to vector<16xf32>
        %add3A_1328 = arith.addf %get3A_1322, %get3A_1327 : vector<16xf32>
        %mul3A_1329 = arith.constant 5.000000e-01 : f32
        %mul3A_1330 = vector.broadcast %mul3A_1329 : f32 to vector<16xf32>
        %mul3A_1331 = arith.mulf %mul3A_1330, %add3A_1328 : vector<16xf32>
        %swap3A_1332 = arith.constant 0 : i32
        %swap3A_1333 = arith.index_cast %swap3A_1332 : i32 to index
        %swap3A_1334 = arith.constant 848 : index
        %swap3A_1335 = tpu.vector_load %arg5[%swap3A_1333, %swap3A_1334] {strides = array<i32>} : memref<96x1024xf32, #tpu.memory_space<vmem>>, vector<1x16xf32>,
        %swap3A_1336 = vector.shape_cast %swap3A_1335 : vector<1x16xf32> to vector<16xf32>
        %swap3A_1337 = vector.shape_cast %mul3A_1331 : vector<16xf32> to vector<1x16xf32>
        tpu.vector_store %arg5[%swap3A_1333, %swap3A_1334], %swap3A_1337 {strides = array<i32>} : memref<96x1024xf32, #tpu.memory_space<vmem>>, vector<1x16xf32>,
        %get3A_1338 = arith.constant 0 : i32
        %get3A_1339 = arith.index_cast %get3A_1338 : i32 to index
        %get3A_1340 = arith.constant 864 : index
        %get3A_1341 = tpu.vector_load %arg7[%get3A_1339, %get3A_1340] {strides = array<i32>} : memref<1x1024xf32, #tpu.memory_space<vmem>>, vector<1x16xf32>,
        %get3A_1342 = vector.shape_cast %get3A_1341 : vector<1x16xf32> to vector<16xf32>
        %get3A_1343 = arith.constant 0 : i32
        %get3A_1344 = arith.index_cast %get3A_1343 : i32 to index
        %get3A_1345 = arith.constant 864 : index
        %get3A_1346 = tpu.vector_load %arg5[%get3A_1344, %get3A_1345] {strides = array<i32>} : memref<96x1024xf32, #tpu.memory_space<vmem>>, vector<1x16xf32>,
        %get3A_1347 = vector.shape_cast %get3A_1346 : vector<1x16xf32> to vector<16xf32>
        %add3A_1348 = arith.addf %get3A_1342, %get3A_1347 : vector<16xf32>
        %mul3A_1349 = arith.constant 5.000000e-01 : f32
        %mul3A_1350 = vector.broadcast %mul3A_1349 : f32 to vector<16xf32>
        %mul3A_1351 = arith.mulf %mul3A_1350, %add3A_1348 : vector<16xf32>
        %swap3A_1352 = arith.constant 0 : i32
        %swap3A_1353 = arith.index_cast %swap3A_1352 : i32 to index
        %swap3A_1354 = arith.constant 864 : index
        %swap3A_1355 = tpu.vector_load %arg5[%swap3A_1353, %swap3A_1354] {strides = array<i32>} : memref<96x1024xf32, #tpu.memory_space<vmem>>, vector<1x16xf32>,
        %swap3A_1356 = vector.shape_cast %swap3A_1355 : vector<1x16xf32> to vector<16xf32>
        %swap3A_1357 = vector.shape_cast %mul3A_1351 : vector<16xf32> to vector<1x16xf32>
        tpu.vector_store %arg5[%swap3A_1353, %swap3A_1354], %swap3A_1357 {strides = array<i32>} : memref<96x1024xf32, #tpu.memory_space<vmem>>, vector<1x16xf32>,
        %get3A_1358 = arith.constant 0 : i32
        %get3A_1359 = arith.index_cast %get3A_1358 : i32 to index
        %get3A_1360 = arith.constant 880 : index
        %get3A_1361 = tpu.vector_load %arg7[%get3A_1359, %get3A_1360] {strides = array<i32>} : memref<1x1024xf32, #tpu.memory_space<vmem>>, vector<1x16xf32>,
        %get3A_1362 = vector.shape_cast %get3A_1361 : vector<1x16xf32> to vector<16xf32>
        %get3A_1363 = arith.constant 0 : i32
        %get3A_1364 = arith.index_cast %get3A_1363 : i32 to index
        %get3A_1365 = arith.constant 880 : index
        %get3A_1366 = tpu.vector_load %arg5[%get3A_1364, %get3A_1365] {strides = array<i32>} : memref<96x1024xf32, #tpu.memory_space<vmem>>, vector<1x16xf32>,
        %get3A_1367 = vector.shape_cast %get3A_1366 : vector<1x16xf32> to vector<16xf32>
        %add3A_1368 = arith.addf %get3A_1362, %get3A_1367 : vector<16xf32>
        %mul3A_1369 = arith.constant 5.000000e-01 : f32
        %mul3A_1370 = vector.broadcast %mul3A_1369 : f32 to vector<16xf32>
        %mul3A_1371 = arith.mulf %mul3A_1370, %add3A_1368 : vector<16xf32>
        %swap3A_1372 = arith.constant 0 : i32
        %swap3A_1373 = arith.index_cast %swap3A_1372 : i32 to index
        %swap3A_1374 = arith.constant 880 : index
        %swap3A_1375 = tpu.vector_load %arg5[%swap3A_1373, %swap3A_1374] {strides = array<i32>} : memref<96x1024xf32, #tpu.memory_space<vmem>>, vector<1x16xf32>,
        %swap3A_1376 = vector.shape_cast %swap3A_1375 : vector<1x16xf32> to vector<16xf32>
        %swap3A_1377 = vector.shape_cast %mul3A_1371 : vector<16xf32> to vector<1x16xf32>
        tpu.vector_store %arg5[%swap3A_1373, %swap3A_1374], %swap3A_1377 {strides = array<i32>} : memref<96x1024xf32, #tpu.memory_space<vmem>>, vector<1x16xf32>,
        %get3A_1378 = arith.constant 0 : i32
        %get3A_1379 = arith.index_cast %get3A_1378 : i32 to index
        %get3A_1380 = arith.constant 896 : index
        %get3A_1381 = tpu.vector_load %arg7[%get3A_1379, %get3A_1380] {strides = array<i32>} : memref<1x1024xf32, #tpu.memory_space<vmem>>, vector<1x16xf32>,
        %get3A_1382 = vector.shape_cast %get3A_1381 : vector<1x16xf32> to vector<16xf32>
        %get3A_1383 = arith.constant 0 : i32
        %get3A_1384 = arith.index_cast %get3A_1383 : i32 to index
        %get3A_1385 = arith.constant 896 : index
        %get3A_1386 = tpu.vector_load %arg5[%get3A_1384, %get3A_1385] {strides = array<i32>} : memref<96x1024xf32, #tpu.memory_space<vmem>>, vector<1x16xf32>,
        %get3A_1387 = vector.shape_cast %get3A_1386 : vector<1x16xf32> to vector<16xf32>
        %add3A_1388 = arith.addf %get3A_1382, %get3A_1387 : vector<16xf32>
        %mul3A_1389 = arith.constant 5.000000e-01 : f32
        %mul3A_1390 = vector.broadcast %mul3A_1389 : f32 to vector<16xf32>
        %mul3A_1391 = arith.mulf %mul3A_1390, %add3A_1388 : vector<16xf32>
        %swap3A_1392 = arith.constant 0 : i32
        %swap3A_1393 = arith.index_cast %swap3A_1392 : i32 to index
        %swap3A_1394 = arith.constant 896 : index
        %swap3A_1395 = tpu.vector_load %arg5[%swap3A_1393, %swap3A_1394] {strides = array<i32>} : memref<96x1024xf32, #tpu.memory_space<vmem>>, vector<1x16xf32>,
        %swap3A_1396 = vector.shape_cast %swap3A_1395 : vector<1x16xf32> to vector<16xf32>
        %swap3A_1397 = vector.shape_cast %mul3A_1391 : vector<16xf32> to vector<1x16xf32>
        tpu.vector_store %arg5[%swap3A_1393, %swap3A_1394], %swap3A_1397 {strides = array<i32>} : memref<96x1024xf32, #tpu.memory_space<vmem>>, vector<1x16xf32>,
        %get3A_1398 = arith.constant 0 : i32
        %get3A_1399 = arith.index_cast %get3A_1398 : i32 to index
        %get3A_1400 = arith.constant 912 : index
        %get3A_1401 = tpu.vector_load %arg7[%get3A_1399, %get3A_1400] {strides = array<i32>} : memref<1x1024xf32, #tpu.memory_space<vmem>>, vector<1x16xf32>,
        %get3A_1402 = vector.shape_cast %get3A_1401 : vector<1x16xf32> to vector<16xf32>
        %get3A_1403 = arith.constant 0 : i32
        %get3A_1404 = arith.index_cast %get3A_1403 : i32 to index
        %get3A_1405 = arith.constant 912 : index
        %get3A_1406 = tpu.vector_load %arg5[%get3A_1404, %get3A_1405] {strides = array<i32>} : memref<96x1024xf32, #tpu.memory_space<vmem>>, vector<1x16xf32>,
        %get3A_1407 = vector.shape_cast %get3A_1406 : vector<1x16xf32> to vector<16xf32>
        %add3A_1408 = arith.addf %get3A_1402, %get3A_1407 : vector<16xf32>
        %mul3A_1409 = arith.constant 5.000000e-01 : f32
        %mul3A_1410 = vector.broadcast %mul3A_1409 : f32 to vector<16xf32>
        %mul3A_1411 = arith.mulf %mul3A_1410, %add3A_1408 : vector<16xf32>
        %swap3A_1412 = arith.constant 0 : i32
        %swap3A_1413 = arith.index_cast %swap3A_1412 : i32 to index
        %swap3A_1414 = arith.constant 912 : index
        %swap3A_1415 = tpu.vector_load %arg5[%swap3A_1413, %swap3A_1414] {strides = array<i32>} : memref<96x1024xf32, #tpu.memory_space<vmem>>, vector<1x16xf32>,
        %swap3A_1416 = vector.shape_cast %swap3A_1415 : vector<1x16xf32> to vector<16xf32>
        %swap3A_1417 = vector.shape_cast %mul3A_1411 : vector<16xf32> to vector<1x16xf32>
        tpu.vector_store %arg5[%swap3A_1413, %swap3A_1414], %swap3A_1417 {strides = array<i32>} : memref<96x1024xf32, #tpu.memory_space<vmem>>, vector<1x16xf32>,
        %get3A_1418 = arith.constant 0 : i32
        %get3A_1419 = arith.index_cast %get3A_1418 : i32 to index
        %get3A_1420 = arith.constant 928 : index
        %get3A_1421 = tpu.vector_load %arg7[%get3A_1419, %get3A_1420] {strides = array<i32>} : memref<1x1024xf32, #tpu.memory_space<vmem>>, vector<1x16xf32>,
        %get3A_1422 = vector.shape_cast %get3A_1421 : vector<1x16xf32> to vector<16xf32>
        %get3A_1423 = arith.constant 0 : i32
        %get3A_1424 = arith.index_cast %get3A_1423 : i32 to index
        %get3A_1425 = arith.constant 928 : index
        %get3A_1426 = tpu.vector_load %arg5[%get3A_1424, %get3A_1425] {strides = array<i32>} : memref<96x1024xf32, #tpu.memory_space<vmem>>, vector<1x16xf32>,
        %get3A_1427 = vector.shape_cast %get3A_1426 : vector<1x16xf32> to vector<16xf32>
        %add3A_1428 = arith.addf %get3A_1422, %get3A_1427 : vector<16xf32>
        %mul3A_1429 = arith.constant 5.000000e-01 : f32
        %mul3A_1430 = vector.broadcast %mul3A_1429 : f32 to vector<16xf32>
        %mul3A_1431 = arith.mulf %mul3A_1430, %add3A_1428 : vector<16xf32>
        %swap3A_1432 = arith.constant 0 : i32
        %swap3A_1433 = arith.index_cast %swap3A_1432 : i32 to index
        %swap3A_1434 = arith.constant 928 : index
        %swap3A_1435 = tpu.vector_load %arg5[%swap3A_1433, %swap3A_1434] {strides = array<i32>} : memref<96x1024xf32, #tpu.memory_space<vmem>>, vector<1x16xf32>,
        %swap3A_1436 = vector.shape_cast %swap3A_1435 : vector<1x16xf32> to vector<16xf32>
        %swap3A_1437 = vector.shape_cast %mul3A_1431 : vector<16xf32> to vector<1x16xf32>
        tpu.vector_store %arg5[%swap3A_1433, %swap3A_1434], %swap3A_1437 {strides = array<i32>} : memref<96x1024xf32, #tpu.memory_space<vmem>>, vector<1x16xf32>,
        %get3A_1438 = arith.constant 0 : i32
        %get3A_1439 = arith.index_cast %get3A_1438 : i32 to index
        %get3A_1440 = arith.constant 944 : index
        %get3A_1441 = tpu.vector_load %arg7[%get3A_1439, %get3A_1440] {strides = array<i32>} : memref<1x1024xf32, #tpu.memory_space<vmem>>, vector<1x16xf32>,
        %get3A_1442 = vector.shape_cast %get3A_1441 : vector<1x16xf32> to vector<16xf32>
        %get3A_1443 = arith.constant 0 : i32
        %get3A_1444 = arith.index_cast %get3A_1443 : i32 to index
        %get3A_1445 = arith.constant 944 : index
        %get3A_1446 = tpu.vector_load %arg5[%get3A_1444, %get3A_1445] {strides = array<i32>} : memref<96x1024xf32, #tpu.memory_space<vmem>>, vector<1x16xf32>,
        %get3A_1447 = vector.shape_cast %get3A_1446 : vector<1x16xf32> to vector<16xf32>
        %add3A_1448 = arith.addf %get3A_1442, %get3A_1447 : vector<16xf32>
        %mul3A_1449 = arith.constant 5.000000e-01 : f32
        %mul3A_1450 = vector.broadcast %mul3A_1449 : f32 to vector<16xf32>
        %mul3A_1451 = arith.mulf %mul3A_1450, %add3A_1448 : vector<16xf32>
        %swap3A_1452 = arith.constant 0 : i32
        %swap3A_1453 = arith.index_cast %swap3A_1452 : i32 to index
        %swap3A_1454 = arith.constant 944 : index
        %swap3A_1455 = tpu.vector_load %arg5[%swap3A_1453, %swap3A_1454] {strides = array<i32>} : memref<96x1024xf32, #tpu.memory_space<vmem>>, vector<1x16xf32>,
        %swap3A_1456 = vector.shape_cast %swap3A_1455 : vector<1x16xf32> to vector<16xf32>
        %swap3A_1457 = vector.shape_cast %mul3A_1451 : vector<16xf32> to vector<1x16xf32>
        tpu.vector_store %arg5[%swap3A_1453, %swap3A_1454], %swap3A_1457 {strides = array<i32>} : memref<96x1024xf32, #tpu.memory_space<vmem>>, vector<1x16xf32>,
        %get3A_1458 = arith.constant 0 : i32
        %get3A_1459 = arith.index_cast %get3A_1458 : i32 to index
        %get3A_1460 = arith.constant 960 : index
        %get3A_1461 = tpu.vector_load %arg7[%get3A_1459, %get3A_1460] {strides = array<i32>} : memref<1x1024xf32, #tpu.memory_space<vmem>>, vector<1x16xf32>,
        %get3A_1462 = vector.shape_cast %get3A_1461 : vector<1x16xf32> to vector<16xf32>
        %get3A_1463 = arith.constant 0 : i32
        %get3A_1464 = arith.index_cast %get3A_1463 : i32 to index
        %get3A_1465 = arith.constant 960 : index
        %get3A_1466 = tpu.vector_load %arg5[%get3A_1464, %get3A_1465] {strides = array<i32>} : memref<96x1024xf32, #tpu.memory_space<vmem>>, vector<1x16xf32>,
        %get3A_1467 = vector.shape_cast %get3A_1466 : vector<1x16xf32> to vector<16xf32>
        %add3A_1468 = arith.addf %get3A_1462, %get3A_1467 : vector<16xf32>
        %mul3A_1469 = arith.constant 5.000000e-01 : f32
        %mul3A_1470 = vector.broadcast %mul3A_1469 : f32 to vector<16xf32>
        %mul3A_1471 = arith.mulf %mul3A_1470, %add3A_1468 : vector<16xf32>
        %swap3A_1472 = arith.constant 0 : i32
        %swap3A_1473 = arith.index_cast %swap3A_1472 : i32 to index
        %swap3A_1474 = arith.constant 960 : index
        %swap3A_1475 = tpu.vector_load %arg5[%swap3A_1473, %swap3A_1474] {strides = array<i32>} : memref<96x1024xf32, #tpu.memory_space<vmem>>, vector<1x16xf32>,
        %swap3A_1476 = vector.shape_cast %swap3A_1475 : vector<1x16xf32> to vector<16xf32>
        %swap3A_1477 = vector.shape_cast %mul3A_1471 : vector<16xf32> to vector<1x16xf32>
        tpu.vector_store %arg5[%swap3A_1473, %swap3A_1474], %swap3A_1477 {strides = array<i32>} : memref<96x1024xf32, #tpu.memory_space<vmem>>, vector<1x16xf32>,
        %get3A_1478 = arith.constant 0 : i32
        %get3A_1479 = arith.index_cast %get3A_1478 : i32 to index
        %get3A_1480 = arith.constant 976 : index
        %get3A_1481 = tpu.vector_load %arg7[%get3A_1479, %get3A_1480] {strides = array<i32>} : memref<1x1024xf32, #tpu.memory_space<vmem>>, vector<1x16xf32>,
        %get3A_1482 = vector.shape_cast %get3A_1481 : vector<1x16xf32> to vector<16xf32>
        %get3A_1483 = arith.constant 0 : i32
        %get3A_1484 = arith.index_cast %get3A_1483 : i32 to index
        %get3A_1485 = arith.constant 976 : index
        %get3A_1486 = tpu.vector_load %arg5[%get3A_1484, %get3A_1485] {strides = array<i32>} : memref<96x1024xf32, #tpu.memory_space<vmem>>, vector<1x16xf32>,
        %get3A_1487 = vector.shape_cast %get3A_1486 : vector<1x16xf32> to vector<16xf32>
        %add3A_1488 = arith.addf %get3A_1482, %get3A_1487 : vector<16xf32>
        %mul3A_1489 = arith.constant 5.000000e-01 : f32
        %mul3A_1490 = vector.broadcast %mul3A_1489 : f32 to vector<16xf32>
        %mul3A_1491 = arith.mulf %mul3A_1490, %add3A_1488 : vector<16xf32>
        %swap3A_1492 = arith.constant 0 : i32
        %swap3A_1493 = arith.index_cast %swap3A_1492 : i32 to index
        %swap3A_1494 = arith.constant 976 : index
        %swap3A_1495 = tpu.vector_load %arg5[%swap3A_1493, %swap3A_1494] {strides = array<i32>} : memref<96x1024xf32, #tpu.memory_space<vmem>>, vector<1x16xf32>,
        %swap3A_1496 = vector.shape_cast %swap3A_1495 : vector<1x16xf32> to vector<16xf32>
        %swap3A_1497 = vector.shape_cast %mul3A_1491 : vector<16xf32> to vector<1x16xf32>
        tpu.vector_store %arg5[%swap3A_1493, %swap3A_1494], %swap3A_1497 {strides = array<i32>} : memref<96x1024xf32, #tpu.memory_space<vmem>>, vector<1x16xf32>,
        %get3A_1498 = arith.constant 0 : i32
        %get3A_1499 = arith.index_cast %get3A_1498 : i32 to index
        %get3A_1500 = arith.constant 992 : index
        %get3A_1501 = tpu.vector_load %arg7[%get3A_1499, %get3A_1500] {strides = array<i32>} : memref<1x1024xf32, #tpu.memory_space<vmem>>, vector<1x16xf32>,
        %get3A_1502 = vector.shape_cast %get3A_1501 : vector<1x16xf32> to vector<16xf32>
        %get3A_1503 = arith.constant 0 : i32
        %get3A_1504 = arith.index_cast %get3A_1503 : i32 to index
        %get3A_1505 = arith.constant 992 : index
        %get3A_1506 = tpu.vector_load %arg5[%get3A_1504, %get3A_1505] {strides = array<i32>} : memref<96x1024xf32, #tpu.memory_space<vmem>>, vector<1x16xf32>,
        %get3A_1507 = vector.shape_cast %get3A_1506 : vector<1x16xf32> to vector<16xf32>
        %add3A_1508 = arith.addf %get3A_1502, %get3A_1507 : vector<16xf32>
        %mul3A_1509 = arith.constant 5.000000e-01 : f32
        %mul3A_1510 = vector.broadcast %mul3A_1509 : f32 to vector<16xf32>
        %mul3A_1511 = arith.mulf %mul3A_1510, %add3A_1508 : vector<16xf32>
        %swap3A_1512 = arith.constant 0 : i32
        %swap3A_1513 = arith.index_cast %swap3A_1512 : i32 to index
        %swap3A_1514 = arith.constant 992 : index
        %swap3A_1515 = tpu.vector_load %arg5[%swap3A_1513, %swap3A_1514] {strides = array<i32>} : memref<96x1024xf32, #tpu.memory_space<vmem>>, vector<1x16xf32>,
        %swap3A_1516 = vector.shape_cast %swap3A_1515 : vector<1x16xf32> to vector<16xf32>
        %swap3A_1517 = vector.shape_cast %mul3A_1511 : vector<16xf32> to vector<1x16xf32>
        tpu.vector_store %arg5[%swap3A_1513, %swap3A_1514], %swap3A_1517 {strides = array<i32>} : memref<96x1024xf32, #tpu.memory_space<vmem>>, vector<1x16xf32>,
        %get3A_1518 = arith.constant 0 : i32
        %get3A_1519 = arith.index_cast %get3A_1518 : i32 to index
        %get3A_1520 = arith.constant 1008 : index
        %get3A_1521 = tpu.vector_load %arg7[%get3A_1519, %get3A_1520] {strides = array<i32>} : memref<1x1024xf32, #tpu.memory_space<vmem>>, vector<1x16xf32>,
        %get3A_1522 = vector.shape_cast %get3A_1521 : vector<1x16xf32> to vector<16xf32>
        %get3A_1523 = arith.constant 0 : i32
        %get3A_1524 = arith.index_cast %get3A_1523 : i32 to index
        %get3A_1525 = arith.constant 1008 : index
        %get3A_1526 = tpu.vector_load %arg5[%get3A_1524, %get3A_1525] {strides = array<i32>} : memref<96x1024xf32, #tpu.memory_space<vmem>>, vector<1x16xf32>,
        %get3A_1527 = vector.shape_cast %get3A_1526 : vector<1x16xf32> to vector<16xf32>
        %add3A_1528 = arith.addf %get3A_1522, %get3A_1527 : vector<16xf32>
        %mul3A_1529 = arith.constant 5.000000e-01 : f32
        %mul3A_1530 = vector.broadcast %mul3A_1529 : f32 to vector<16xf32>
        %mul3A_1531 = arith.mulf %mul3A_1530, %add3A_1528 : vector<16xf32>
        %swap3A_1532 = arith.constant 0 : i32
        %swap3A_1533 = arith.index_cast %swap3A_1532 : i32 to index
        %swap3A_1534 = arith.constant 1008 : index
        %swap3A_1535 = tpu.vector_load %arg5[%swap3A_1533, %swap3A_1534] {strides = array<i32>} : memref<96x1024xf32, #tpu.memory_space<vmem>>, vector<1x16xf32>,
        %swap3A_1536 = vector.shape_cast %swap3A_1535 : vector<1x16xf32> to vector<16xf32>
        %swap3A_1537 = vector.shape_cast %mul3A_1531 : vector<16xf32> to vector<1x16xf32>
        tpu.vector_store %arg5[%swap3A_1533, %swap3A_1534], %swap3A_1537 {strides = array<i32>} : memref<96x1024xf32, #tpu.memory_space<vmem>>, vector<1x16xf32>,
      } else {
      }
      %eq3A_222 = arith.constant 63 : i32
      %eq3A_223 = arith.cmpi eq, %scan3A_164, %eq3A_222 : i32
      %eq3A_224 = arith.constant 1 : i32
      %eq3A_225 = arith.cmpi eq, %select_n3A_30, %eq3A_224 : i32
      %and3A_226 = arith.andi %eq3A_223, %eq3A_225 : i1
      %convert_element_type3A_227 = arith.extui %and3A_226 : i1 to i32
      %cond3A_228 = arith.constant 0 : i32
      %cond3A_229 = arith.cmpi ne, %convert_element_type3A_227, %cond3A_228 : i32
      scf.if %cond3A_229 {
        %get3A = arith.constant 0 : i32
        %get3A_259 = arith.index_cast %get3A : i32 to index
        %get3A_260 = arith.constant 0 : index
        %get3A_261 = tpu.vector_load %arg7[%get3A_259, %get3A_260] {strides = array<i32>} : memref<1x1024xf32, #tpu.memory_space<vmem>>, vector<1x16xf32>,
        %get3A_262 = vector.shape_cast %get3A_261 : vector<1x16xf32> to vector<16xf32>
        %mul3A_263 = arith.constant 16 : i32
        %mul3A_264 = arith.muli %select_n3A_180, %mul3A_263 : i32
        %add3A_265 = arith.constant 16 : i32
        %add3A_266 = arith.addi %mul3A_264, %add3A_265 : i32
        %sub3A_267 = arith.constant 1 : i32
        %sub3A_268 = arith.subi %add3A_266, %sub3A_267 : i32
        %swap3A_269 = arith.index_cast %sub3A_268 : i32 to index
        %swap3A_270 = arith.constant 0 : index
        %swap3A_271 = tpu.vector_load %arg5[%swap3A_269, %swap3A_270] {strides = array<i32>} : memref<96x1024xf32, #tpu.memory_space<vmem>>, vector<1x16xf32>,
        %swap3A_272 = vector.shape_cast %swap3A_271 : vector<1x16xf32> to vector<16xf32>
        %swap3A_273 = vector.shape_cast %get3A_262 : vector<16xf32> to vector<1x16xf32>
        tpu.vector_store %arg5[%swap3A_269, %swap3A_270], %swap3A_273 {strides = array<i32>} : memref<96x1024xf32, #tpu.memory_space<vmem>>, vector<1x16xf32>,
        %get3A_274 = arith.constant 0 : i32
        %get3A_275 = arith.index_cast %get3A_274 : i32 to index
        %get3A_276 = arith.constant 16 : index
        %get3A_277 = tpu.vector_load %arg7[%get3A_275, %get3A_276] {strides = array<i32>} : memref<1x1024xf32, #tpu.memory_space<vmem>>, vector<1x16xf32>,
        %get3A_278 = vector.shape_cast %get3A_277 : vector<1x16xf32> to vector<16xf32>
        %mul3A_279 = arith.constant 16 : i32
        %mul3A_280 = arith.muli %select_n3A_180, %mul3A_279 : i32
        %add3A_281 = arith.constant 16 : i32
        %add3A_282 = arith.addi %mul3A_280, %add3A_281 : i32
        %sub3A_283 = arith.constant 1 : i32
        %sub3A_284 = arith.subi %add3A_282, %sub3A_283 : i32
        %swap3A_285 = arith.index_cast %sub3A_284 : i32 to index
        %swap3A_286 = arith.constant 16 : index
        %swap3A_287 = tpu.vector_load %arg5[%swap3A_285, %swap3A_286] {strides = array<i32>} : memref<96x1024xf32, #tpu.memory_space<vmem>>, vector<1x16xf32>,
        %swap3A_288 = vector.shape_cast %swap3A_287 : vector<1x16xf32> to vector<16xf32>
        %swap3A_289 = vector.shape_cast %get3A_278 : vector<16xf32> to vector<1x16xf32>
        tpu.vector_store %arg5[%swap3A_285, %swap3A_286], %swap3A_289 {strides = array<i32>} : memref<96x1024xf32, #tpu.memory_space<vmem>>, vector<1x16xf32>,
        %get3A_290 = arith.constant 0 : i32
        %get3A_291 = arith.index_cast %get3A_290 : i32 to index
        %get3A_292 = arith.constant 32 : index
        %get3A_293 = tpu.vector_load %arg7[%get3A_291, %get3A_292] {strides = array<i32>} : memref<1x1024xf32, #tpu.memory_space<vmem>>, vector<1x16xf32>,
        %get3A_294 = vector.shape_cast %get3A_293 : vector<1x16xf32> to vector<16xf32>
        %mul3A_295 = arith.constant 16 : i32
        %mul3A_296 = arith.muli %select_n3A_180, %mul3A_295 : i32
        %add3A_297 = arith.constant 16 : i32
        %add3A_298 = arith.addi %mul3A_296, %add3A_297 : i32
        %sub3A_299 = arith.constant 1 : i32
        %sub3A_300 = arith.subi %add3A_298, %sub3A_299 : i32
        %swap3A_301 = arith.index_cast %sub3A_300 : i32 to index
        %swap3A_302 = arith.constant 32 : index
        %swap3A_303 = tpu.vector_load %arg5[%swap3A_301, %swap3A_302] {strides = array<i32>} : memref<96x1024xf32, #tpu.memory_space<vmem>>, vector<1x16xf32>,
        %swap3A_304 = vector.shape_cast %swap3A_303 : vector<1x16xf32> to vector<16xf32>
        %swap3A_305 = vector.shape_cast %get3A_294 : vector<16xf32> to vector<1x16xf32>
        tpu.vector_store %arg5[%swap3A_301, %swap3A_302], %swap3A_305 {strides = array<i32>} : memref<96x1024xf32, #tpu.memory_space<vmem>>, vector<1x16xf32>,
        %get3A_306 = arith.constant 0 : i32
        %get3A_307 = arith.index_cast %get3A_306 : i32 to index
        %get3A_308 = arith.constant 48 : index
        %get3A_309 = tpu.vector_load %arg7[%get3A_307, %get3A_308] {strides = array<i32>} : memref<1x1024xf32, #tpu.memory_space<vmem>>, vector<1x16xf32>,
        %get3A_310 = vector.shape_cast %get3A_309 : vector<1x16xf32> to vector<16xf32>
        %mul3A_311 = arith.constant 16 : i32
        %mul3A_312 = arith.muli %select_n3A_180, %mul3A_311 : i32
        %add3A_313 = arith.constant 16 : i32
        %add3A_314 = arith.addi %mul3A_312, %add3A_313 : i32
        %sub3A_315 = arith.constant 1 : i32
        %sub3A_316 = arith.subi %add3A_314, %sub3A_315 : i32
        %swap3A_317 = arith.index_cast %sub3A_316 : i32 to index
        %swap3A_318 = arith.constant 48 : index
        %swap3A_319 = tpu.vector_load %arg5[%swap3A_317, %swap3A_318] {strides = array<i32>} : memref<96x1024xf32, #tpu.memory_space<vmem>>, vector<1x16xf32>,
        %swap3A_320 = vector.shape_cast %swap3A_319 : vector<1x16xf32> to vector<16xf32>
        %swap3A_321 = vector.shape_cast %get3A_310 : vector<16xf32> to vector<1x16xf32>
        tpu.vector_store %arg5[%swap3A_317, %swap3A_318], %swap3A_321 {strides = array<i32>} : memref<96x1024xf32, #tpu.memory_space<vmem>>, vector<1x16xf32>,
        %get3A_322 = arith.constant 0 : i32
        %get3A_323 = arith.index_cast %get3A_322 : i32 to index
        %get3A_324 = arith.constant 64 : index
        %get3A_325 = tpu.vector_load %arg7[%get3A_323, %get3A_324] {strides = array<i32>} : memref<1x1024xf32, #tpu.memory_space<vmem>>, vector<1x16xf32>,
        %get3A_326 = vector.shape_cast %get3A_325 : vector<1x16xf32> to vector<16xf32>
        %mul3A_327 = arith.constant 16 : i32
        %mul3A_328 = arith.muli %select_n3A_180, %mul3A_327 : i32
        %add3A_329 = arith.constant 16 : i32
        %add3A_330 = arith.addi %mul3A_328, %add3A_329 : i32
        %sub3A_331 = arith.constant 1 : i32
        %sub3A_332 = arith.subi %add3A_330, %sub3A_331 : i32
        %swap3A_333 = arith.index_cast %sub3A_332 : i32 to index
        %swap3A_334 = arith.constant 64 : index
        %swap3A_335 = tpu.vector_load %arg5[%swap3A_333, %swap3A_334] {strides = array<i32>} : memref<96x1024xf32, #tpu.memory_space<vmem>>, vector<1x16xf32>,
        %swap3A_336 = vector.shape_cast %swap3A_335 : vector<1x16xf32> to vector<16xf32>
        %swap3A_337 = vector.shape_cast %get3A_326 : vector<16xf32> to vector<1x16xf32>
        tpu.vector_store %arg5[%swap3A_333, %swap3A_334], %swap3A_337 {strides = array<i32>} : memref<96x1024xf32, #tpu.memory_space<vmem>>, vector<1x16xf32>,
        %get3A_338 = arith.constant 0 : i32
        %get3A_339 = arith.index_cast %get3A_338 : i32 to index
        %get3A_340 = arith.constant 80 : index
        %get3A_341 = tpu.vector_load %arg7[%get3A_339, %get3A_340] {strides = array<i32>} : memref<1x1024xf32, #tpu.memory_space<vmem>>, vector<1x16xf32>,
        %get3A_342 = vector.shape_cast %get3A_341 : vector<1x16xf32> to vector<16xf32>
        %mul3A_343 = arith.constant 16 : i32
        %mul3A_344 = arith.muli %select_n3A_180, %mul3A_343 : i32
        %add3A_345 = arith.constant 16 : i32
        %add3A_346 = arith.addi %mul3A_344, %add3A_345 : i32
        %sub3A_347 = arith.constant 1 : i32
        %sub3A_348 = arith.subi %add3A_346, %sub3A_347 : i32
        %swap3A_349 = arith.index_cast %sub3A_348 : i32 to index
        %swap3A_350 = arith.constant 80 : index
        %swap3A_351 = tpu.vector_load %arg5[%swap3A_349, %swap3A_350] {strides = array<i32>} : memref<96x1024xf32, #tpu.memory_space<vmem>>, vector<1x16xf32>,
        %swap3A_352 = vector.shape_cast %swap3A_351 : vector<1x16xf32> to vector<16xf32>
        %swap3A_353 = vector.shape_cast %get3A_342 : vector<16xf32> to vector<1x16xf32>
        tpu.vector_store %arg5[%swap3A_349, %swap3A_350], %swap3A_353 {strides = array<i32>} : memref<96x1024xf32, #tpu.memory_space<vmem>>, vector<1x16xf32>,
        %get3A_354 = arith.constant 0 : i32
        %get3A_355 = arith.index_cast %get3A_354 : i32 to index
        %get3A_356 = arith.constant 96 : index
        %get3A_357 = tpu.vector_load %arg7[%get3A_355, %get3A_356] {strides = array<i32>} : memref<1x1024xf32, #tpu.memory_space<vmem>>, vector<1x16xf32>,
        %get3A_358 = vector.shape_cast %get3A_357 : vector<1x16xf32> to vector<16xf32>
        %mul3A_359 = arith.constant 16 : i32
        %mul3A_360 = arith.muli %select_n3A_180, %mul3A_359 : i32
        %add3A_361 = arith.constant 16 : i32
        %add3A_362 = arith.addi %mul3A_360, %add3A_361 : i32
        %sub3A_363 = arith.constant 1 : i32
        %sub3A_364 = arith.subi %add3A_362, %sub3A_363 : i32
        %swap3A_365 = arith.index_cast %sub3A_364 : i32 to index
        %swap3A_366 = arith.constant 96 : index
        %swap3A_367 = tpu.vector_load %arg5[%swap3A_365, %swap3A_366] {strides = array<i32>} : memref<96x1024xf32, #tpu.memory_space<vmem>>, vector<1x16xf32>,
        %swap3A_368 = vector.shape_cast %swap3A_367 : vector<1x16xf32> to vector<16xf32>
        %swap3A_369 = vector.shape_cast %get3A_358 : vector<16xf32> to vector<1x16xf32>
        tpu.vector_store %arg5[%swap3A_365, %swap3A_366], %swap3A_369 {strides = array<i32>} : memref<96x1024xf32, #tpu.memory_space<vmem>>, vector<1x16xf32>,
        %get3A_370 = arith.constant 0 : i32
        %get3A_371 = arith.index_cast %get3A_370 : i32 to index
        %get3A_372 = arith.constant 112 : index
        %get3A_373 = tpu.vector_load %arg7[%get3A_371, %get3A_372] {strides = array<i32>} : memref<1x1024xf32, #tpu.memory_space<vmem>>, vector<1x16xf32>,
        %get3A_374 = vector.shape_cast %get3A_373 : vector<1x16xf32> to vector<16xf32>
        %mul3A_375 = arith.constant 16 : i32
        %mul3A_376 = arith.muli %select_n3A_180, %mul3A_375 : i32
        %add3A_377 = arith.constant 16 : i32
        %add3A_378 = arith.addi %mul3A_376, %add3A_377 : i32
        %sub3A_379 = arith.constant 1 : i32
        %sub3A_380 = arith.subi %add3A_378, %sub3A_379 : i32
        %swap3A_381 = arith.index_cast %sub3A_380 : i32 to index
        %swap3A_382 = arith.constant 112 : index
        %swap3A_383 = tpu.vector_load %arg5[%swap3A_381, %swap3A_382] {strides = array<i32>} : memref<96x1024xf32, #tpu.memory_space<vmem>>, vector<1x16xf32>,
        %swap3A_384 = vector.shape_cast %swap3A_383 : vector<1x16xf32> to vector<16xf32>
        %swap3A_385 = vector.shape_cast %get3A_374 : vector<16xf32> to vector<1x16xf32>
        tpu.vector_store %arg5[%swap3A_381, %swap3A_382], %swap3A_385 {strides = array<i32>} : memref<96x1024xf32, #tpu.memory_space<vmem>>, vector<1x16xf32>,
        %get3A_386 = arith.constant 0 : i32
        %get3A_387 = arith.index_cast %get3A_386 : i32 to index
        %get3A_388 = arith.constant 128 : index
        %get3A_389 = tpu.vector_load %arg7[%get3A_387, %get3A_388] {strides = array<i32>} : memref<1x1024xf32, #tpu.memory_space<vmem>>, vector<1x16xf32>,
        %get3A_390 = vector.shape_cast %get3A_389 : vector<1x16xf32> to vector<16xf32>
        %mul3A_391 = arith.constant 16 : i32
        %mul3A_392 = arith.muli %select_n3A_180, %mul3A_391 : i32
        %add3A_393 = arith.constant 16 : i32
        %add3A_394 = arith.addi %mul3A_392, %add3A_393 : i32
        %sub3A_395 = arith.constant 1 : i32
        %sub3A_396 = arith.subi %add3A_394, %sub3A_395 : i32
        %swap3A_397 = arith.index_cast %sub3A_396 : i32 to index
        %swap3A_398 = arith.constant 128 : index
        %swap3A_399 = tpu.vector_load %arg5[%swap3A_397, %swap3A_398] {strides = array<i32>} : memref<96x1024xf32, #tpu.memory_space<vmem>>, vector<1x16xf32>,
        %swap3A_400 = vector.shape_cast %swap3A_399 : vector<1x16xf32> to vector<16xf32>
        %swap3A_401 = vector.shape_cast %get3A_390 : vector<16xf32> to vector<1x16xf32>
        tpu.vector_store %arg5[%swap3A_397, %swap3A_398], %swap3A_401 {strides = array<i32>} : memref<96x1024xf32, #tpu.memory_space<vmem>>, vector<1x16xf32>,
        %get3A_402 = arith.constant 0 : i32
        %get3A_403 = arith.index_cast %get3A_402 : i32 to index
        %get3A_404 = arith.constant 144 : index
        %get3A_405 = tpu.vector_load %arg7[%get3A_403, %get3A_404] {strides = array<i32>} : memref<1x1024xf32, #tpu.memory_space<vmem>>, vector<1x16xf32>,
        %get3A_406 = vector.shape_cast %get3A_405 : vector<1x16xf32> to vector<16xf32>
        %mul3A_407 = arith.constant 16 : i32
        %mul3A_408 = arith.muli %select_n3A_180, %mul3A_407 : i32
        %add3A_409 = arith.constant 16 : i32
        %add3A_410 = arith.addi %mul3A_408, %add3A_409 : i32
        %sub3A_411 = arith.constant 1 : i32
        %sub3A_412 = arith.subi %add3A_410, %sub3A_411 : i32
        %swap3A_413 = arith.index_cast %sub3A_412 : i32 to index
        %swap3A_414 = arith.constant 144 : index
        %swap3A_415 = tpu.vector_load %arg5[%swap3A_413, %swap3A_414] {strides = array<i32>} : memref<96x1024xf32, #tpu.memory_space<vmem>>, vector<1x16xf32>,
        %swap3A_416 = vector.shape_cast %swap3A_415 : vector<1x16xf32> to vector<16xf32>
        %swap3A_417 = vector.shape_cast %get3A_406 : vector<16xf32> to vector<1x16xf32>
        tpu.vector_store %arg5[%swap3A_413, %swap3A_414], %swap3A_417 {strides = array<i32>} : memref<96x1024xf32, #tpu.memory_space<vmem>>, vector<1x16xf32>,
        %get3A_418 = arith.constant 0 : i32
        %get3A_419 = arith.index_cast %get3A_418 : i32 to index
        %get3A_420 = arith.constant 160 : index
        %get3A_421 = tpu.vector_load %arg7[%get3A_419, %get3A_420] {strides = array<i32>} : memref<1x1024xf32, #tpu.memory_space<vmem>>, vector<1x16xf32>,
        %get3A_422 = vector.shape_cast %get3A_421 : vector<1x16xf32> to vector<16xf32>
        %mul3A_423 = arith.constant 16 : i32
        %mul3A_424 = arith.muli %select_n3A_180, %mul3A_423 : i32
        %add3A_425 = arith.constant 16 : i32
        %add3A_426 = arith.addi %mul3A_424, %add3A_425 : i32
        %sub3A_427 = arith.constant 1 : i32
        %sub3A_428 = arith.subi %add3A_426, %sub3A_427 : i32
        %swap3A_429 = arith.index_cast %sub3A_428 : i32 to index
        %swap3A_430 = arith.constant 160 : index
        %swap3A_431 = tpu.vector_load %arg5[%swap3A_429, %swap3A_430] {strides = array<i32>} : memref<96x1024xf32, #tpu.memory_space<vmem>>, vector<1x16xf32>,
        %swap3A_432 = vector.shape_cast %swap3A_431 : vector<1x16xf32> to vector<16xf32>
        %swap3A_433 = vector.shape_cast %get3A_422 : vector<16xf32> to vector<1x16xf32>
        tpu.vector_store %arg5[%swap3A_429, %swap3A_430], %swap3A_433 {strides = array<i32>} : memref<96x1024xf32, #tpu.memory_space<vmem>>, vector<1x16xf32>,
        %get3A_434 = arith.constant 0 : i32
        %get3A_435 = arith.index_cast %get3A_434 : i32 to index
        %get3A_436 = arith.constant 176 : index
        %get3A_437 = tpu.vector_load %arg7[%get3A_435, %get3A_436] {strides = array<i32>} : memref<1x1024xf32, #tpu.memory_space<vmem>>, vector<1x16xf32>,
        %get3A_438 = vector.shape_cast %get3A_437 : vector<1x16xf32> to vector<16xf32>
        %mul3A_439 = arith.constant 16 : i32
        %mul3A_440 = arith.muli %select_n3A_180, %mul3A_439 : i32
        %add3A_441 = arith.constant 16 : i32
        %add3A_442 = arith.addi %mul3A_440, %add3A_441 : i32
        %sub3A_443 = arith.constant 1 : i32
        %sub3A_444 = arith.subi %add3A_442, %sub3A_443 : i32
        %swap3A_445 = arith.index_cast %sub3A_444 : i32 to index
        %swap3A_446 = arith.constant 176 : index
        %swap3A_447 = tpu.vector_load %arg5[%swap3A_445, %swap3A_446] {strides = array<i32>} : memref<96x1024xf32, #tpu.memory_space<vmem>>, vector<1x16xf32>,
        %swap3A_448 = vector.shape_cast %swap3A_447 : vector<1x16xf32> to vector<16xf32>
        %swap3A_449 = vector.shape_cast %get3A_438 : vector<16xf32> to vector<1x16xf32>
        tpu.vector_store %arg5[%swap3A_445, %swap3A_446], %swap3A_449 {strides = array<i32>} : memref<96x1024xf32, #tpu.memory_space<vmem>>, vector<1x16xf32>,
        %get3A_450 = arith.constant 0 : i32
        %get3A_451 = arith.index_cast %get3A_450 : i32 to index
        %get3A_452 = arith.constant 192 : index
        %get3A_453 = tpu.vector_load %arg7[%get3A_451, %get3A_452] {strides = array<i32>} : memref<1x1024xf32, #tpu.memory_space<vmem>>, vector<1x16xf32>,
        %get3A_454 = vector.shape_cast %get3A_453 : vector<1x16xf32> to vector<16xf32>
        %mul3A_455 = arith.constant 16 : i32
        %mul3A_456 = arith.muli %select_n3A_180, %mul3A_455 : i32
        %add3A_457 = arith.constant 16 : i32
        %add3A_458 = arith.addi %mul3A_456, %add3A_457 : i32
        %sub3A_459 = arith.constant 1 : i32
        %sub3A_460 = arith.subi %add3A_458, %sub3A_459 : i32
        %swap3A_461 = arith.index_cast %sub3A_460 : i32 to index
        %swap3A_462 = arith.constant 192 : index
        %swap3A_463 = tpu.vector_load %arg5[%swap3A_461, %swap3A_462] {strides = array<i32>} : memref<96x1024xf32, #tpu.memory_space<vmem>>, vector<1x16xf32>,
        %swap3A_464 = vector.shape_cast %swap3A_463 : vector<1x16xf32> to vector<16xf32>
        %swap3A_465 = vector.shape_cast %get3A_454 : vector<16xf32> to vector<1x16xf32>
        tpu.vector_store %arg5[%swap3A_461, %swap3A_462], %swap3A_465 {strides = array<i32>} : memref<96x1024xf32, #tpu.memory_space<vmem>>, vector<1x16xf32>,
        %get3A_466 = arith.constant 0 : i32
        %get3A_467 = arith.index_cast %get3A_466 : i32 to index
        %get3A_468 = arith.constant 208 : index
        %get3A_469 = tpu.vector_load %arg7[%get3A_467, %get3A_468] {strides = array<i32>} : memref<1x1024xf32, #tpu.memory_space<vmem>>, vector<1x16xf32>,
        %get3A_470 = vector.shape_cast %get3A_469 : vector<1x16xf32> to vector<16xf32>
        %mul3A_471 = arith.constant 16 : i32
        %mul3A_472 = arith.muli %select_n3A_180, %mul3A_471 : i32
        %add3A_473 = arith.constant 16 : i32
        %add3A_474 = arith.addi %mul3A_472, %add3A_473 : i32
        %sub3A_475 = arith.constant 1 : i32
        %sub3A_476 = arith.subi %add3A_474, %sub3A_475 : i32
        %swap3A_477 = arith.index_cast %sub3A_476 : i32 to index
        %swap3A_478 = arith.constant 208 : index
        %swap3A_479 = tpu.vector_load %arg5[%swap3A_477, %swap3A_478] {strides = array<i32>} : memref<96x1024xf32, #tpu.memory_space<vmem>>, vector<1x16xf32>,
        %swap3A_480 = vector.shape_cast %swap3A_479 : vector<1x16xf32> to vector<16xf32>
        %swap3A_481 = vector.shape_cast %get3A_470 : vector<16xf32> to vector<1x16xf32>
        tpu.vector_store %arg5[%swap3A_477, %swap3A_478], %swap3A_481 {strides = array<i32>} : memref<96x1024xf32, #tpu.memory_space<vmem>>, vector<1x16xf32>,
        %get3A_482 = arith.constant 0 : i32
        %get3A_483 = arith.index_cast %get3A_482 : i32 to index
        %get3A_484 = arith.constant 224 : index
        %get3A_485 = tpu.vector_load %arg7[%get3A_483, %get3A_484] {strides = array<i32>} : memref<1x1024xf32, #tpu.memory_space<vmem>>, vector<1x16xf32>,
        %get3A_486 = vector.shape_cast %get3A_485 : vector<1x16xf32> to vector<16xf32>
        %mul3A_487 = arith.constant 16 : i32
        %mul3A_488 = arith.muli %select_n3A_180, %mul3A_487 : i32
        %add3A_489 = arith.constant 16 : i32
        %add3A_490 = arith.addi %mul3A_488, %add3A_489 : i32
        %sub3A_491 = arith.constant 1 : i32
        %sub3A_492 = arith.subi %add3A_490, %sub3A_491 : i32
        %swap3A_493 = arith.index_cast %sub3A_492 : i32 to index
        %swap3A_494 = arith.constant 224 : index
        %swap3A_495 = tpu.vector_load %arg5[%swap3A_493, %swap3A_494] {strides = array<i32>} : memref<96x1024xf32, #tpu.memory_space<vmem>>, vector<1x16xf32>,
        %swap3A_496 = vector.shape_cast %swap3A_495 : vector<1x16xf32> to vector<16xf32>
        %swap3A_497 = vector.shape_cast %get3A_486 : vector<16xf32> to vector<1x16xf32>
        tpu.vector_store %arg5[%swap3A_493, %swap3A_494], %swap3A_497 {strides = array<i32>} : memref<96x1024xf32, #tpu.memory_space<vmem>>, vector<1x16xf32>,
        %get3A_498 = arith.constant 0 : i32
        %get3A_499 = arith.index_cast %get3A_498 : i32 to index
        %get3A_500 = arith.constant 240 : index
        %get3A_501 = tpu.vector_load %arg7[%get3A_499, %get3A_500] {strides = array<i32>} : memref<1x1024xf32, #tpu.memory_space<vmem>>, vector<1x16xf32>,
        %get3A_502 = vector.shape_cast %get3A_501 : vector<1x16xf32> to vector<16xf32>
        %mul3A_503 = arith.constant 16 : i32
        %mul3A_504 = arith.muli %select_n3A_180, %mul3A_503 : i32
        %add3A_505 = arith.constant 16 : i32
        %add3A_506 = arith.addi %mul3A_504, %add3A_505 : i32
        %sub3A_507 = arith.constant 1 : i32
        %sub3A_508 = arith.subi %add3A_506, %sub3A_507 : i32
        %swap3A_509 = arith.index_cast %sub3A_508 : i32 to index
        %swap3A_510 = arith.constant 240 : index
        %swap3A_511 = tpu.vector_load %arg5[%swap3A_509, %swap3A_510] {strides = array<i32>} : memref<96x1024xf32, #tpu.memory_space<vmem>>, vector<1x16xf32>,
        %swap3A_512 = vector.shape_cast %swap3A_511 : vector<1x16xf32> to vector<16xf32>
        %swap3A_513 = vector.shape_cast %get3A_502 : vector<16xf32> to vector<1x16xf32>
        tpu.vector_store %arg5[%swap3A_509, %swap3A_510], %swap3A_513 {strides = array<i32>} : memref<96x1024xf32, #tpu.memory_space<vmem>>, vector<1x16xf32>,
        %get3A_514 = arith.constant 0 : i32
        %get3A_515 = arith.index_cast %get3A_514 : i32 to index
        %get3A_516 = arith.constant 256 : index
        %get3A_517 = tpu.vector_load %arg7[%get3A_515, %get3A_516] {strides = array<i32>} : memref<1x1024xf32, #tpu.memory_space<vmem>>, vector<1x16xf32>,
        %get3A_518 = vector.shape_cast %get3A_517 : vector<1x16xf32> to vector<16xf32>
        %mul3A_519 = arith.constant 16 : i32
        %mul3A_520 = arith.muli %select_n3A_180, %mul3A_519 : i32
        %add3A_521 = arith.constant 16 : i32
        %add3A_522 = arith.addi %mul3A_520, %add3A_521 : i32
        %sub3A_523 = arith.constant 1 : i32
        %sub3A_524 = arith.subi %add3A_522, %sub3A_523 : i32
        %swap3A_525 = arith.index_cast %sub3A_524 : i32 to index
        %swap3A_526 = arith.constant 256 : index
        %swap3A_527 = tpu.vector_load %arg5[%swap3A_525, %swap3A_526] {strides = array<i32>} : memref<96x1024xf32, #tpu.memory_space<vmem>>, vector<1x16xf32>,
        %swap3A_528 = vector.shape_cast %swap3A_527 : vector<1x16xf32> to vector<16xf32>
        %swap3A_529 = vector.shape_cast %get3A_518 : vector<16xf32> to vector<1x16xf32>
        tpu.vector_store %arg5[%swap3A_525, %swap3A_526], %swap3A_529 {strides = array<i32>} : memref<96x1024xf32, #tpu.memory_space<vmem>>, vector<1x16xf32>,
        %get3A_530 = arith.constant 0 : i32
        %get3A_531 = arith.index_cast %get3A_530 : i32 to index
        %get3A_532 = arith.constant 272 : index
        %get3A_533 = tpu.vector_load %arg7[%get3A_531, %get3A_532] {strides = array<i32>} : memref<1x1024xf32, #tpu.memory_space<vmem>>, vector<1x16xf32>,
        %get3A_534 = vector.shape_cast %get3A_533 : vector<1x16xf32> to vector<16xf32>
        %mul3A_535 = arith.constant 16 : i32
        %mul3A_536 = arith.muli %select_n3A_180, %mul3A_535 : i32
        %add3A_537 = arith.constant 16 : i32
        %add3A_538 = arith.addi %mul3A_536, %add3A_537 : i32
        %sub3A_539 = arith.constant 1 : i32
        %sub3A_540 = arith.subi %add3A_538, %sub3A_539 : i32
        %swap3A_541 = arith.index_cast %sub3A_540 : i32 to index
        %swap3A_542 = arith.constant 272 : index
        %swap3A_543 = tpu.vector_load %arg5[%swap3A_541, %swap3A_542] {strides = array<i32>} : memref<96x1024xf32, #tpu.memory_space<vmem>>, vector<1x16xf32>,
        %swap3A_544 = vector.shape_cast %swap3A_543 : vector<1x16xf32> to vector<16xf32>
        %swap3A_545 = vector.shape_cast %get3A_534 : vector<16xf32> to vector<1x16xf32>
        tpu.vector_store %arg5[%swap3A_541, %swap3A_542], %swap3A_545 {strides = array<i32>} : memref<96x1024xf32, #tpu.memory_space<vmem>>, vector<1x16xf32>,
        %get3A_546 = arith.constant 0 : i32
        %get3A_547 = arith.index_cast %get3A_546 : i32 to index
        %get3A_548 = arith.constant 288 : index
        %get3A_549 = tpu.vector_load %arg7[%get3A_547, %get3A_548] {strides = array<i32>} : memref<1x1024xf32, #tpu.memory_space<vmem>>, vector<1x16xf32>,
        %get3A_550 = vector.shape_cast %get3A_549 : vector<1x16xf32> to vector<16xf32>
        %mul3A_551 = arith.constant 16 : i32
        %mul3A_552 = arith.muli %select_n3A_180, %mul3A_551 : i32
        %add3A_553 = arith.constant 16 : i32
        %add3A_554 = arith.addi %mul3A_552, %add3A_553 : i32
        %sub3A_555 = arith.constant 1 : i32
        %sub3A_556 = arith.subi %add3A_554, %sub3A_555 : i32
        %swap3A_557 = arith.index_cast %sub3A_556 : i32 to index
        %swap3A_558 = arith.constant 288 : index
        %swap3A_559 = tpu.vector_load %arg5[%swap3A_557, %swap3A_558] {strides = array<i32>} : memref<96x1024xf32, #tpu.memory_space<vmem>>, vector<1x16xf32>,
        %swap3A_560 = vector.shape_cast %swap3A_559 : vector<1x16xf32> to vector<16xf32>
        %swap3A_561 = vector.shape_cast %get3A_550 : vector<16xf32> to vector<1x16xf32>
        tpu.vector_store %arg5[%swap3A_557, %swap3A_558], %swap3A_561 {strides = array<i32>} : memref<96x1024xf32, #tpu.memory_space<vmem>>, vector<1x16xf32>,
        %get3A_562 = arith.constant 0 : i32
        %get3A_563 = arith.index_cast %get3A_562 : i32 to index
        %get3A_564 = arith.constant 304 : index
        %get3A_565 = tpu.vector_load %arg7[%get3A_563, %get3A_564] {strides = array<i32>} : memref<1x1024xf32, #tpu.memory_space<vmem>>, vector<1x16xf32>,
        %get3A_566 = vector.shape_cast %get3A_565 : vector<1x16xf32> to vector<16xf32>
        %mul3A_567 = arith.constant 16 : i32
        %mul3A_568 = arith.muli %select_n3A_180, %mul3A_567 : i32
        %add3A_569 = arith.constant 16 : i32
        %add3A_570 = arith.addi %mul3A_568, %add3A_569 : i32
        %sub3A_571 = arith.constant 1 : i32
        %sub3A_572 = arith.subi %add3A_570, %sub3A_571 : i32
        %swap3A_573 = arith.index_cast %sub3A_572 : i32 to index
        %swap3A_574 = arith.constant 304 : index
        %swap3A_575 = tpu.vector_load %arg5[%swap3A_573, %swap3A_574] {strides = array<i32>} : memref<96x1024xf32, #tpu.memory_space<vmem>>, vector<1x16xf32>,
        %swap3A_576 = vector.shape_cast %swap3A_575 : vector<1x16xf32> to vector<16xf32>
        %swap3A_577 = vector.shape_cast %get3A_566 : vector<16xf32> to vector<1x16xf32>
        tpu.vector_store %arg5[%swap3A_573, %swap3A_574], %swap3A_577 {strides = array<i32>} : memref<96x1024xf32, #tpu.memory_space<vmem>>, vector<1x16xf32>,
        %get3A_578 = arith.constant 0 : i32
        %get3A_579 = arith.index_cast %get3A_578 : i32 to index
        %get3A_580 = arith.constant 320 : index
        %get3A_581 = tpu.vector_load %arg7[%get3A_579, %get3A_580] {strides = array<i32>} : memref<1x1024xf32, #tpu.memory_space<vmem>>, vector<1x16xf32>,
        %get3A_582 = vector.shape_cast %get3A_581 : vector<1x16xf32> to vector<16xf32>
        %mul3A_583 = arith.constant 16 : i32
        %mul3A_584 = arith.muli %select_n3A_180, %mul3A_583 : i32
        %add3A_585 = arith.constant 16 : i32
        %add3A_586 = arith.addi %mul3A_584, %add3A_585 : i32
        %sub3A_587 = arith.constant 1 : i32
        %sub3A_588 = arith.subi %add3A_586, %sub3A_587 : i32
        %swap3A_589 = arith.index_cast %sub3A_588 : i32 to index
        %swap3A_590 = arith.constant 320 : index
        %swap3A_591 = tpu.vector_load %arg5[%swap3A_589, %swap3A_590] {strides = array<i32>} : memref<96x1024xf32, #tpu.memory_space<vmem>>, vector<1x16xf32>,
        %swap3A_592 = vector.shape_cast %swap3A_591 : vector<1x16xf32> to vector<16xf32>
        %swap3A_593 = vector.shape_cast %get3A_582 : vector<16xf32> to vector<1x16xf32>
        tpu.vector_store %arg5[%swap3A_589, %swap3A_590], %swap3A_593 {strides = array<i32>} : memref<96x1024xf32, #tpu.memory_space<vmem>>, vector<1x16xf32>,
        %get3A_594 = arith.constant 0 : i32
        %get3A_595 = arith.index_cast %get3A_594 : i32 to index
        %get3A_596 = arith.constant 336 : index
        %get3A_597 = tpu.vector_load %arg7[%get3A_595, %get3A_596] {strides = array<i32>} : memref<1x1024xf32, #tpu.memory_space<vmem>>, vector<1x16xf32>,
        %get3A_598 = vector.shape_cast %get3A_597 : vector<1x16xf32> to vector<16xf32>
        %mul3A_599 = arith.constant 16 : i32
        %mul3A_600 = arith.muli %select_n3A_180, %mul3A_599 : i32
        %add3A_601 = arith.constant 16 : i32
        %add3A_602 = arith.addi %mul3A_600, %add3A_601 : i32
        %sub3A_603 = arith.constant 1 : i32
        %sub3A_604 = arith.subi %add3A_602, %sub3A_603 : i32
        %swap3A_605 = arith.index_cast %sub3A_604 : i32 to index
        %swap3A_606 = arith.constant 336 : index
        %swap3A_607 = tpu.vector_load %arg5[%swap3A_605, %swap3A_606] {strides = array<i32>} : memref<96x1024xf32, #tpu.memory_space<vmem>>, vector<1x16xf32>,
        %swap3A_608 = vector.shape_cast %swap3A_607 : vector<1x16xf32> to vector<16xf32>
        %swap3A_609 = vector.shape_cast %get3A_598 : vector<16xf32> to vector<1x16xf32>
        tpu.vector_store %arg5[%swap3A_605, %swap3A_606], %swap3A_609 {strides = array<i32>} : memref<96x1024xf32, #tpu.memory_space<vmem>>, vector<1x16xf32>,
        %get3A_610 = arith.constant 0 : i32
        %get3A_611 = arith.index_cast %get3A_610 : i32 to index
        %get3A_612 = arith.constant 352 : index
        %get3A_613 = tpu.vector_load %arg7[%get3A_611, %get3A_612] {strides = array<i32>} : memref<1x1024xf32, #tpu.memory_space<vmem>>, vector<1x16xf32>,
        %get3A_614 = vector.shape_cast %get3A_613 : vector<1x16xf32> to vector<16xf32>
        %mul3A_615 = arith.constant 16 : i32
        %mul3A_616 = arith.muli %select_n3A_180, %mul3A_615 : i32
        %add3A_617 = arith.constant 16 : i32
        %add3A_618 = arith.addi %mul3A_616, %add3A_617 : i32
        %sub3A_619 = arith.constant 1 : i32
        %sub3A_620 = arith.subi %add3A_618, %sub3A_619 : i32
        %swap3A_621 = arith.index_cast %sub3A_620 : i32 to index
        %swap3A_622 = arith.constant 352 : index
        %swap3A_623 = tpu.vector_load %arg5[%swap3A_621, %swap3A_622] {strides = array<i32>} : memref<96x1024xf32, #tpu.memory_space<vmem>>, vector<1x16xf32>,
        %swap3A_624 = vector.shape_cast %swap3A_623 : vector<1x16xf32> to vector<16xf32>
        %swap3A_625 = vector.shape_cast %get3A_614 : vector<16xf32> to vector<1x16xf32>
        tpu.vector_store %arg5[%swap3A_621, %swap3A_622], %swap3A_625 {strides = array<i32>} : memref<96x1024xf32, #tpu.memory_space<vmem>>, vector<1x16xf32>,
        %get3A_626 = arith.constant 0 : i32
        %get3A_627 = arith.index_cast %get3A_626 : i32 to index
        %get3A_628 = arith.constant 368 : index
        %get3A_629 = tpu.vector_load %arg7[%get3A_627, %get3A_628] {strides = array<i32>} : memref<1x1024xf32, #tpu.memory_space<vmem>>, vector<1x16xf32>,
        %get3A_630 = vector.shape_cast %get3A_629 : vector<1x16xf32> to vector<16xf32>
        %mul3A_631 = arith.constant 16 : i32
        %mul3A_632 = arith.muli %select_n3A_180, %mul3A_631 : i32
        %add3A_633 = arith.constant 16 : i32
        %add3A_634 = arith.addi %mul3A_632, %add3A_633 : i32
        %sub3A_635 = arith.constant 1 : i32
        %sub3A_636 = arith.subi %add3A_634, %sub3A_635 : i32
        %swap3A_637 = arith.index_cast %sub3A_636 : i32 to index
        %swap3A_638 = arith.constant 368 : index
        %swap3A_639 = tpu.vector_load %arg5[%swap3A_637, %swap3A_638] {strides = array<i32>} : memref<96x1024xf32, #tpu.memory_space<vmem>>, vector<1x16xf32>,
        %swap3A_640 = vector.shape_cast %swap3A_639 : vector<1x16xf32> to vector<16xf32>
        %swap3A_641 = vector.shape_cast %get3A_630 : vector<16xf32> to vector<1x16xf32>
        tpu.vector_store %arg5[%swap3A_637, %swap3A_638], %swap3A_641 {strides = array<i32>} : memref<96x1024xf32, #tpu.memory_space<vmem>>, vector<1x16xf32>,
        %get3A_642 = arith.constant 0 : i32
        %get3A_643 = arith.index_cast %get3A_642 : i32 to index
        %get3A_644 = arith.constant 384 : index
        %get3A_645 = tpu.vector_load %arg7[%get3A_643, %get3A_644] {strides = array<i32>} : memref<1x1024xf32, #tpu.memory_space<vmem>>, vector<1x16xf32>,
        %get3A_646 = vector.shape_cast %get3A_645 : vector<1x16xf32> to vector<16xf32>
        %mul3A_647 = arith.constant 16 : i32
        %mul3A_648 = arith.muli %select_n3A_180, %mul3A_647 : i32
        %add3A_649 = arith.constant 16 : i32
        %add3A_650 = arith.addi %mul3A_648, %add3A_649 : i32
        %sub3A_651 = arith.constant 1 : i32
        %sub3A_652 = arith.subi %add3A_650, %sub3A_651 : i32
        %swap3A_653 = arith.index_cast %sub3A_652 : i32 to index
        %swap3A_654 = arith.constant 384 : index
        %swap3A_655 = tpu.vector_load %arg5[%swap3A_653, %swap3A_654] {strides = array<i32>} : memref<96x1024xf32, #tpu.memory_space<vmem>>, vector<1x16xf32>,
        %swap3A_656 = vector.shape_cast %swap3A_655 : vector<1x16xf32> to vector<16xf32>
        %swap3A_657 = vector.shape_cast %get3A_646 : vector<16xf32> to vector<1x16xf32>
        tpu.vector_store %arg5[%swap3A_653, %swap3A_654], %swap3A_657 {strides = array<i32>} : memref<96x1024xf32, #tpu.memory_space<vmem>>, vector<1x16xf32>,
        %get3A_658 = arith.constant 0 : i32
        %get3A_659 = arith.index_cast %get3A_658 : i32 to index
        %get3A_660 = arith.constant 400 : index
        %get3A_661 = tpu.vector_load %arg7[%get3A_659, %get3A_660] {strides = array<i32>} : memref<1x1024xf32, #tpu.memory_space<vmem>>, vector<1x16xf32>,
        %get3A_662 = vector.shape_cast %get3A_661 : vector<1x16xf32> to vector<16xf32>
        %mul3A_663 = arith.constant 16 : i32
        %mul3A_664 = arith.muli %select_n3A_180, %mul3A_663 : i32
        %add3A_665 = arith.constant 16 : i32
        %add3A_666 = arith.addi %mul3A_664, %add3A_665 : i32
        %sub3A_667 = arith.constant 1 : i32
        %sub3A_668 = arith.subi %add3A_666, %sub3A_667 : i32
        %swap3A_669 = arith.index_cast %sub3A_668 : i32 to index
        %swap3A_670 = arith.constant 400 : index
        %swap3A_671 = tpu.vector_load %arg5[%swap3A_669, %swap3A_670] {strides = array<i32>} : memref<96x1024xf32, #tpu.memory_space<vmem>>, vector<1x16xf32>,
        %swap3A_672 = vector.shape_cast %swap3A_671 : vector<1x16xf32> to vector<16xf32>
        %swap3A_673 = vector.shape_cast %get3A_662 : vector<16xf32> to vector<1x16xf32>
        tpu.vector_store %arg5[%swap3A_669, %swap3A_670], %swap3A_673 {strides = array<i32>} : memref<96x1024xf32, #tpu.memory_space<vmem>>, vector<1x16xf32>,
        %get3A_674 = arith.constant 0 : i32
        %get3A_675 = arith.index_cast %get3A_674 : i32 to index
        %get3A_676 = arith.constant 416 : index
        %get3A_677 = tpu.vector_load %arg7[%get3A_675, %get3A_676] {strides = array<i32>} : memref<1x1024xf32, #tpu.memory_space<vmem>>, vector<1x16xf32>,
        %get3A_678 = vector.shape_cast %get3A_677 : vector<1x16xf32> to vector<16xf32>
        %mul3A_679 = arith.constant 16 : i32
        %mul3A_680 = arith.muli %select_n3A_180, %mul3A_679 : i32
        %add3A_681 = arith.constant 16 : i32
        %add3A_682 = arith.addi %mul3A_680, %add3A_681 : i32
        %sub3A_683 = arith.constant 1 : i32
        %sub3A_684 = arith.subi %add3A_682, %sub3A_683 : i32
        %swap3A_685 = arith.index_cast %sub3A_684 : i32 to index
        %swap3A_686 = arith.constant 416 : index
        %swap3A_687 = tpu.vector_load %arg5[%swap3A_685, %swap3A_686] {strides = array<i32>} : memref<96x1024xf32, #tpu.memory_space<vmem>>, vector<1x16xf32>,
        %swap3A_688 = vector.shape_cast %swap3A_687 : vector<1x16xf32> to vector<16xf32>
        %swap3A_689 = vector.shape_cast %get3A_678 : vector<16xf32> to vector<1x16xf32>
        tpu.vector_store %arg5[%swap3A_685, %swap3A_686], %swap3A_689 {strides = array<i32>} : memref<96x1024xf32, #tpu.memory_space<vmem>>, vector<1x16xf32>,
        %get3A_690 = arith.constant 0 : i32
        %get3A_691 = arith.index_cast %get3A_690 : i32 to index
        %get3A_692 = arith.constant 432 : index
        %get3A_693 = tpu.vector_load %arg7[%get3A_691, %get3A_692] {strides = array<i32>} : memref<1x1024xf32, #tpu.memory_space<vmem>>, vector<1x16xf32>,
        %get3A_694 = vector.shape_cast %get3A_693 : vector<1x16xf32> to vector<16xf32>
        %mul3A_695 = arith.constant 16 : i32
        %mul3A_696 = arith.muli %select_n3A_180, %mul3A_695 : i32
        %add3A_697 = arith.constant 16 : i32
        %add3A_698 = arith.addi %mul3A_696, %add3A_697 : i32
        %sub3A_699 = arith.constant 1 : i32
        %sub3A_700 = arith.subi %add3A_698, %sub3A_699 : i32
        %swap3A_701 = arith.index_cast %sub3A_700 : i32 to index
        %swap3A_702 = arith.constant 432 : index
        %swap3A_703 = tpu.vector_load %arg5[%swap3A_701, %swap3A_702] {strides = array<i32>} : memref<96x1024xf32, #tpu.memory_space<vmem>>, vector<1x16xf32>,
        %swap3A_704 = vector.shape_cast %swap3A_703 : vector<1x16xf32> to vector<16xf32>
        %swap3A_705 = vector.shape_cast %get3A_694 : vector<16xf32> to vector<1x16xf32>
        tpu.vector_store %arg5[%swap3A_701, %swap3A_702], %swap3A_705 {strides = array<i32>} : memref<96x1024xf32, #tpu.memory_space<vmem>>, vector<1x16xf32>,
        %get3A_706 = arith.constant 0 : i32
        %get3A_707 = arith.index_cast %get3A_706 : i32 to index
        %get3A_708 = arith.constant 448 : index
        %get3A_709 = tpu.vector_load %arg7[%get3A_707, %get3A_708] {strides = array<i32>} : memref<1x1024xf32, #tpu.memory_space<vmem>>, vector<1x16xf32>,
        %get3A_710 = vector.shape_cast %get3A_709 : vector<1x16xf32> to vector<16xf32>
        %mul3A_711 = arith.constant 16 : i32
        %mul3A_712 = arith.muli %select_n3A_180, %mul3A_711 : i32
        %add3A_713 = arith.constant 16 : i32
        %add3A_714 = arith.addi %mul3A_712, %add3A_713 : i32
        %sub3A_715 = arith.constant 1 : i32
        %sub3A_716 = arith.subi %add3A_714, %sub3A_715 : i32
        %swap3A_717 = arith.index_cast %sub3A_716 : i32 to index
        %swap3A_718 = arith.constant 448 : index
        %swap3A_719 = tpu.vector_load %arg5[%swap3A_717, %swap3A_718] {strides = array<i32>} : memref<96x1024xf32, #tpu.memory_space<vmem>>, vector<1x16xf32>,
        %swap3A_720 = vector.shape_cast %swap3A_719 : vector<1x16xf32> to vector<16xf32>
        %swap3A_721 = vector.shape_cast %get3A_710 : vector<16xf32> to vector<1x16xf32>
        tpu.vector_store %arg5[%swap3A_717, %swap3A_718], %swap3A_721 {strides = array<i32>} : memref<96x1024xf32, #tpu.memory_space<vmem>>, vector<1x16xf32>,
        %get3A_722 = arith.constant 0 : i32
        %get3A_723 = arith.index_cast %get3A_722 : i32 to index
        %get3A_724 = arith.constant 464 : index
        %get3A_725 = tpu.vector_load %arg7[%get3A_723, %get3A_724] {strides = array<i32>} : memref<1x1024xf32, #tpu.memory_space<vmem>>, vector<1x16xf32>,
        %get3A_726 = vector.shape_cast %get3A_725 : vector<1x16xf32> to vector<16xf32>
        %mul3A_727 = arith.constant 16 : i32
        %mul3A_728 = arith.muli %select_n3A_180, %mul3A_727 : i32
        %add3A_729 = arith.constant 16 : i32
        %add3A_730 = arith.addi %mul3A_728, %add3A_729 : i32
        %sub3A_731 = arith.constant 1 : i32
        %sub3A_732 = arith.subi %add3A_730, %sub3A_731 : i32
        %swap3A_733 = arith.index_cast %sub3A_732 : i32 to index
        %swap3A_734 = arith.constant 464 : index
        %swap3A_735 = tpu.vector_load %arg5[%swap3A_733, %swap3A_734] {strides = array<i32>} : memref<96x1024xf32, #tpu.memory_space<vmem>>, vector<1x16xf32>,
        %swap3A_736 = vector.shape_cast %swap3A_735 : vector<1x16xf32> to vector<16xf32>
        %swap3A_737 = vector.shape_cast %get3A_726 : vector<16xf32> to vector<1x16xf32>
        tpu.vector_store %arg5[%swap3A_733, %swap3A_734], %swap3A_737 {strides = array<i32>} : memref<96x1024xf32, #tpu.memory_space<vmem>>, vector<1x16xf32>,
        %get3A_738 = arith.constant 0 : i32
        %get3A_739 = arith.index_cast %get3A_738 : i32 to index
        %get3A_740 = arith.constant 480 : index
        %get3A_741 = tpu.vector_load %arg7[%get3A_739, %get3A_740] {strides = array<i32>} : memref<1x1024xf32, #tpu.memory_space<vmem>>, vector<1x16xf32>,
        %get3A_742 = vector.shape_cast %get3A_741 : vector<1x16xf32> to vector<16xf32>
        %mul3A_743 = arith.constant 16 : i32
        %mul3A_744 = arith.muli %select_n3A_180, %mul3A_743 : i32
        %add3A_745 = arith.constant 16 : i32
        %add3A_746 = arith.addi %mul3A_744, %add3A_745 : i32
        %sub3A_747 = arith.constant 1 : i32
        %sub3A_748 = arith.subi %add3A_746, %sub3A_747 : i32
        %swap3A_749 = arith.index_cast %sub3A_748 : i32 to index
        %swap3A_750 = arith.constant 480 : index
        %swap3A_751 = tpu.vector_load %arg5[%swap3A_749, %swap3A_750] {strides = array<i32>} : memref<96x1024xf32, #tpu.memory_space<vmem>>, vector<1x16xf32>,
        %swap3A_752 = vector.shape_cast %swap3A_751 : vector<1x16xf32> to vector<16xf32>
        %swap3A_753 = vector.shape_cast %get3A_742 : vector<16xf32> to vector<1x16xf32>
        tpu.vector_store %arg5[%swap3A_749, %swap3A_750], %swap3A_753 {strides = array<i32>} : memref<96x1024xf32, #tpu.memory_space<vmem>>, vector<1x16xf32>,
        %get3A_754 = arith.constant 0 : i32
        %get3A_755 = arith.index_cast %get3A_754 : i32 to index
        %get3A_756 = arith.constant 496 : index
        %get3A_757 = tpu.vector_load %arg7[%get3A_755, %get3A_756] {strides = array<i32>} : memref<1x1024xf32, #tpu.memory_space<vmem>>, vector<1x16xf32>,
        %get3A_758 = vector.shape_cast %get3A_757 : vector<1x16xf32> to vector<16xf32>
        %mul3A_759 = arith.constant 16 : i32
        %mul3A_760 = arith.muli %select_n3A_180, %mul3A_759 : i32
        %add3A_761 = arith.constant 16 : i32
        %add3A_762 = arith.addi %mul3A_760, %add3A_761 : i32
        %sub3A_763 = arith.constant 1 : i32
        %sub3A_764 = arith.subi %add3A_762, %sub3A_763 : i32
        %swap3A_765 = arith.index_cast %sub3A_764 : i32 to index
        %swap3A_766 = arith.constant 496 : index
        %swap3A_767 = tpu.vector_load %arg5[%swap3A_765, %swap3A_766] {strides = array<i32>} : memref<96x1024xf32, #tpu.memory_space<vmem>>, vector<1x16xf32>,
        %swap3A_768 = vector.shape_cast %swap3A_767 : vector<1x16xf32> to vector<16xf32>
        %swap3A_769 = vector.shape_cast %get3A_758 : vector<16xf32> to vector<1x16xf32>
        tpu.vector_store %arg5[%swap3A_765, %swap3A_766], %swap3A_769 {strides = array<i32>} : memref<96x1024xf32, #tpu.memory_space<vmem>>, vector<1x16xf32>,
        %get3A_770 = arith.constant 0 : i32
        %get3A_771 = arith.index_cast %get3A_770 : i32 to index
        %get3A_772 = arith.constant 512 : index
        %get3A_773 = tpu.vector_load %arg7[%get3A_771, %get3A_772] {strides = array<i32>} : memref<1x1024xf32, #tpu.memory_space<vmem>>, vector<1x16xf32>,
        %get3A_774 = vector.shape_cast %get3A_773 : vector<1x16xf32> to vector<16xf32>
        %mul3A_775 = arith.constant 16 : i32
        %mul3A_776 = arith.muli %select_n3A_180, %mul3A_775 : i32
        %add3A_777 = arith.constant 16 : i32
        %add3A_778 = arith.addi %mul3A_776, %add3A_777 : i32
        %sub3A_779 = arith.constant 1 : i32
        %sub3A_780 = arith.subi %add3A_778, %sub3A_779 : i32
        %swap3A_781 = arith.index_cast %sub3A_780 : i32 to index
        %swap3A_782 = arith.constant 512 : index
        %swap3A_783 = tpu.vector_load %arg5[%swap3A_781, %swap3A_782] {strides = array<i32>} : memref<96x1024xf32, #tpu.memory_space<vmem>>, vector<1x16xf32>,
        %swap3A_784 = vector.shape_cast %swap3A_783 : vector<1x16xf32> to vector<16xf32>
        %swap3A_785 = vector.shape_cast %get3A_774 : vector<16xf32> to vector<1x16xf32>
        tpu.vector_store %arg5[%swap3A_781, %swap3A_782], %swap3A_785 {strides = array<i32>} : memref<96x1024xf32, #tpu.memory_space<vmem>>, vector<1x16xf32>,
        %get3A_786 = arith.constant 0 : i32
        %get3A_787 = arith.index_cast %get3A_786 : i32 to index
        %get3A_788 = arith.constant 528 : index
        %get3A_789 = tpu.vector_load %arg7[%get3A_787, %get3A_788] {strides = array<i32>} : memref<1x1024xf32, #tpu.memory_space<vmem>>, vector<1x16xf32>,
        %get3A_790 = vector.shape_cast %get3A_789 : vector<1x16xf32> to vector<16xf32>
        %mul3A_791 = arith.constant 16 : i32
        %mul3A_792 = arith.muli %select_n3A_180, %mul3A_791 : i32
        %add3A_793 = arith.constant 16 : i32
        %add3A_794 = arith.addi %mul3A_792, %add3A_793 : i32
        %sub3A_795 = arith.constant 1 : i32
        %sub3A_796 = arith.subi %add3A_794, %sub3A_795 : i32
        %swap3A_797 = arith.index_cast %sub3A_796 : i32 to index
        %swap3A_798 = arith.constant 528 : index
        %swap3A_799 = tpu.vector_load %arg5[%swap3A_797, %swap3A_798] {strides = array<i32>} : memref<96x1024xf32, #tpu.memory_space<vmem>>, vector<1x16xf32>,
        %swap3A_800 = vector.shape_cast %swap3A_799 : vector<1x16xf32> to vector<16xf32>
        %swap3A_801 = vector.shape_cast %get3A_790 : vector<16xf32> to vector<1x16xf32>
        tpu.vector_store %arg5[%swap3A_797, %swap3A_798], %swap3A_801 {strides = array<i32>} : memref<96x1024xf32, #tpu.memory_space<vmem>>, vector<1x16xf32>,
        %get3A_802 = arith.constant 0 : i32
        %get3A_803 = arith.index_cast %get3A_802 : i32 to index
        %get3A_804 = arith.constant 544 : index
        %get3A_805 = tpu.vector_load %arg7[%get3A_803, %get3A_804] {strides = array<i32>} : memref<1x1024xf32, #tpu.memory_space<vmem>>, vector<1x16xf32>,
        %get3A_806 = vector.shape_cast %get3A_805 : vector<1x16xf32> to vector<16xf32>
        %mul3A_807 = arith.constant 16 : i32
        %mul3A_808 = arith.muli %select_n3A_180, %mul3A_807 : i32
        %add3A_809 = arith.constant 16 : i32
        %add3A_810 = arith.addi %mul3A_808, %add3A_809 : i32
        %sub3A_811 = arith.constant 1 : i32
        %sub3A_812 = arith.subi %add3A_810, %sub3A_811 : i32
        %swap3A_813 = arith.index_cast %sub3A_812 : i32 to index
        %swap3A_814 = arith.constant 544 : index
        %swap3A_815 = tpu.vector_load %arg5[%swap3A_813, %swap3A_814] {strides = array<i32>} : memref<96x1024xf32, #tpu.memory_space<vmem>>, vector<1x16xf32>,
        %swap3A_816 = vector.shape_cast %swap3A_815 : vector<1x16xf32> to vector<16xf32>
        %swap3A_817 = vector.shape_cast %get3A_806 : vector<16xf32> to vector<1x16xf32>
        tpu.vector_store %arg5[%swap3A_813, %swap3A_814], %swap3A_817 {strides = array<i32>} : memref<96x1024xf32, #tpu.memory_space<vmem>>, vector<1x16xf32>,
        %get3A_818 = arith.constant 0 : i32
        %get3A_819 = arith.index_cast %get3A_818 : i32 to index
        %get3A_820 = arith.constant 560 : index
        %get3A_821 = tpu.vector_load %arg7[%get3A_819, %get3A_820] {strides = array<i32>} : memref<1x1024xf32, #tpu.memory_space<vmem>>, vector<1x16xf32>,
        %get3A_822 = vector.shape_cast %get3A_821 : vector<1x16xf32> to vector<16xf32>
        %mul3A_823 = arith.constant 16 : i32
        %mul3A_824 = arith.muli %select_n3A_180, %mul3A_823 : i32
        %add3A_825 = arith.constant 16 : i32
        %add3A_826 = arith.addi %mul3A_824, %add3A_825 : i32
        %sub3A_827 = arith.constant 1 : i32
        %sub3A_828 = arith.subi %add3A_826, %sub3A_827 : i32
        %swap3A_829 = arith.index_cast %sub3A_828 : i32 to index
        %swap3A_830 = arith.constant 560 : index
        %swap3A_831 = tpu.vector_load %arg5[%swap3A_829, %swap3A_830] {strides = array<i32>} : memref<96x1024xf32, #tpu.memory_space<vmem>>, vector<1x16xf32>,
        %swap3A_832 = vector.shape_cast %swap3A_831 : vector<1x16xf32> to vector<16xf32>
        %swap3A_833 = vector.shape_cast %get3A_822 : vector<16xf32> to vector<1x16xf32>
        tpu.vector_store %arg5[%swap3A_829, %swap3A_830], %swap3A_833 {strides = array<i32>} : memref<96x1024xf32, #tpu.memory_space<vmem>>, vector<1x16xf32>,
        %get3A_834 = arith.constant 0 : i32
        %get3A_835 = arith.index_cast %get3A_834 : i32 to index
        %get3A_836 = arith.constant 576 : index
        %get3A_837 = tpu.vector_load %arg7[%get3A_835, %get3A_836] {strides = array<i32>} : memref<1x1024xf32, #tpu.memory_space<vmem>>, vector<1x16xf32>,
        %get3A_838 = vector.shape_cast %get3A_837 : vector<1x16xf32> to vector<16xf32>
        %mul3A_839 = arith.constant 16 : i32
        %mul3A_840 = arith.muli %select_n3A_180, %mul3A_839 : i32
        %add3A_841 = arith.constant 16 : i32
        %add3A_842 = arith.addi %mul3A_840, %add3A_841 : i32
        %sub3A_843 = arith.constant 1 : i32
        %sub3A_844 = arith.subi %add3A_842, %sub3A_843 : i32
        %swap3A_845 = arith.index_cast %sub3A_844 : i32 to index
        %swap3A_846 = arith.constant 576 : index
        %swap3A_847 = tpu.vector_load %arg5[%swap3A_845, %swap3A_846] {strides = array<i32>} : memref<96x1024xf32, #tpu.memory_space<vmem>>, vector<1x16xf32>,
        %swap3A_848 = vector.shape_cast %swap3A_847 : vector<1x16xf32> to vector<16xf32>
        %swap3A_849 = vector.shape_cast %get3A_838 : vector<16xf32> to vector<1x16xf32>
        tpu.vector_store %arg5[%swap3A_845, %swap3A_846], %swap3A_849 {strides = array<i32>} : memref<96x1024xf32, #tpu.memory_space<vmem>>, vector<1x16xf32>,
        %get3A_850 = arith.constant 0 : i32
        %get3A_851 = arith.index_cast %get3A_850 : i32 to index
        %get3A_852 = arith.constant 592 : index
        %get3A_853 = tpu.vector_load %arg7[%get3A_851, %get3A_852] {strides = array<i32>} : memref<1x1024xf32, #tpu.memory_space<vmem>>, vector<1x16xf32>,
        %get3A_854 = vector.shape_cast %get3A_853 : vector<1x16xf32> to vector<16xf32>
        %mul3A_855 = arith.constant 16 : i32
        %mul3A_856 = arith.muli %select_n3A_180, %mul3A_855 : i32
        %add3A_857 = arith.constant 16 : i32
        %add3A_858 = arith.addi %mul3A_856, %add3A_857 : i32
        %sub3A_859 = arith.constant 1 : i32
        %sub3A_860 = arith.subi %add3A_858, %sub3A_859 : i32
        %swap3A_861 = arith.index_cast %sub3A_860 : i32 to index
        %swap3A_862 = arith.constant 592 : index
        %swap3A_863 = tpu.vector_load %arg5[%swap3A_861, %swap3A_862] {strides = array<i32>} : memref<96x1024xf32, #tpu.memory_space<vmem>>, vector<1x16xf32>,
        %swap3A_864 = vector.shape_cast %swap3A_863 : vector<1x16xf32> to vector<16xf32>
        %swap3A_865 = vector.shape_cast %get3A_854 : vector<16xf32> to vector<1x16xf32>
        tpu.vector_store %arg5[%swap3A_861, %swap3A_862], %swap3A_865 {strides = array<i32>} : memref<96x1024xf32, #tpu.memory_space<vmem>>, vector<1x16xf32>,
        %get3A_866 = arith.constant 0 : i32
        %get3A_867 = arith.index_cast %get3A_866 : i32 to index
        %get3A_868 = arith.constant 608 : index
        %get3A_869 = tpu.vector_load %arg7[%get3A_867, %get3A_868] {strides = array<i32>} : memref<1x1024xf32, #tpu.memory_space<vmem>>, vector<1x16xf32>,
        %get3A_870 = vector.shape_cast %get3A_869 : vector<1x16xf32> to vector<16xf32>
        %mul3A_871 = arith.constant 16 : i32
        %mul3A_872 = arith.muli %select_n3A_180, %mul3A_871 : i32
        %add3A_873 = arith.constant 16 : i32
        %add3A_874 = arith.addi %mul3A_872, %add3A_873 : i32
        %sub3A_875 = arith.constant 1 : i32
        %sub3A_876 = arith.subi %add3A_874, %sub3A_875 : i32
        %swap3A_877 = arith.index_cast %sub3A_876 : i32 to index
        %swap3A_878 = arith.constant 608 : index
        %swap3A_879 = tpu.vector_load %arg5[%swap3A_877, %swap3A_878] {strides = array<i32>} : memref<96x1024xf32, #tpu.memory_space<vmem>>, vector<1x16xf32>,
        %swap3A_880 = vector.shape_cast %swap3A_879 : vector<1x16xf32> to vector<16xf32>
        %swap3A_881 = vector.shape_cast %get3A_870 : vector<16xf32> to vector<1x16xf32>
        tpu.vector_store %arg5[%swap3A_877, %swap3A_878], %swap3A_881 {strides = array<i32>} : memref<96x1024xf32, #tpu.memory_space<vmem>>, vector<1x16xf32>,
        %get3A_882 = arith.constant 0 : i32
        %get3A_883 = arith.index_cast %get3A_882 : i32 to index
        %get3A_884 = arith.constant 624 : index
        %get3A_885 = tpu.vector_load %arg7[%get3A_883, %get3A_884] {strides = array<i32>} : memref<1x1024xf32, #tpu.memory_space<vmem>>, vector<1x16xf32>,
        %get3A_886 = vector.shape_cast %get3A_885 : vector<1x16xf32> to vector<16xf32>
        %mul3A_887 = arith.constant 16 : i32
        %mul3A_888 = arith.muli %select_n3A_180, %mul3A_887 : i32
        %add3A_889 = arith.constant 16 : i32
        %add3A_890 = arith.addi %mul3A_888, %add3A_889 : i32
        %sub3A_891 = arith.constant 1 : i32
        %sub3A_892 = arith.subi %add3A_890, %sub3A_891 : i32
        %swap3A_893 = arith.index_cast %sub3A_892 : i32 to index
        %swap3A_894 = arith.constant 624 : index
        %swap3A_895 = tpu.vector_load %arg5[%swap3A_893, %swap3A_894] {strides = array<i32>} : memref<96x1024xf32, #tpu.memory_space<vmem>>, vector<1x16xf32>,
        %swap3A_896 = vector.shape_cast %swap3A_895 : vector<1x16xf32> to vector<16xf32>
        %swap3A_897 = vector.shape_cast %get3A_886 : vector<16xf32> to vector<1x16xf32>
        tpu.vector_store %arg5[%swap3A_893, %swap3A_894], %swap3A_897 {strides = array<i32>} : memref<96x1024xf32, #tpu.memory_space<vmem>>, vector<1x16xf32>,
        %get3A_898 = arith.constant 0 : i32
        %get3A_899 = arith.index_cast %get3A_898 : i32 to index
        %get3A_900 = arith.constant 640 : index
        %get3A_901 = tpu.vector_load %arg7[%get3A_899, %get3A_900] {strides = array<i32>} : memref<1x1024xf32, #tpu.memory_space<vmem>>, vector<1x16xf32>,
        %get3A_902 = vector.shape_cast %get3A_901 : vector<1x16xf32> to vector<16xf32>
        %mul3A_903 = arith.constant 16 : i32
        %mul3A_904 = arith.muli %select_n3A_180, %mul3A_903 : i32
        %add3A_905 = arith.constant 16 : i32
        %add3A_906 = arith.addi %mul3A_904, %add3A_905 : i32
        %sub3A_907 = arith.constant 1 : i32
        %sub3A_908 = arith.subi %add3A_906, %sub3A_907 : i32
        %swap3A_909 = arith.index_cast %sub3A_908 : i32 to index
        %swap3A_910 = arith.constant 640 : index
        %swap3A_911 = tpu.vector_load %arg5[%swap3A_909, %swap3A_910] {strides = array<i32>} : memref<96x1024xf32, #tpu.memory_space<vmem>>, vector<1x16xf32>,
        %swap3A_912 = vector.shape_cast %swap3A_911 : vector<1x16xf32> to vector<16xf32>
        %swap3A_913 = vector.shape_cast %get3A_902 : vector<16xf32> to vector<1x16xf32>
        tpu.vector_store %arg5[%swap3A_909, %swap3A_910], %swap3A_913 {strides = array<i32>} : memref<96x1024xf32, #tpu.memory_space<vmem>>, vector<1x16xf32>,
        %get3A_914 = arith.constant 0 : i32
        %get3A_915 = arith.index_cast %get3A_914 : i32 to index
        %get3A_916 = arith.constant 656 : index
        %get3A_917 = tpu.vector_load %arg7[%get3A_915, %get3A_916] {strides = array<i32>} : memref<1x1024xf32, #tpu.memory_space<vmem>>, vector<1x16xf32>,
        %get3A_918 = vector.shape_cast %get3A_917 : vector<1x16xf32> to vector<16xf32>
        %mul3A_919 = arith.constant 16 : i32
        %mul3A_920 = arith.muli %select_n3A_180, %mul3A_919 : i32
        %add3A_921 = arith.constant 16 : i32
        %add3A_922 = arith.addi %mul3A_920, %add3A_921 : i32
        %sub3A_923 = arith.constant 1 : i32
        %sub3A_924 = arith.subi %add3A_922, %sub3A_923 : i32
        %swap3A_925 = arith.index_cast %sub3A_924 : i32 to index
        %swap3A_926 = arith.constant 656 : index
        %swap3A_927 = tpu.vector_load %arg5[%swap3A_925, %swap3A_926] {strides = array<i32>} : memref<96x1024xf32, #tpu.memory_space<vmem>>, vector<1x16xf32>,
        %swap3A_928 = vector.shape_cast %swap3A_927 : vector<1x16xf32> to vector<16xf32>
        %swap3A_929 = vector.shape_cast %get3A_918 : vector<16xf32> to vector<1x16xf32>
        tpu.vector_store %arg5[%swap3A_925, %swap3A_926], %swap3A_929 {strides = array<i32>} : memref<96x1024xf32, #tpu.memory_space<vmem>>, vector<1x16xf32>,
        %get3A_930 = arith.constant 0 : i32
        %get3A_931 = arith.index_cast %get3A_930 : i32 to index
        %get3A_932 = arith.constant 672 : index
        %get3A_933 = tpu.vector_load %arg7[%get3A_931, %get3A_932] {strides = array<i32>} : memref<1x1024xf32, #tpu.memory_space<vmem>>, vector<1x16xf32>,
        %get3A_934 = vector.shape_cast %get3A_933 : vector<1x16xf32> to vector<16xf32>
        %mul3A_935 = arith.constant 16 : i32
        %mul3A_936 = arith.muli %select_n3A_180, %mul3A_935 : i32
        %add3A_937 = arith.constant 16 : i32
        %add3A_938 = arith.addi %mul3A_936, %add3A_937 : i32
        %sub3A_939 = arith.constant 1 : i32
        %sub3A_940 = arith.subi %add3A_938, %sub3A_939 : i32
        %swap3A_941 = arith.index_cast %sub3A_940 : i32 to index
        %swap3A_942 = arith.constant 672 : index
        %swap3A_943 = tpu.vector_load %arg5[%swap3A_941, %swap3A_942] {strides = array<i32>} : memref<96x1024xf32, #tpu.memory_space<vmem>>, vector<1x16xf32>,
        %swap3A_944 = vector.shape_cast %swap3A_943 : vector<1x16xf32> to vector<16xf32>
        %swap3A_945 = vector.shape_cast %get3A_934 : vector<16xf32> to vector<1x16xf32>
        tpu.vector_store %arg5[%swap3A_941, %swap3A_942], %swap3A_945 {strides = array<i32>} : memref<96x1024xf32, #tpu.memory_space<vmem>>, vector<1x16xf32>,
        %get3A_946 = arith.constant 0 : i32
        %get3A_947 = arith.index_cast %get3A_946 : i32 to index
        %get3A_948 = arith.constant 688 : index
        %get3A_949 = tpu.vector_load %arg7[%get3A_947, %get3A_948] {strides = array<i32>} : memref<1x1024xf32, #tpu.memory_space<vmem>>, vector<1x16xf32>,
        %get3A_950 = vector.shape_cast %get3A_949 : vector<1x16xf32> to vector<16xf32>
        %mul3A_951 = arith.constant 16 : i32
        %mul3A_952 = arith.muli %select_n3A_180, %mul3A_951 : i32
        %add3A_953 = arith.constant 16 : i32
        %add3A_954 = arith.addi %mul3A_952, %add3A_953 : i32
        %sub3A_955 = arith.constant 1 : i32
        %sub3A_956 = arith.subi %add3A_954, %sub3A_955 : i32
        %swap3A_957 = arith.index_cast %sub3A_956 : i32 to index
        %swap3A_958 = arith.constant 688 : index
        %swap3A_959 = tpu.vector_load %arg5[%swap3A_957, %swap3A_958] {strides = array<i32>} : memref<96x1024xf32, #tpu.memory_space<vmem>>, vector<1x16xf32>,
        %swap3A_960 = vector.shape_cast %swap3A_959 : vector<1x16xf32> to vector<16xf32>
        %swap3A_961 = vector.shape_cast %get3A_950 : vector<16xf32> to vector<1x16xf32>
        tpu.vector_store %arg5[%swap3A_957, %swap3A_958], %swap3A_961 {strides = array<i32>} : memref<96x1024xf32, #tpu.memory_space<vmem>>, vector<1x16xf32>,
        %get3A_962 = arith.constant 0 : i32
        %get3A_963 = arith.index_cast %get3A_962 : i32 to index
        %get3A_964 = arith.constant 704 : index
        %get3A_965 = tpu.vector_load %arg7[%get3A_963, %get3A_964] {strides = array<i32>} : memref<1x1024xf32, #tpu.memory_space<vmem>>, vector<1x16xf32>,
        %get3A_966 = vector.shape_cast %get3A_965 : vector<1x16xf32> to vector<16xf32>
        %mul3A_967 = arith.constant 16 : i32
        %mul3A_968 = arith.muli %select_n3A_180, %mul3A_967 : i32
        %add3A_969 = arith.constant 16 : i32
        %add3A_970 = arith.addi %mul3A_968, %add3A_969 : i32
        %sub3A_971 = arith.constant 1 : i32
        %sub3A_972 = arith.subi %add3A_970, %sub3A_971 : i32
        %swap3A_973 = arith.index_cast %sub3A_972 : i32 to index
        %swap3A_974 = arith.constant 704 : index
        %swap3A_975 = tpu.vector_load %arg5[%swap3A_973, %swap3A_974] {strides = array<i32>} : memref<96x1024xf32, #tpu.memory_space<vmem>>, vector<1x16xf32>,
        %swap3A_976 = vector.shape_cast %swap3A_975 : vector<1x16xf32> to vector<16xf32>
        %swap3A_977 = vector.shape_cast %get3A_966 : vector<16xf32> to vector<1x16xf32>
        tpu.vector_store %arg5[%swap3A_973, %swap3A_974], %swap3A_977 {strides = array<i32>} : memref<96x1024xf32, #tpu.memory_space<vmem>>, vector<1x16xf32>,
        %get3A_978 = arith.constant 0 : i32
        %get3A_979 = arith.index_cast %get3A_978 : i32 to index
        %get3A_980 = arith.constant 720 : index
        %get3A_981 = tpu.vector_load %arg7[%get3A_979, %get3A_980] {strides = array<i32>} : memref<1x1024xf32, #tpu.memory_space<vmem>>, vector<1x16xf32>,
        %get3A_982 = vector.shape_cast %get3A_981 : vector<1x16xf32> to vector<16xf32>
        %mul3A_983 = arith.constant 16 : i32
        %mul3A_984 = arith.muli %select_n3A_180, %mul3A_983 : i32
        %add3A_985 = arith.constant 16 : i32
        %add3A_986 = arith.addi %mul3A_984, %add3A_985 : i32
        %sub3A_987 = arith.constant 1 : i32
        %sub3A_988 = arith.subi %add3A_986, %sub3A_987 : i32
        %swap3A_989 = arith.index_cast %sub3A_988 : i32 to index
        %swap3A_990 = arith.constant 720 : index
        %swap3A_991 = tpu.vector_load %arg5[%swap3A_989, %swap3A_990] {strides = array<i32>} : memref<96x1024xf32, #tpu.memory_space<vmem>>, vector<1x16xf32>,
        %swap3A_992 = vector.shape_cast %swap3A_991 : vector<1x16xf32> to vector<16xf32>
        %swap3A_993 = vector.shape_cast %get3A_982 : vector<16xf32> to vector<1x16xf32>
        tpu.vector_store %arg5[%swap3A_989, %swap3A_990], %swap3A_993 {strides = array<i32>} : memref<96x1024xf32, #tpu.memory_space<vmem>>, vector<1x16xf32>,
        %get3A_994 = arith.constant 0 : i32
        %get3A_995 = arith.index_cast %get3A_994 : i32 to index
        %get3A_996 = arith.constant 736 : index
        %get3A_997 = tpu.vector_load %arg7[%get3A_995, %get3A_996] {strides = array<i32>} : memref<1x1024xf32, #tpu.memory_space<vmem>>, vector<1x16xf32>,
        %get3A_998 = vector.shape_cast %get3A_997 : vector<1x16xf32> to vector<16xf32>
        %mul3A_999 = arith.constant 16 : i32
        %mul3A_1000 = arith.muli %select_n3A_180, %mul3A_999 : i32
        %add3A_1001 = arith.constant 16 : i32
        %add3A_1002 = arith.addi %mul3A_1000, %add3A_1001 : i32
        %sub3A_1003 = arith.constant 1 : i32
        %sub3A_1004 = arith.subi %add3A_1002, %sub3A_1003 : i32
        %swap3A_1005 = arith.index_cast %sub3A_1004 : i32 to index
        %swap3A_1006 = arith.constant 736 : index
        %swap3A_1007 = tpu.vector_load %arg5[%swap3A_1005, %swap3A_1006] {strides = array<i32>} : memref<96x1024xf32, #tpu.memory_space<vmem>>, vector<1x16xf32>,
        %swap3A_1008 = vector.shape_cast %swap3A_1007 : vector<1x16xf32> to vector<16xf32>
        %swap3A_1009 = vector.shape_cast %get3A_998 : vector<16xf32> to vector<1x16xf32>
        tpu.vector_store %arg5[%swap3A_1005, %swap3A_1006], %swap3A_1009 {strides = array<i32>} : memref<96x1024xf32, #tpu.memory_space<vmem>>, vector<1x16xf32>,
        %get3A_1010 = arith.constant 0 : i32
        %get3A_1011 = arith.index_cast %get3A_1010 : i32 to index
        %get3A_1012 = arith.constant 752 : index
        %get3A_1013 = tpu.vector_load %arg7[%get3A_1011, %get3A_1012] {strides = array<i32>} : memref<1x1024xf32, #tpu.memory_space<vmem>>, vector<1x16xf32>,
        %get3A_1014 = vector.shape_cast %get3A_1013 : vector<1x16xf32> to vector<16xf32>
        %mul3A_1015 = arith.constant 16 : i32
        %mul3A_1016 = arith.muli %select_n3A_180, %mul3A_1015 : i32
        %add3A_1017 = arith.constant 16 : i32
        %add3A_1018 = arith.addi %mul3A_1016, %add3A_1017 : i32
        %sub3A_1019 = arith.constant 1 : i32
        %sub3A_1020 = arith.subi %add3A_1018, %sub3A_1019 : i32
        %swap3A_1021 = arith.index_cast %sub3A_1020 : i32 to index
        %swap3A_1022 = arith.constant 752 : index
        %swap3A_1023 = tpu.vector_load %arg5[%swap3A_1021, %swap3A_1022] {strides = array<i32>} : memref<96x1024xf32, #tpu.memory_space<vmem>>, vector<1x16xf32>,
        %swap3A_1024 = vector.shape_cast %swap3A_1023 : vector<1x16xf32> to vector<16xf32>
        %swap3A_1025 = vector.shape_cast %get3A_1014 : vector<16xf32> to vector<1x16xf32>
        tpu.vector_store %arg5[%swap3A_1021, %swap3A_1022], %swap3A_1025 {strides = array<i32>} : memref<96x1024xf32, #tpu.memory_space<vmem>>, vector<1x16xf32>,
        %get3A_1026 = arith.constant 0 : i32
        %get3A_1027 = arith.index_cast %get3A_1026 : i32 to index
        %get3A_1028 = arith.constant 768 : index
        %get3A_1029 = tpu.vector_load %arg7[%get3A_1027, %get3A_1028] {strides = array<i32>} : memref<1x1024xf32, #tpu.memory_space<vmem>>, vector<1x16xf32>,
        %get3A_1030 = vector.shape_cast %get3A_1029 : vector<1x16xf32> to vector<16xf32>
        %mul3A_1031 = arith.constant 16 : i32
        %mul3A_1032 = arith.muli %select_n3A_180, %mul3A_1031 : i32
        %add3A_1033 = arith.constant 16 : i32
        %add3A_1034 = arith.addi %mul3A_1032, %add3A_1033 : i32
        %sub3A_1035 = arith.constant 1 : i32
        %sub3A_1036 = arith.subi %add3A_1034, %sub3A_1035 : i32
        %swap3A_1037 = arith.index_cast %sub3A_1036 : i32 to index
        %swap3A_1038 = arith.constant 768 : index
        %swap3A_1039 = tpu.vector_load %arg5[%swap3A_1037, %swap3A_1038] {strides = array<i32>} : memref<96x1024xf32, #tpu.memory_space<vmem>>, vector<1x16xf32>,
        %swap3A_1040 = vector.shape_cast %swap3A_1039 : vector<1x16xf32> to vector<16xf32>
        %swap3A_1041 = vector.shape_cast %get3A_1030 : vector<16xf32> to vector<1x16xf32>
        tpu.vector_store %arg5[%swap3A_1037, %swap3A_1038], %swap3A_1041 {strides = array<i32>} : memref<96x1024xf32, #tpu.memory_space<vmem>>, vector<1x16xf32>,
        %get3A_1042 = arith.constant 0 : i32
        %get3A_1043 = arith.index_cast %get3A_1042 : i32 to index
        %get3A_1044 = arith.constant 784 : index
        %get3A_1045 = tpu.vector_load %arg7[%get3A_1043, %get3A_1044] {strides = array<i32>} : memref<1x1024xf32, #tpu.memory_space<vmem>>, vector<1x16xf32>,
        %get3A_1046 = vector.shape_cast %get3A_1045 : vector<1x16xf32> to vector<16xf32>
        %mul3A_1047 = arith.constant 16 : i32
        %mul3A_1048 = arith.muli %select_n3A_180, %mul3A_1047 : i32
        %add3A_1049 = arith.constant 16 : i32
        %add3A_1050 = arith.addi %mul3A_1048, %add3A_1049 : i32
        %sub3A_1051 = arith.constant 1 : i32
        %sub3A_1052 = arith.subi %add3A_1050, %sub3A_1051 : i32
        %swap3A_1053 = arith.index_cast %sub3A_1052 : i32 to index
        %swap3A_1054 = arith.constant 784 : index
        %swap3A_1055 = tpu.vector_load %arg5[%swap3A_1053, %swap3A_1054] {strides = array<i32>} : memref<96x1024xf32, #tpu.memory_space<vmem>>, vector<1x16xf32>,
        %swap3A_1056 = vector.shape_cast %swap3A_1055 : vector<1x16xf32> to vector<16xf32>
        %swap3A_1057 = vector.shape_cast %get3A_1046 : vector<16xf32> to vector<1x16xf32>
        tpu.vector_store %arg5[%swap3A_1053, %swap3A_1054], %swap3A_1057 {strides = array<i32>} : memref<96x1024xf32, #tpu.memory_space<vmem>>, vector<1x16xf32>,
        %get3A_1058 = arith.constant 0 : i32
        %get3A_1059 = arith.index_cast %get3A_1058 : i32 to index
        %get3A_1060 = arith.constant 800 : index
        %get3A_1061 = tpu.vector_load %arg7[%get3A_1059, %get3A_1060] {strides = array<i32>} : memref<1x1024xf32, #tpu.memory_space<vmem>>, vector<1x16xf32>,
        %get3A_1062 = vector.shape_cast %get3A_1061 : vector<1x16xf32> to vector<16xf32>
        %mul3A_1063 = arith.constant 16 : i32
        %mul3A_1064 = arith.muli %select_n3A_180, %mul3A_1063 : i32
        %add3A_1065 = arith.constant 16 : i32
        %add3A_1066 = arith.addi %mul3A_1064, %add3A_1065 : i32
        %sub3A_1067 = arith.constant 1 : i32
        %sub3A_1068 = arith.subi %add3A_1066, %sub3A_1067 : i32
        %swap3A_1069 = arith.index_cast %sub3A_1068 : i32 to index
        %swap3A_1070 = arith.constant 800 : index
        %swap3A_1071 = tpu.vector_load %arg5[%swap3A_1069, %swap3A_1070] {strides = array<i32>} : memref<96x1024xf32, #tpu.memory_space<vmem>>, vector<1x16xf32>,
        %swap3A_1072 = vector.shape_cast %swap3A_1071 : vector<1x16xf32> to vector<16xf32>
        %swap3A_1073 = vector.shape_cast %get3A_1062 : vector<16xf32> to vector<1x16xf32>
        tpu.vector_store %arg5[%swap3A_1069, %swap3A_1070], %swap3A_1073 {strides = array<i32>} : memref<96x1024xf32, #tpu.memory_space<vmem>>, vector<1x16xf32>,
        %get3A_1074 = arith.constant 0 : i32
        %get3A_1075 = arith.index_cast %get3A_1074 : i32 to index
        %get3A_1076 = arith.constant 816 : index
        %get3A_1077 = tpu.vector_load %arg7[%get3A_1075, %get3A_1076] {strides = array<i32>} : memref<1x1024xf32, #tpu.memory_space<vmem>>, vector<1x16xf32>,
        %get3A_1078 = vector.shape_cast %get3A_1077 : vector<1x16xf32> to vector<16xf32>
        %mul3A_1079 = arith.constant 16 : i32
        %mul3A_1080 = arith.muli %select_n3A_180, %mul3A_1079 : i32
        %add3A_1081 = arith.constant 16 : i32
        %add3A_1082 = arith.addi %mul3A_1080, %add3A_1081 : i32
        %sub3A_1083 = arith.constant 1 : i32
        %sub3A_1084 = arith.subi %add3A_1082, %sub3A_1083 : i32
        %swap3A_1085 = arith.index_cast %sub3A_1084 : i32 to index
        %swap3A_1086 = arith.constant 816 : index
        %swap3A_1087 = tpu.vector_load %arg5[%swap3A_1085, %swap3A_1086] {strides = array<i32>} : memref<96x1024xf32, #tpu.memory_space<vmem>>, vector<1x16xf32>,
        %swap3A_1088 = vector.shape_cast %swap3A_1087 : vector<1x16xf32> to vector<16xf32>
        %swap3A_1089 = vector.shape_cast %get3A_1078 : vector<16xf32> to vector<1x16xf32>
        tpu.vector_store %arg5[%swap3A_1085, %swap3A_1086], %swap3A_1089 {strides = array<i32>} : memref<96x1024xf32, #tpu.memory_space<vmem>>, vector<1x16xf32>,
        %get3A_1090 = arith.constant 0 : i32
        %get3A_1091 = arith.index_cast %get3A_1090 : i32 to index
        %get3A_1092 = arith.constant 832 : index
        %get3A_1093 = tpu.vector_load %arg7[%get3A_1091, %get3A_1092] {strides = array<i32>} : memref<1x1024xf32, #tpu.memory_space<vmem>>, vector<1x16xf32>,
        %get3A_1094 = vector.shape_cast %get3A_1093 : vector<1x16xf32> to vector<16xf32>
        %mul3A_1095 = arith.constant 16 : i32
        %mul3A_1096 = arith.muli %select_n3A_180, %mul3A_1095 : i32
        %add3A_1097 = arith.constant 16 : i32
        %add3A_1098 = arith.addi %mul3A_1096, %add3A_1097 : i32
        %sub3A_1099 = arith.constant 1 : i32
        %sub3A_1100 = arith.subi %add3A_1098, %sub3A_1099 : i32
        %swap3A_1101 = arith.index_cast %sub3A_1100 : i32 to index
        %swap3A_1102 = arith.constant 832 : index
        %swap3A_1103 = tpu.vector_load %arg5[%swap3A_1101, %swap3A_1102] {strides = array<i32>} : memref<96x1024xf32, #tpu.memory_space<vmem>>, vector<1x16xf32>,
        %swap3A_1104 = vector.shape_cast %swap3A_1103 : vector<1x16xf32> to vector<16xf32>
        %swap3A_1105 = vector.shape_cast %get3A_1094 : vector<16xf32> to vector<1x16xf32>
        tpu.vector_store %arg5[%swap3A_1101, %swap3A_1102], %swap3A_1105 {strides = array<i32>} : memref<96x1024xf32, #tpu.memory_space<vmem>>, vector<1x16xf32>,
        %get3A_1106 = arith.constant 0 : i32
        %get3A_1107 = arith.index_cast %get3A_1106 : i32 to index
        %get3A_1108 = arith.constant 848 : index
        %get3A_1109 = tpu.vector_load %arg7[%get3A_1107, %get3A_1108] {strides = array<i32>} : memref<1x1024xf32, #tpu.memory_space<vmem>>, vector<1x16xf32>,
        %get3A_1110 = vector.shape_cast %get3A_1109 : vector<1x16xf32> to vector<16xf32>
        %mul3A_1111 = arith.constant 16 : i32
        %mul3A_1112 = arith.muli %select_n3A_180, %mul3A_1111 : i32
        %add3A_1113 = arith.constant 16 : i32
        %add3A_1114 = arith.addi %mul3A_1112, %add3A_1113 : i32
        %sub3A_1115 = arith.constant 1 : i32
        %sub3A_1116 = arith.subi %add3A_1114, %sub3A_1115 : i32
        %swap3A_1117 = arith.index_cast %sub3A_1116 : i32 to index
        %swap3A_1118 = arith.constant 848 : index
        %swap3A_1119 = tpu.vector_load %arg5[%swap3A_1117, %swap3A_1118] {strides = array<i32>} : memref<96x1024xf32, #tpu.memory_space<vmem>>, vector<1x16xf32>,
        %swap3A_1120 = vector.shape_cast %swap3A_1119 : vector<1x16xf32> to vector<16xf32>
        %swap3A_1121 = vector.shape_cast %get3A_1110 : vector<16xf32> to vector<1x16xf32>
        tpu.vector_store %arg5[%swap3A_1117, %swap3A_1118], %swap3A_1121 {strides = array<i32>} : memref<96x1024xf32, #tpu.memory_space<vmem>>, vector<1x16xf32>,
        %get3A_1122 = arith.constant 0 : i32
        %get3A_1123 = arith.index_cast %get3A_1122 : i32 to index
        %get3A_1124 = arith.constant 864 : index
        %get3A_1125 = tpu.vector_load %arg7[%get3A_1123, %get3A_1124] {strides = array<i32>} : memref<1x1024xf32, #tpu.memory_space<vmem>>, vector<1x16xf32>,
        %get3A_1126 = vector.shape_cast %get3A_1125 : vector<1x16xf32> to vector<16xf32>
        %mul3A_1127 = arith.constant 16 : i32
        %mul3A_1128 = arith.muli %select_n3A_180, %mul3A_1127 : i32
        %add3A_1129 = arith.constant 16 : i32
        %add3A_1130 = arith.addi %mul3A_1128, %add3A_1129 : i32
        %sub3A_1131 = arith.constant 1 : i32
        %sub3A_1132 = arith.subi %add3A_1130, %sub3A_1131 : i32
        %swap3A_1133 = arith.index_cast %sub3A_1132 : i32 to index
        %swap3A_1134 = arith.constant 864 : index
        %swap3A_1135 = tpu.vector_load %arg5[%swap3A_1133, %swap3A_1134] {strides = array<i32>} : memref<96x1024xf32, #tpu.memory_space<vmem>>, vector<1x16xf32>,
        %swap3A_1136 = vector.shape_cast %swap3A_1135 : vector<1x16xf32> to vector<16xf32>
        %swap3A_1137 = vector.shape_cast %get3A_1126 : vector<16xf32> to vector<1x16xf32>
        tpu.vector_store %arg5[%swap3A_1133, %swap3A_1134], %swap3A_1137 {strides = array<i32>} : memref<96x1024xf32, #tpu.memory_space<vmem>>, vector<1x16xf32>,
        %get3A_1138 = arith.constant 0 : i32
        %get3A_1139 = arith.index_cast %get3A_1138 : i32 to index
        %get3A_1140 = arith.constant 880 : index
        %get3A_1141 = tpu.vector_load %arg7[%get3A_1139, %get3A_1140] {strides = array<i32>} : memref<1x1024xf32, #tpu.memory_space<vmem>>, vector<1x16xf32>,
        %get3A_1142 = vector.shape_cast %get3A_1141 : vector<1x16xf32> to vector<16xf32>
        %mul3A_1143 = arith.constant 16 : i32
        %mul3A_1144 = arith.muli %select_n3A_180, %mul3A_1143 : i32
        %add3A_1145 = arith.constant 16 : i32
        %add3A_1146 = arith.addi %mul3A_1144, %add3A_1145 : i32
        %sub3A_1147 = arith.constant 1 : i32
        %sub3A_1148 = arith.subi %add3A_1146, %sub3A_1147 : i32
        %swap3A_1149 = arith.index_cast %sub3A_1148 : i32 to index
        %swap3A_1150 = arith.constant 880 : index
        %swap3A_1151 = tpu.vector_load %arg5[%swap3A_1149, %swap3A_1150] {strides = array<i32>} : memref<96x1024xf32, #tpu.memory_space<vmem>>, vector<1x16xf32>,
        %swap3A_1152 = vector.shape_cast %swap3A_1151 : vector<1x16xf32> to vector<16xf32>
        %swap3A_1153 = vector.shape_cast %get3A_1142 : vector<16xf32> to vector<1x16xf32>
        tpu.vector_store %arg5[%swap3A_1149, %swap3A_1150], %swap3A_1153 {strides = array<i32>} : memref<96x1024xf32, #tpu.memory_space<vmem>>, vector<1x16xf32>,
        %get3A_1154 = arith.constant 0 : i32
        %get3A_1155 = arith.index_cast %get3A_1154 : i32 to index
        %get3A_1156 = arith.constant 896 : index
        %get3A_1157 = tpu.vector_load %arg7[%get3A_1155, %get3A_1156] {strides = array<i32>} : memref<1x1024xf32, #tpu.memory_space<vmem>>, vector<1x16xf32>,
        %get3A_1158 = vector.shape_cast %get3A_1157 : vector<1x16xf32> to vector<16xf32>
        %mul3A_1159 = arith.constant 16 : i32
        %mul3A_1160 = arith.muli %select_n3A_180, %mul3A_1159 : i32
        %add3A_1161 = arith.constant 16 : i32
        %add3A_1162 = arith.addi %mul3A_1160, %add3A_1161 : i32
        %sub3A_1163 = arith.constant 1 : i32
        %sub3A_1164 = arith.subi %add3A_1162, %sub3A_1163 : i32
        %swap3A_1165 = arith.index_cast %sub3A_1164 : i32 to index
        %swap3A_1166 = arith.constant 896 : index
        %swap3A_1167 = tpu.vector_load %arg5[%swap3A_1165, %swap3A_1166] {strides = array<i32>} : memref<96x1024xf32, #tpu.memory_space<vmem>>, vector<1x16xf32>,
        %swap3A_1168 = vector.shape_cast %swap3A_1167 : vector<1x16xf32> to vector<16xf32>
        %swap3A_1169 = vector.shape_cast %get3A_1158 : vector<16xf32> to vector<1x16xf32>
        tpu.vector_store %arg5[%swap3A_1165, %swap3A_1166], %swap3A_1169 {strides = array<i32>} : memref<96x1024xf32, #tpu.memory_space<vmem>>, vector<1x16xf32>,
        %get3A_1170 = arith.constant 0 : i32
        %get3A_1171 = arith.index_cast %get3A_1170 : i32 to index
        %get3A_1172 = arith.constant 912 : index
        %get3A_1173 = tpu.vector_load %arg7[%get3A_1171, %get3A_1172] {strides = array<i32>} : memref<1x1024xf32, #tpu.memory_space<vmem>>, vector<1x16xf32>,
        %get3A_1174 = vector.shape_cast %get3A_1173 : vector<1x16xf32> to vector<16xf32>
        %mul3A_1175 = arith.constant 16 : i32
        %mul3A_1176 = arith.muli %select_n3A_180, %mul3A_1175 : i32
        %add3A_1177 = arith.constant 16 : i32
        %add3A_1178 = arith.addi %mul3A_1176, %add3A_1177 : i32
        %sub3A_1179 = arith.constant 1 : i32
        %sub3A_1180 = arith.subi %add3A_1178, %sub3A_1179 : i32
        %swap3A_1181 = arith.index_cast %sub3A_1180 : i32 to index
        %swap3A_1182 = arith.constant 912 : index
        %swap3A_1183 = tpu.vector_load %arg5[%swap3A_1181, %swap3A_1182] {strides = array<i32>} : memref<96x1024xf32, #tpu.memory_space<vmem>>, vector<1x16xf32>,
        %swap3A_1184 = vector.shape_cast %swap3A_1183 : vector<1x16xf32> to vector<16xf32>
        %swap3A_1185 = vector.shape_cast %get3A_1174 : vector<16xf32> to vector<1x16xf32>
        tpu.vector_store %arg5[%swap3A_1181, %swap3A_1182], %swap3A_1185 {strides = array<i32>} : memref<96x1024xf32, #tpu.memory_space<vmem>>, vector<1x16xf32>,
        %get3A_1186 = arith.constant 0 : i32
        %get3A_1187 = arith.index_cast %get3A_1186 : i32 to index
        %get3A_1188 = arith.constant 928 : index
        %get3A_1189 = tpu.vector_load %arg7[%get3A_1187, %get3A_1188] {strides = array<i32>} : memref<1x1024xf32, #tpu.memory_space<vmem>>, vector<1x16xf32>,
        %get3A_1190 = vector.shape_cast %get3A_1189 : vector<1x16xf32> to vector<16xf32>
        %mul3A_1191 = arith.constant 16 : i32
        %mul3A_1192 = arith.muli %select_n3A_180, %mul3A_1191 : i32
        %add3A_1193 = arith.constant 16 : i32
        %add3A_1194 = arith.addi %mul3A_1192, %add3A_1193 : i32
        %sub3A_1195 = arith.constant 1 : i32
        %sub3A_1196 = arith.subi %add3A_1194, %sub3A_1195 : i32
        %swap3A_1197 = arith.index_cast %sub3A_1196 : i32 to index
        %swap3A_1198 = arith.constant 928 : index
        %swap3A_1199 = tpu.vector_load %arg5[%swap3A_1197, %swap3A_1198] {strides = array<i32>} : memref<96x1024xf32, #tpu.memory_space<vmem>>, vector<1x16xf32>,
        %swap3A_1200 = vector.shape_cast %swap3A_1199 : vector<1x16xf32> to vector<16xf32>
        %swap3A_1201 = vector.shape_cast %get3A_1190 : vector<16xf32> to vector<1x16xf32>
        tpu.vector_store %arg5[%swap3A_1197, %swap3A_1198], %swap3A_1201 {strides = array<i32>} : memref<96x1024xf32, #tpu.memory_space<vmem>>, vector<1x16xf32>,
        %get3A_1202 = arith.constant 0 : i32
        %get3A_1203 = arith.index_cast %get3A_1202 : i32 to index
        %get3A_1204 = arith.constant 944 : index
        %get3A_1205 = tpu.vector_load %arg7[%get3A_1203, %get3A_1204] {strides = array<i32>} : memref<1x1024xf32, #tpu.memory_space<vmem>>, vector<1x16xf32>,
        %get3A_1206 = vector.shape_cast %get3A_1205 : vector<1x16xf32> to vector<16xf32>
        %mul3A_1207 = arith.constant 16 : i32
        %mul3A_1208 = arith.muli %select_n3A_180, %mul3A_1207 : i32
        %add3A_1209 = arith.constant 16 : i32
        %add3A_1210 = arith.addi %mul3A_1208, %add3A_1209 : i32
        %sub3A_1211 = arith.constant 1 : i32
        %sub3A_1212 = arith.subi %add3A_1210, %sub3A_1211 : i32
        %swap3A_1213 = arith.index_cast %sub3A_1212 : i32 to index
        %swap3A_1214 = arith.constant 944 : index
        %swap3A_1215 = tpu.vector_load %arg5[%swap3A_1213, %swap3A_1214] {strides = array<i32>} : memref<96x1024xf32, #tpu.memory_space<vmem>>, vector<1x16xf32>,
        %swap3A_1216 = vector.shape_cast %swap3A_1215 : vector<1x16xf32> to vector<16xf32>
        %swap3A_1217 = vector.shape_cast %get3A_1206 : vector<16xf32> to vector<1x16xf32>
        tpu.vector_store %arg5[%swap3A_1213, %swap3A_1214], %swap3A_1217 {strides = array<i32>} : memref<96x1024xf32, #tpu.memory_space<vmem>>, vector<1x16xf32>,
        %get3A_1218 = arith.constant 0 : i32
        %get3A_1219 = arith.index_cast %get3A_1218 : i32 to index
        %get3A_1220 = arith.constant 960 : index
        %get3A_1221 = tpu.vector_load %arg7[%get3A_1219, %get3A_1220] {strides = array<i32>} : memref<1x1024xf32, #tpu.memory_space<vmem>>, vector<1x16xf32>,
        %get3A_1222 = vector.shape_cast %get3A_1221 : vector<1x16xf32> to vector<16xf32>
        %mul3A_1223 = arith.constant 16 : i32
        %mul3A_1224 = arith.muli %select_n3A_180, %mul3A_1223 : i32
        %add3A_1225 = arith.constant 16 : i32
        %add3A_1226 = arith.addi %mul3A_1224, %add3A_1225 : i32
        %sub3A_1227 = arith.constant 1 : i32
        %sub3A_1228 = arith.subi %add3A_1226, %sub3A_1227 : i32
        %swap3A_1229 = arith.index_cast %sub3A_1228 : i32 to index
        %swap3A_1230 = arith.constant 960 : index
        %swap3A_1231 = tpu.vector_load %arg5[%swap3A_1229, %swap3A_1230] {strides = array<i32>} : memref<96x1024xf32, #tpu.memory_space<vmem>>, vector<1x16xf32>,
        %swap3A_1232 = vector.shape_cast %swap3A_1231 : vector<1x16xf32> to vector<16xf32>
        %swap3A_1233 = vector.shape_cast %get3A_1222 : vector<16xf32> to vector<1x16xf32>
        tpu.vector_store %arg5[%swap3A_1229, %swap3A_1230], %swap3A_1233 {strides = array<i32>} : memref<96x1024xf32, #tpu.memory_space<vmem>>, vector<1x16xf32>,
        %get3A_1234 = arith.constant 0 : i32
        %get3A_1235 = arith.index_cast %get3A_1234 : i32 to index
        %get3A_1236 = arith.constant 976 : index
        %get3A_1237 = tpu.vector_load %arg7[%get3A_1235, %get3A_1236] {strides = array<i32>} : memref<1x1024xf32, #tpu.memory_space<vmem>>, vector<1x16xf32>,
        %get3A_1238 = vector.shape_cast %get3A_1237 : vector<1x16xf32> to vector<16xf32>
        %mul3A_1239 = arith.constant 16 : i32
        %mul3A_1240 = arith.muli %select_n3A_180, %mul3A_1239 : i32
        %add3A_1241 = arith.constant 16 : i32
        %add3A_1242 = arith.addi %mul3A_1240, %add3A_1241 : i32
        %sub3A_1243 = arith.constant 1 : i32
        %sub3A_1244 = arith.subi %add3A_1242, %sub3A_1243 : i32
        %swap3A_1245 = arith.index_cast %sub3A_1244 : i32 to index
        %swap3A_1246 = arith.constant 976 : index
        %swap3A_1247 = tpu.vector_load %arg5[%swap3A_1245, %swap3A_1246] {strides = array<i32>} : memref<96x1024xf32, #tpu.memory_space<vmem>>, vector<1x16xf32>,
        %swap3A_1248 = vector.shape_cast %swap3A_1247 : vector<1x16xf32> to vector<16xf32>
        %swap3A_1249 = vector.shape_cast %get3A_1238 : vector<16xf32> to vector<1x16xf32>
        tpu.vector_store %arg5[%swap3A_1245, %swap3A_1246], %swap3A_1249 {strides = array<i32>} : memref<96x1024xf32, #tpu.memory_space<vmem>>, vector<1x16xf32>,
        %get3A_1250 = arith.constant 0 : i32
        %get3A_1251 = arith.index_cast %get3A_1250 : i32 to index
        %get3A_1252 = arith.constant 992 : index
        %get3A_1253 = tpu.vector_load %arg7[%get3A_1251, %get3A_1252] {strides = array<i32>} : memref<1x1024xf32, #tpu.memory_space<vmem>>, vector<1x16xf32>,
        %get3A_1254 = vector.shape_cast %get3A_1253 : vector<1x16xf32> to vector<16xf32>
        %mul3A_1255 = arith.constant 16 : i32
        %mul3A_1256 = arith.muli %select_n3A_180, %mul3A_1255 : i32
        %add3A_1257 = arith.constant 16 : i32
        %add3A_1258 = arith.addi %mul3A_1256, %add3A_1257 : i32
        %sub3A_1259 = arith.constant 1 : i32
        %sub3A_1260 = arith.subi %add3A_1258, %sub3A_1259 : i32
        %swap3A_1261 = arith.index_cast %sub3A_1260 : i32 to index
        %swap3A_1262 = arith.constant 992 : index
        %swap3A_1263 = tpu.vector_load %arg5[%swap3A_1261, %swap3A_1262] {strides = array<i32>} : memref<96x1024xf32, #tpu.memory_space<vmem>>, vector<1x16xf32>,
        %swap3A_1264 = vector.shape_cast %swap3A_1263 : vector<1x16xf32> to vector<16xf32>
        %swap3A_1265 = vector.shape_cast %get3A_1254 : vector<16xf32> to vector<1x16xf32>
        tpu.vector_store %arg5[%swap3A_1261, %swap3A_1262], %swap3A_1265 {strides = array<i32>} : memref<96x1024xf32, #tpu.memory_space<vmem>>, vector<1x16xf32>,
        %get3A_1266 = arith.constant 0 : i32
        %get3A_1267 = arith.index_cast %get3A_1266 : i32 to index
        %get3A_1268 = arith.constant 1008 : index
        %get3A_1269 = tpu.vector_load %arg7[%get3A_1267, %get3A_1268] {strides = array<i32>} : memref<1x1024xf32, #tpu.memory_space<vmem>>, vector<1x16xf32>,
        %get3A_1270 = vector.shape_cast %get3A_1269 : vector<1x16xf32> to vector<16xf32>
        %mul3A_1271 = arith.constant 16 : i32
        %mul3A_1272 = arith.muli %select_n3A_180, %mul3A_1271 : i32
        %add3A_1273 = arith.constant 16 : i32
        %add3A_1274 = arith.addi %mul3A_1272, %add3A_1273 : i32
        %sub3A_1275 = arith.constant 1 : i32
        %sub3A_1276 = arith.subi %add3A_1274, %sub3A_1275 : i32
        %swap3A_1277 = arith.index_cast %sub3A_1276 : i32 to index
        %swap3A_1278 = arith.constant 1008 : index
        %swap3A_1279 = tpu.vector_load %arg5[%swap3A_1277, %swap3A_1278] {strides = array<i32>} : memref<96x1024xf32, #tpu.memory_space<vmem>>, vector<1x16xf32>,
        %swap3A_1280 = vector.shape_cast %swap3A_1279 : vector<1x16xf32> to vector<16xf32>
        %swap3A_1281 = vector.shape_cast %get3A_1270 : vector<16xf32> to vector<1x16xf32>
        tpu.vector_store %arg5[%swap3A_1277, %swap3A_1278], %swap3A_1281 {strides = array<i32>} : memref<96x1024xf32, #tpu.memory_space<vmem>>, vector<1x16xf32>,
      } else {
      }
      %jit3A_230 = arith.constant 6 : i32
      %eq3A_231 = arith.constant 0 : i32
      %eq3A_232 = arith.cmpi eq, %jit3A_230, %eq3A_231 : i32
      %jit3A_233 = arith.constant 1 : i32
      %select_n3A_234 = arith.select %eq3A_232, %jit3A_233, %jit3A_230 : i32
      %rem3A_235 = arith.remsi %scan3A_164, %select_n3A_234 : i32
      %ne3A_236 = arith.constant 0 : i32
      %ne3A_237 = arith.cmpi ne, %rem3A_235, %ne3A_236 : i32
      %lt3A_238 = arith.constant 0 : i32
      %lt3A_239 = arith.cmpi slt, %rem3A_235, %lt3A_238 : i32
      %lt3A_240 = arith.constant 0 : i32
      %lt3A_241 = arith.cmpi slt, %select_n3A_234, %lt3A_240 : i32
      %ne3A_242 = arith.xori %lt3A_239, %lt3A_241 : i1
      %and3A_243 = arith.andi %ne3A_242, %ne3A_237 : i1
      %add3A_244 = arith.addi %rem3A_235, %select_n3A_234 : i32
      %select_n3A_245 = arith.select %and3A_243, %add3A_244, %rem3A_235 : i32
      %mul3A_246 = arith.constant 16 : i32
      %mul3A_247 = arith.muli %select_n3A_245, %mul3A_246 : i32
      %mul3A_248 = arith.constant 16 : i32
      %mul3A_249 = arith.muli %scan3A_164, %mul3A_248 : i32
      %add3A_250 = arith.addi %add3A_35, %mul3A_249 : i32
      %dma_start3A_251 = arith.constant 0 : i32
      %dma_start3A_252 = tpu.memref_slice %arg5[%mul3A_247, %dma_start3A_251] : memref<96x1024xf32, #tpu.memory_space<vmem>> -> memref<16x1024xf32, #tpu.memory_space<vmem>>
      %dma_start3A_253 = arith.constant 0 : i32
      %dma_start3A_254 = tpu.memref_slice %arg4[%add3A_250, %dma_start3A_253] : memref<32768x1024xf32, #tpu.memory_space<hbm>> -> memref<16x1024xf32, #tpu.memory_space<hbm>>
      %dma_start3A_255 = arith.constant 0 : i32
      %dma_start3A_256 = tpu.memref_slice %arg4[%add3A_250, %dma_start3A_255] : memref<32768x1024xf32, #tpu.memory_space<hbm>> -> memref<16x1024xf32, #tpu.memory_space<hbm>>
      %dma_start3A_257 = arith.constant 0 : i32
      %dma_start3A_258 = tpu.memref_slice %arg5[%mul3A_247, %dma_start3A_257] : memref<96x1024xf32, #tpu.memory_space<vmem>> -> memref<16x1024xf32, #tpu.memory_space<vmem>>
      tpu.enqueue_dma source(%dma_start3A_258 : memref<16x1024xf32, #tpu.memory_space<vmem>>) target(%dma_start3A_256 : memref<16x1024xf32, #tpu.memory_space<hbm>>) target_semaphore(%arg10 : memref<!tpu.dma_semaphore, #tpu.memory_space<semaphore_mem>>)
    }
    %scan3A_103 = arith.constant 64 : i32
    %dma_wait3A_104 = arith.constant 0 : i32
    %dma_wait3A_105 = arith.constant 0 : i32
    %dma_wait3A_106 = tpu.memref_slice %arg5[%dma_wait3A_104, %dma_wait3A_105] : memref<96x1024xf32, #tpu.memory_space<vmem>> -> memref<16x1024xf32, #tpu.memory_space<vmem>>
    %dma_wait3A_107 = arith.constant 0 : i32
    %dma_wait3A_108 = tpu.memref_slice %arg4[%add3A_35, %dma_wait3A_107] : memref<32768x1024xf32, #tpu.memory_space<hbm>> -> memref<16x1024xf32, #tpu.memory_space<hbm>>
    %dma_wait3A_109 = arith.constant 0 : i32
    %dma_wait3A_110 = tpu.memref_slice %arg4[%add3A_35, %dma_wait3A_109] : memref<32768x1024xf32, #tpu.memory_space<hbm>> -> memref<16x1024xf32, #tpu.memory_space<hbm>>
    %dma_wait3A_111 = arith.constant 0 : i32
    %dma_wait3A_112 = arith.constant 0 : i32
    %dma_wait3A_113 = tpu.memref_slice %arg5[%dma_wait3A_111, %dma_wait3A_112] : memref<96x1024xf32, #tpu.memory_space<vmem>> -> memref<16x1024xf32, #tpu.memory_space<vmem>>
    tpu.wait_dma2 semaphore(%arg10 : memref<!tpu.dma_semaphore, #tpu.memory_space<semaphore_mem>>) src(%dma_wait3A_113 : memref<16x1024xf32, #tpu.memory_space<vmem>>) dst(%dma_wait3A_110 : memref<16x1024xf32, #tpu.memory_space<hbm>>)
    %dma_wait3A_114 = arith.constant 0 : i32
    %dma_wait3A_115 = arith.constant 0 : i32
    %dma_wait3A_116 = tpu.memref_slice %arg5[%dma_wait3A_114, %dma_wait3A_115] : memref<96x1024xf32, #tpu.memory_space<vmem>> -> memref<16x1024xf32, #tpu.memory_space<vmem>>
    %dma_wait3A_117 = arith.constant 0 : i32
    %dma_wait3A_118 = tpu.memref_slice %arg4[%add3A_35, %dma_wait3A_117] : memref<32768x1024xf32, #tpu.memory_space<hbm>> -> memref<16x1024xf32, #tpu.memory_space<hbm>>
    %dma_wait3A_119 = arith.constant 0 : i32
    %dma_wait3A_120 = tpu.memref_slice %arg4[%add3A_35, %dma_wait3A_119] : memref<32768x1024xf32, #tpu.memory_space<hbm>> -> memref<16x1024xf32, #tpu.memory_space<hbm>>
    %dma_wait3A_121 = arith.constant 0 : i32
    %dma_wait3A_122 = arith.constant 0 : i32
    %dma_wait3A_123 = tpu.memref_slice %arg5[%dma_wait3A_121, %dma_wait3A_122] : memref<96x1024xf32, #tpu.memory_space<vmem>> -> memref<16x1024xf32, #tpu.memory_space<vmem>>
    tpu.wait_dma2 semaphore(%arg10 : memref<!tpu.dma_semaphore, #tpu.memory_space<semaphore_mem>>) src(%dma_wait3A_123 : memref<16x1024xf32, #tpu.memory_space<vmem>>) dst(%dma_wait3A_120 : memref<16x1024xf32, #tpu.memory_space<hbm>>)
    %dma_wait3A_124 = arith.constant 0 : i32
    %dma_wait3A_125 = arith.constant 0 : i32
    %dma_wait3A_126 = tpu.memref_slice %arg5[%dma_wait3A_124, %dma_wait3A_125] : memref<96x1024xf32, #tpu.memory_space<vmem>> -> memref<16x1024xf32, #tpu.memory_space<vmem>>
    %dma_wait3A_127 = arith.constant 0 : i32
    %dma_wait3A_128 = tpu.memref_slice %arg4[%add3A_35, %dma_wait3A_127] : memref<32768x1024xf32, #tpu.memory_space<hbm>> -> memref<16x1024xf32, #tpu.memory_space<hbm>>
    %dma_wait3A_129 = arith.constant 0 : i32
    %dma_wait3A_130 = tpu.memref_slice %arg4[%add3A_35, %dma_wait3A_129] : memref<32768x1024xf32, #tpu.memory_space<hbm>> -> memref<16x1024xf32, #tpu.memory_space<hbm>>
    %dma_wait3A_131 = arith.constant 0 : i32
    %dma_wait3A_132 = arith.constant 0 : i32
    %dma_wait3A_133 = tpu.memref_slice %arg5[%dma_wait3A_131, %dma_wait3A_132] : memref<96x1024xf32, #tpu.memory_space<vmem>> -> memref<16x1024xf32, #tpu.memory_space<vmem>>
    tpu.wait_dma2 semaphore(%arg10 : memref<!tpu.dma_semaphore, #tpu.memory_space<semaphore_mem>>) src(%dma_wait3A_133 : memref<16x1024xf32, #tpu.memory_space<vmem>>) dst(%dma_wait3A_130 : memref<16x1024xf32, #tpu.memory_space<hbm>>)
    %dma_wait3A_134 = arith.constant 0 : i32
    %dma_wait3A_135 = arith.constant 0 : i32
    %dma_wait3A_136 = tpu.memref_slice %arg5[%dma_wait3A_134, %dma_wait3A_135] : memref<96x1024xf32, #tpu.memory_space<vmem>> -> memref<16x1024xf32, #tpu.memory_space<vmem>>
    %dma_wait3A_137 = arith.constant 0 : i32
    %dma_wait3A_138 = tpu.memref_slice %arg4[%add3A_35, %dma_wait3A_137] : memref<32768x1024xf32, #tpu.memory_space<hbm>> -> memref<16x1024xf32, #tpu.memory_space<hbm>>
    %dma_wait3A_139 = arith.constant 0 : i32
    %dma_wait3A_140 = tpu.memref_slice %arg4[%add3A_35, %dma_wait3A_139] : memref<32768x1024xf32, #tpu.memory_space<hbm>> -> memref<16x1024xf32, #tpu.memory_space<hbm>>
    %dma_wait3A_141 = arith.constant 0 : i32
    %dma_wait3A_142 = arith.constant 0 : i32
    %dma_wait3A_143 = tpu.memref_slice %arg5[%dma_wait3A_141, %dma_wait3A_142] : memref<96x1024xf32, #tpu.memory_space<vmem>> -> memref<16x1024xf32, #tpu.memory_space<vmem>>
    tpu.wait_dma2 semaphore(%arg10 : memref<!tpu.dma_semaphore, #tpu.memory_space<semaphore_mem>>) src(%dma_wait3A_143 : memref<16x1024xf32, #tpu.memory_space<vmem>>) dst(%dma_wait3A_140 : memref<16x1024xf32, #tpu.memory_space<hbm>>)
    %dma_wait3A_144 = arith.constant 0 : i32
    %dma_wait3A_145 = arith.constant 0 : i32
    %dma_wait3A_146 = tpu.memref_slice %arg5[%dma_wait3A_144, %dma_wait3A_145] : memref<96x1024xf32, #tpu.memory_space<vmem>> -> memref<16x1024xf32, #tpu.memory_space<vmem>>
    %dma_wait3A_147 = arith.constant 0 : i32
    %dma_wait3A_148 = tpu.memref_slice %arg4[%add3A_35, %dma_wait3A_147] : memref<32768x1024xf32, #tpu.memory_space<hbm>> -> memref<16x1024xf32, #tpu.memory_space<hbm>>
    %dma_wait3A_149 = arith.constant 0 : i32
    %dma_wait3A_150 = tpu.memref_slice %arg4[%add3A_35, %dma_wait3A_149] : memref<32768x1024xf32, #tpu.memory_space<hbm>> -> memref<16x1024xf32, #tpu.memory_space<hbm>>
    %dma_wait3A_151 = arith.constant 0 : i32
    %dma_wait3A_152 = arith.constant 0 : i32
    %dma_wait3A_153 = tpu.memref_slice %arg5[%dma_wait3A_151, %dma_wait3A_152] : memref<96x1024xf32, #tpu.memory_space<vmem>> -> memref<16x1024xf32, #tpu.memory_space<vmem>>
    tpu.wait_dma2 semaphore(%arg10 : memref<!tpu.dma_semaphore, #tpu.memory_space<semaphore_mem>>) src(%dma_wait3A_153 : memref<16x1024xf32, #tpu.memory_space<vmem>>) dst(%dma_wait3A_150 : memref<16x1024xf32, #tpu.memory_space<hbm>>)
    %dma_wait3A_154 = arith.constant 0 : i32
    %dma_wait3A_155 = arith.constant 0 : i32
    %dma_wait3A_156 = tpu.memref_slice %arg5[%dma_wait3A_154, %dma_wait3A_155] : memref<96x1024xf32, #tpu.memory_space<vmem>> -> memref<16x1024xf32, #tpu.memory_space<vmem>>
    %dma_wait3A_157 = arith.constant 0 : i32
    %dma_wait3A_158 = tpu.memref_slice %arg4[%add3A_35, %dma_wait3A_157] : memref<32768x1024xf32, #tpu.memory_space<hbm>> -> memref<16x1024xf32, #tpu.memory_space<hbm>>
    %dma_wait3A_159 = arith.constant 0 : i32
    %dma_wait3A_160 = tpu.memref_slice %arg4[%add3A_35, %dma_wait3A_159] : memref<32768x1024xf32, #tpu.memory_space<hbm>> -> memref<16x1024xf32, #tpu.memory_space<hbm>>
    %dma_wait3A_161 = arith.constant 0 : i32
    %dma_wait3A_162 = arith.constant 0 : i32
    %dma_wait3A_163 = tpu.memref_slice %arg5[%dma_wait3A_161, %dma_wait3A_162] : memref<96x1024xf32, #tpu.memory_space<vmem>> -> memref<16x1024xf32, #tpu.memory_space<vmem>>
    tpu.wait_dma2 semaphore(%arg10 : memref<!tpu.dma_semaphore, #tpu.memory_space<semaphore_mem>>) src(%dma_wait3A_163 : memref<16x1024xf32, #tpu.memory_space<vmem>>) dst(%dma_wait3A_160 : memref<16x1024xf32, #tpu.memory_space<hbm>>)
    return
  }
}

</mosaic_0001>

<sc_bundles>
// kernel: _shift.3.cloned.1.call-start
scs
__scs_entry_jumppad:
0x0: {  	(pc) =	sbr.rel $0x88, $3  }
0x1: {  	(tag) =	ssettag $0x0;
	lr =	simm.s32 $0x1  }
0x2: {  	[smem:$0x3F9F] =	sst lr;
	_ =	strace $0xD0000000  }
0x3: {  	_ = 	snop  }
0x4: {  	_ = 	snop  }
0x5: {  	_ = 	snop  }
0x6: {  	_ = 	snop  }
0x7: {  	_ = 	snop  }
__scs_overlays_trampoline_lowered:
0x8: {  	[smem:$0x3FAE] =	sst s0  }
0x9: {  	[smem:$0x3FAF] =	sst s1  }
0xa: {  	[smem:$0x3FB0] =	sst s2  }
0xb: {  	[smem:$0x3FB1] =	sst s3  }
0xc: {  	[smem:$0x3FB2] =	sst s4  }
0xd: {  	[smem:$0x3FB3] =	sst s5  }
0xe: {  	[smem:$0x3FB4] =	sst s6  }
0xf: {  	[smem:$0x3FB5] =	sst s7  }
0x10: {  	[smem:$0x3FB6] =	sst s8  }
0x11: {  	[smem:$0x3FB7] =	sst s9;
	s0 =	simm.s32 @!p0 $0x0  }
0x12: {  	s1 =	sld [smem:$0x3F9D];
	s0 =	simm.s32 @p0 $0x1  }
0x13: {  	[smem:$0x3FB8] =	sst s0;
	s0 =	simm.s32 @!p1 $0x0  }
0x14: {  	s2 =	sld [smem:$0x3F9C];
	s0 =	simm.s32 @p1 $0x1  }
0x15: {  	[smem:$0x3FB9] =	sst s0;
	s0 =	simm.s32 @!p2 $0x0  }
0x16: {  	s3 =	sld [smem:$0x3FDB];
	s0 =	simm.s32 @p2 $0x1  }
0x17: {  	s4 =	simm.s32 $0x1BF5;
	[smem:$0x3FBB] =	sst s0  }
0x18: {  	s0 =	sld [smem:$0x3F9E];
	_ =	swait.ge [sflag:s4], $0x0  }
0x19: {  	s7 =	sld [smem:$0x3F9F]  }
0x1a: {  	s8 =	sadd.s32 $0xFFFFE003, lr  }
0x1b: {  	s9 =	sadd.s32 $0xFFFFFEF7, lr;
	s5 =	simm.s32 $0xFFFFFFFF;
	p2 =	slt.u32 s8, $0xFFFFF086  }
0x1c: {  	p1 =	slt.u32 s9, $0xF7A;
	s5 =	simm.s32 @!p2 $0x0  }
0x1d: {  	s5 =	simm.s32 @p1 $0x1;
	p0 =	seq.s32 s7, s2  }
0x1e: {  	s7 =	smul.u32 @!p0 $0xF7A, s2;
	p2 =	seq.s32 @!p0 s5, $0x0  }
0x1f: {  	s9 =	smul.u32 $0xF7A, s1;
	s8 =	simm.s32 @!p0 $0x1BF5;
	p2 =	por !p2, p0  }
0x20: {  	[sflag:s8] =	ssyncset.s32 @!p0 $0xFFFFF086;
	s6 =	sadd.s32 @!p0 s3, s7;
	s7 =	simm.s32 @!p0 $0x108  }
0x21: {  	s3 =	sadd.s32 s3, s9;
	s6 =	sadd.s32 @!p0 $0x88, s6;
	s7 =	simm.s32 @p2 $0x1082  }
0x22: {  	[simem:s7], [sflag:s8] =	dma.local @!p0 [hbm:s6], $0xF7A  }
0x23: {  	s9 =	sor.u32 $0xD0000000, s2;
	s6 =	simm.s32 $0x108;
	_ =	swait.ge @!p0 [sflag:s8], $0x0  }
0x24: {  	s3 =	sadd.s32 $0x88, s3;
	s6 =	simm.s32 @!p1 $0x1082;
	[sflag:s4] =	ssyncset.s32 $0xFFFFF086  }
0x25: {  	[simem:s6], [sflag:s4] =	dma.local [hbm:s3], $0xF7A  }
0x26: {  	[smem:$0x3F9F] =	sst s1;
	(tag) =	ssettag s2;
	_ =	strace s9  }
0x27: {  	s1 =	sld [smem:$0x3FAF]  }
0x28: {  	s2 =	sld [smem:$0x3FB0]  }
0x29: {  	s4 =	sld [smem:$0x3FB2]  }
0x2a: {  	p0 =	seq.s32 s5, $0x0;
	s5 =	sld [smem:$0x3FB3]  }
0x2b: {  	s6 =	sld [smem:$0x3FB4]  }
0x2c: {  	s7 =	sld [smem:$0x3FB5]  }
0x2d: {  	s3 =	simm.s32 $0x108;
	s8 =	sld [smem:$0x3FB6]  }
0x2e: {  	s3 =	simm.s32 @!p0 $0x1082;
	s9 =	sld [smem:$0x3FB7]  }
0x2f: {  	lr =	sadd.s32 s0, s3;
	s0 =	sld [smem:$0x3FAE]  }
0x30: {  	s3 =	sld [smem:$0x3FB1]  }
0x31: {  	[smem:$0x3FBA] =	sst s10  }
0x32: {  	s10 =	sld [smem:$0x3FB8];
	_ =	sdelay $0x3  }
0x33: {  	p0 =	seq.s32 s10, $0x1;
	s10 =	sld [smem:$0x3FBA];
	_ =	sdelay $0x3  }
0x34: {  	[smem:$0x3FBA] =	sst s10  }
0x35: {  	s10 =	sld [smem:$0x3FB9];
	_ =	sdelay $0x3  }
0x36: {  	p1 =	seq.s32 s10, $0x1;
	s10 =	sld [smem:$0x3FBA];
	_ =	sdelay $0x3  }
0x37: {  	[smem:$0x3FBA] =	sst s10  }
0x38: {  	s10 =	sld [smem:$0x3FBB]  }
0x39: {  	_ = 	snop;
	(pc) =	sbr.ind lr, $3  }
0x3a: {  	_ = 	snop  }
0x3b: {  	_ = 	snop  }
0x3c: {  	p2 =	seq.s32 s10, $0x1;
	s10 =	sld [smem:$0x3FBA]  }
0x3d: {  	_ =	shalt  }
0x3e: {  	_ =	shalt  }
0x3f: {  	_ =	shalt  }
0x40: {  	_ =	shalt  }
0x41: {  	_ =	shalt  }
0x42: {  	_ =	shalt  }
0x43: {  	_ =	shalt  }
0x44: {  	_ =	shalt  }
0x45: {  	_ =	shalt  }
0x46: {  	_ =	shalt  }
0x47: {  	_ =	shalt  }
0x48: {  	_ =	shalt  }
0x49: {  	_ =	shalt  }
0x4a: {  	_ =	shalt  }
0x4b: {  	_ =	shalt  }
0x4c: {  	_ =	shalt  }
0x4d: {  	_ =	shalt  }
0x4e: {  	_ =	shalt  }
0x4f: {  	_ =	shalt  }
0x50: {  	_ =	shalt  }
0x51: {  	_ =	shalt  }
0x52: {  	_ =	shalt  }
0x53: {  	_ =	shalt  }
0x54: {  	_ =	shalt  }
0x55: {  	_ =	shalt  }
0x56: {  	_ =	shalt  }
0x57: {  	_ =	shalt  }
0x58: {  	_ =	shalt  }
0x59: {  	_ =	shalt  }
0x5a: {  	_ =	shalt  }
0x5b: {  	_ =	shalt  }
0x5c: {  	_ =	shalt  }
0x5d: {  	_ =	shalt  }
0x5e: {  	_ =	shalt  }
0x5f: {  	_ =	shalt  }
0x60: {  	_ =	shalt  }
0x61: {  	_ =	shalt  }
0x62: {  	_ =	shalt  }
0x63: {  	_ =	shalt  }
0x64: {  	_ =	shalt  }
0x65: {  	_ =	shalt  }
0x66: {  	_ =	shalt  }
0x67: {  	_ =	shalt  }
0x68: {  	_ =	shalt  }
0x69: {  	_ =	shalt  }
0x6a: {  	_ =	shalt  }
0x6b: {  	_ =	shalt  }
0x6c: {  	_ =	shalt  }
0x6d: {  	_ =	shalt  }
0x6e: {  	_ =	shalt  }
0x6f: {  	_ =	shalt  }
0x70: {  	_ =	shalt  }
0x71: {  	_ =	shalt  }
0x72: {  	_ =	shalt  }
0x73: {  	_ =	shalt  }
0x74: {  	_ =	shalt  }
0x75: {  	_ =	shalt  }
0x76: {  	_ =	shalt  }
0x77: {  	_ =	shalt  }
0x78: {  	_ =	shalt  }
0x79: {  	_ =	shalt  }
0x7a: {  	_ =	shalt  }
0x7b: {  	_ =	shalt  }
0x7c: {  	_ =	shalt  }
0x7d: {  	_ =	shalt  }
0x7e: {  	_ =	shalt  }
0x7f: {  	_ =	shalt  }
0x80: {  	_ =	shalt  }
0x81: {  	_ =	shalt  }
0x82: {  	_ =	shalt  }
0x83: {  	_ =	shalt  }
0x84: {  	_ =	shalt  }
0x85: {  	_ =	shalt  }
0x86: {  	_ =	shalt  }
0x87: {  	_ =	shalt  }
.Lfunc_end0:
.L_simem_size_0:
called_computation_lowered:
.L_overlay_start_0:
0x88: {  	s2 =	sld [smem:$0x3FD9]  }
0x89: {  	s3 =	sld [smem:$0x3FFE];
	_ =	sdelay $0x1  }
0x8a: {  	s1 =	srdreg.scid  }
0x8b: {  	s0 =	sand.u32 $0x1, s1  }
0x8c: {  	s18 =	sshll.u32 s0, $0xA;
	s2 =	sadd.s32 s3, s2  }
0x8d: {  	s2 =	sadd.s32 s2, s18  }
0x8e: {  	[smem:$0x3FC6] =	sst s2  }
0x8f: {  	_ = 	snop  }
0x90: {  	s2 =	sld [smem:$0x3FC9]  }
0x91: {  	s19 =	sld [smem:$0x3FC8]  }
0x92: {  	s4 =	sld [smem:$0x3FD0];
	(tm) =	ssettm $0x1  }
0x93: {  	s5 =	sld [smem:$0x3FFB];
	_ =	sdelay $0x3  }
0x94: {  	_ =	strace s5  }
0x95: {  	s5 =	sld [smem:$0x3FFC];
	_ =	sdelay $0x3  }
0x96: {  	_ =	strace s5  }
0x97: {  	s5 =	sld [smem:$0x3FFD];
	_ =	sdelay $0x3  }
0x98: {  	_ =	strace s5  }
0x99: {  	_ =	strace $0x8FFFFFFF  }
0x9a: {  	s20 =	sld [smem:$0x3FDB];
	_ =	sdelay $0x1  }
0x9b: {  	s6 =	simm.s32 $_scs_section_size  }
0x9c: {  	s7 =	simm.s32 $_size__tile_overlayer_lowered;
	s8 =	simm.s32 $_tile_overlayer_lowered  }
0x9d: {  	s23 =	simm.s32 $0x1BFF;
	s22 =	sshll.u32 s8, $0x1;
	s5 =	sadd.s32 s6, s20  }
0x9e: {  	s9 =	simm.s32 $0x0;
	s21 =	sshll.u32 s7, $0x1;
	s7 =	sadd.s32 s22, s5  }
0x9f: {  	[timem:s9], [sflag:s23] =	dma.local [hbm:s7], s21  }
0xa0: {  	_ =	swait.ge [sflag:s23], s21  }
0xa1: {  	s6 =	ssub.s32 $0x0, s21;
	[sflag:s23] =	ssyncset.done $0x0  }
0xa2: {  	[sflag:s23] =	ssyncadd.s32 s6;
	_ =	sdelay $0x1  }
0xa3: {  	s24 =	simm.s32 $0x1B8B  }
0xa4: {  	_ =	swait.ge [sflag:s24], $0x1  }
0xa5: {  	[sflag:s24] =	ssyncset.done $0x0  }
0xa6: {  	s25 =	simm.s32 $0x1B8E;
	[sflag:s24] =	ssyncadd.s32 $0xFFFFFFFF  }
0xa7: {  	s26 =	simm.s32 $execute0_lowered;
	[smem:$0x3FD2] =	sst s25  }
0xa8: {  	s6 =	sshll.u32 s26, $0x1;
	_ =	strace $0x80000046;
	[dreg:$0x1] =	wrdreg $0xFFFFFFFF  }
0xa9: {  	s28 =	simm.s32 $_size_execute0_lowered;
	s5 =	sadd.s32 s5, s6;
	[dreg:$0x0] =	wrdreg $0x0  }
0xaa: {  	s6 =	sshll.u32 s28, $0x1;
	[dreg:$0x2] =	wrdreg s5  }
0xab: {  	[dreg:$0x3] =	wrdreg s6  }
0xac: {  	[dreg:$0x4] =	wrdreg $0xC0  }
0xad: {  	_ =	task [dreg:s9], $0x5FFFF  }
0xae: {  	[dreg:$0x1] =	wrdreg $0xFFFFFFFF  }
0xaf: {  	[dreg:$0x0] =	wrdreg $0x60  }
0xb0: {  	[dreg:$0x2] =	wrdreg s2  }
0xb1: {  	[dreg:$0x3] =	wrdreg s19  }
0xb2: {  	[dreg:$0x4] =	wrdreg s4  }
0xb3: {  	[dreg:$0x5] =	wrdreg $0x9  }
0xb4: {  	_ =	task.clear_ibuf [dreg:s9], $0x6FFFF;
	_ =	strace $0x90000046  }
0xb5: {  	s29 =	simm.s32 $0x9;
	_ =	strace $0x80000048  }
0xb6: {  	_ =	swait.ge [sflag:s29], $0x1  }
0xb7: {  	[sflag:s29] =	ssyncadd.s32 $0xFFFFFFFF  }
0xb8: {  	_ =	strace $0x90000048  }
0xb9: {  	_ =	sfence  }
0xba: {  	s30 =	sld [smem:$0x0];
	_ =	sdelay $0x2  }
0xbb: {  	s31 =	sshll.u32 s1, $0xD;
	s1 =	sshrl.u32 s1, $0x2  }
0xbc: {  	s3 =	sand.u32 $0x4000, s31;
	s1 =	sadd.s32 s1, s30  }
0xbd: {  	s0 =	sor.u32 s3, s0;
	s1 =	sshll.u32 s1, $0x11  }
0xbe: {  	s0 =	sor.u32 s1, s0  }
0xbf: {  	s0 =	sadd.s32 $0x8F2B, s0  }
0xc0: {  	[sflag:s0] =	ssyncadd.remote.s32 $0x1  }
0xc1: {  	_ =	sfence.sel $0xFFFF  }
0xc2: {  	[dreg:$0x0] =	wrdreg $0xFFFFFFFF;
	(pc) =	sbr.abs _section_cstart, $3  }
0xc3: {  	[dreg:$0x1] =	wrdreg $0xFFFFFFFF  }
0xc4: {  	_ =	task.clear_ibuf [dreg:s9], $0x2FFFF;
	_ =	strace $0x9FFFFFFF  }
0xc5: {  	(tm) =	ssettm $0x7FFFFFFF  }
tec
execute0_lowered:
.L_overlay_start_1:
0x0: {  	(tag) =	ssettag $0x1  }
0x1: {  	s0 =	srdreg.scid  }
0x2: {  	s9 =	stileid.u32;
	s2 =	sand.u32 $0x1, s0  }
0x3: {  	s3 =	sor.u32 s2, s9  }
0x4: {  	p0 =	seq.s32 s2, $0x1;
	p1 =	seq.s32 s3, $0x0  }
0x5: {  	p1 =	por !p1, !p0  }
0x6: {  	s5 =	simm.s32 $0x1;
	p1 =	por !p1, !p1  }
0x7: {  	s1 =	rddreg [dreg:$0x0];
	s5 =	simm.s32 @!p1 $0x0  }
0x8: {  	s18 =	rddreg [dreg:$0x1];
	s20 =	ssub.s32 s9, s5  }
0x9: {  	s12 =	rddreg [dreg:$0x2];
	s8 =	sshll.u32 s2, $0xA;
	s7 =	sshll.u32 s20, $0xB  }
0xa: {  	s4 =	simm.s32 $0x0;
	s28 =	simm.s32 $0x7000;
	s13 =	sor.u32 s8, s7  }
0xb: {  	v2 =	vlaneseq.u32;
	s29 =	simm.s32 $0x7800;
	s30 =	simm.s32 $0x2;
	s23 =	sor.u32 $0x1, s13  }
0xc: {  	[smem:$0x7FF] =	sst s4;
	s19 =	ssub.s32 $0x2, s2;
	s10 =	sor.u32 $0x11, s13;
	v0 =	vadd.s32 s23, v2  }
0xd: {  	s31 =	simm.s32 $0x3;
	v58 =	vand.u32 $0x7, v2;
	_ =	strace $0x80000047;
	s6 =	sshrl.u32 s19, $0x1;
	v1 =	vadd.s32 s10, v2;
	vm0 =	vlt.s32 v0, $0x7FFF  }
0xe: {  	v59 =	vshrl.u32 v2, $0x3;
	s25 =	sshll.u32 s2, $0x14;
	p2 =	por !p0, !p0;
	s3 =	ssub.s32 s19, s6;
	vm1 =	vlt.s32 v1, $0x7FFF;
	v0 =	vnsel vm0, $0x7FFF, v0  }
0xf: {  	s19 =	simm.s32 $0x3000;
	s11 =	smax.u32 s3, $0x1;
	s3 =	simm.s32 $0x0;
	v2 =	vor.u32 $0x8, v2;
	v1 =	vnsel vm1, $0x7FFF, v1;
	v4 =	vshll.u32 v0, $0x3  }
0x10: {  	p1 =	sne.s32 s2, $0x0;
	s5 =	simm.s32 $0x1;
	s9 =	sshll.u32 s9, $0x12;
	v3 =	vand.u32 $0x7, v0;
	v5 =	vshll.u32 v1, $0x3;
	v4 =	vand.u32 $0xFFFFFFC0, v4  }
0x11: {  	s21 =	sshll.u32 s20, $0xA;
	s22 =	sshll.u32 s20, $0x7;
	s24 =	sshll.u32 s20, $0x15;
	v6 =	vand.u32 $0x7, v1;
	v5 =	vand.u32 $0xFFFFFFC0, v5;
	v3 =	vor.u32 v3, v4  }
0x12: {  	s6 =	sadd.s32 s1, s9;
	s9 =	sadd.s32 $0x200, s1;
	s20 =	simm.s32 $0x3800;
	v57 =	vor.u32 v6, v5;
	v6 =	vmul.u32 $0x8, v59;
	v7 =	vperm.xlane v3, v58  }
0x13: {  	s7 =	sand.u32 $0xFFFFE000, s21;
	s8 =	sand.u32 $0x380, s22;
	s26 =	sor.u32 s25, s24;
	[tilespmem:$0x1FFA0] =	vst v0;
	v3 =	vperm.xlane v3, v2  }
.Ltmp0:
0x14: {  	s21 =	simm.s32 $0x4000;
	s22 =	simm.s32 $0x4800;
	[tilespmem:$0x1FFB0] =	vst v1;
	v5 =	vperm.xlane v57, v58;
	v60 =	vadd.s32 v6, v7;
	(pc) =	sbr.rel .LBB2_1-.Ltmp0, $4  }
0x15: {  	s24 =	simm.s32 $0x5800;
	s25 =	simm.s32 $0x6000;
	s7 =	sor.u32 s8, s7;
	v8 =	vperm.xlane v57, v2;
	v61 =	vadd.s32 v6, v3;
	[tilespmem:$0x1FFC0] =	vst v60  }
0x16: {  	s8 =	sadd.s32 $0x100, s1;
	s0 =	sshrl.u32 s26, $0x3;
	s26 =	simm.s32 $0x6800;
	v62 =	vadd.s32 v6, v5;
	[tilespmem:$0x1FFD0] =	vst v61  }
0x17: {  	s7 =	sshrl.u32 s7, $0x3;
	s10 =	sadd.s32 $0x300, s1;
	s14 =	sadd.s32 s0, s12;
	v63 =	vadd.s32 v6, v8;
	[tilespmem:$0x1FFE0] =	vst v62  }
0x18: {  	s0 =	sor.u32 $0x21, s13;
	s23 =	simm.s32 $0x5000;
	s7 =	sadd.s32 s18, s7;
	vm0 =	vmmov $0xffff;
	[tilespmem:$0x1FFF0] =	vst v63  }
.LBB2_7:
0x19: {  	_ =	swait.ge [sflag:s31], $0x4000  }
0x1a: {  	[sflag:s31] =	ssyncset.done $0x0  }
0x1b: {  	[sflag:s31] =	ssyncadd.s32 $0xFFFFC000  }
0x1c: {  	_ =	swait.ge [sflag:s31], $0x4000  }
0x1d: {  	[sflag:s31] =	ssyncset.done $0x0  }
0x1e: {  	[sflag:s31] =	ssyncadd.s32 $0xFFFFC000  }
0x1f: {  	_ =	swait.ge [sflag:s31], $0x4000  }
0x20: {  	[sflag:s31] =	ssyncset.done $0x0  }
0x21: {  	[sflag:s31] =	ssyncadd.s32 $0xFFFFC000  }
0x22: {  	_ =	swait.ge [sflag:s31], $0x4000  }
0x23: {  	[sflag:s31] =	ssyncset.done $0x0  }
0x24: {  	s3 =	sadd.s32 $0x1, s3;
	[sflag:s31] =	ssyncadd.s32 $0xFFFFC000  }
0x25: {  	p3 =	sne.s32 s3, s11;
	_ =	swait.ge [sflag:s31], $0x4000  }
.Ltmp1:
0x26: {  	[sflag:s31] =	ssyncset.done $0x0;
	(pc) =	sbr.rel @!p3 .LBB2_8-.Ltmp1, $4  }
0x27: {  	[sflag:s31] =	ssyncadd.s32 $0xFFFFC000  }
0x28: {  	_ =	swait.ge [sflag:s31], $0x4000  }
0x29: {  	[sflag:s31] =	ssyncset.done $0x0  }
0x2a: {  	[sflag:s31] =	ssyncadd.s32 $0xFFFFC000  }
.LBB2_1:
0x2b: {  	v59 =	vld [tilespmem:$0x1FFC0];
	_ =	sdelay $0x1  }
0x2c: {  	v0 =	vld [tilespmem:$0x1FFA0]  }
0x2d: {  	s12 =	simm.s32 @!p1 $0x80;
	s13 =	simm.s32 @!p1 $0x400;
	s15 =	simm.s32 @!p1 $0x18400  }
0x2e: {  	[tilespmem:s15], [sflag:$0x2] =	stream.strided.gather @!p1 [hbm4b:s6+s12], $0x400, s13, s12, $0x38;
	[tilespmem:$0x18800] =	vst v63  }
0x2f: {  	s12 =	simm.s32 @p0 $0x80;
	s13 =	simm.s32 @p0 $0x400;
	s15 =	simm.s32 @p0 $0x18400  }
0x30: {  	[tilespmem:s15], [sflag:$0x2] =	stream.strided.gather @p0 [hbm4b:s7+s12], $0x400, s13, s12, $0x38;
	[tilespmem:$0x18800] =	vst v63  }
0x31: {  	[tilespmem:$0x18000] =	vst v0  }
0x32: {  	v60 =	vld [tilespmem:$0x1FFD0];
	[tilespmem:s4], [sflag:$0x1] =	stream.indirect_vreg.gather [hbm4b:s1+s4], $0x80, v59, vm0, $0xb8  }
0x33: {  	s13 =	simm.s32 $0x800  }
0x34: {  	[tilespmem:s13], [sflag:$0x1] =	stream.indirect_vreg.gather [hbm4b:s8+s4], $0x80, v59, vm0, $0xb8;
	[tilespmem:$0x18800] =	vst v63  }
0x35: {  	s15 =	simm.s32 $0x1000  }
0x36: {  	[tilespmem:s15], [sflag:$0x1] =	stream.indirect_vreg.gather [hbm4b:s9+s4], $0x80, v59, vm0, $0xb8;
	[tilespmem:$0x18800] =	vst v63  }
0x37: {  	s16 =	simm.s32 $0x1800  }
0x38: {  	[tilespmem:s16], [sflag:$0x1] =	stream.indirect_vreg.gather [hbm4b:s10+s4], $0x80, v59, vm0, $0xb8;
	[tilespmem:$0x18800] =	vst v63  }
0x39: {  	s17 =	simm.s32 $0x2000  }
0x3a: {  	v62 =	vld [tilespmem:$0x1FFE0];
	[tilespmem:s17], [sflag:$0x1] =	stream.indirect_vreg.gather [hbm4b:s1+s4], $0x80, v60, vm0, $0xb8  }
0x3b: {  	s18 =	simm.s32 $0x2800  }
0x3c: {  	v61 =	vld [tilespmem:$0x1FFB0];
	[tilespmem:s18], [sflag:$0x1] =	stream.indirect_vreg.gather [hbm4b:s8+s4], $0x80, v60, vm0, $0xb8  }
0x3d: {  	_ = 	snop  }
0x3e: {  	[tilespmem:s19], [sflag:$0x1] =	stream.indirect_vreg.gather [hbm4b:s9+s4], $0x80, v60, vm0, $0xb8;
	[tilespmem:$0x18800] =	vst v63  }
0x3f: {  	_ = 	snop  }
0x40: {  	[tilespmem:s20], [sflag:$0x1] =	stream.indirect_vreg.gather [hbm4b:s10+s4], $0x80, v60, vm0, $0xb8;
	[tilespmem:$0x18800] =	vst v63  }
0x41: {  	[tilespmem:$0x18080] =	vst v61  }
0x42: {  	v63 =	vld [tilespmem:$0x1FFF0];
	[tilespmem:s21], [sflag:$0x1] =	stream.indirect_vreg.gather [hbm4b:s1+s4], $0x80, v62, vm0, $0xb8  }
0x43: {  	_ = 	snop  }
0x44: {  	[tilespmem:s22], [sflag:$0x1] =	stream.indirect_vreg.gather [hbm4b:s8+s4], $0x80, v62, vm0, $0xb8;
	[tilespmem:$0x18800] =	vst v63  }
0x45: {  	_ = 	snop  }
0x46: {  	[tilespmem:s23], [sflag:$0x1] =	stream.indirect_vreg.gather [hbm4b:s9+s4], $0x80, v62, vm0, $0xb8;
	[tilespmem:$0x18800] =	vst v63  }
0x47: {  	_ = 	snop  }
0x48: {  	[tilespmem:s24], [sflag:$0x1] =	stream.indirect_vreg.gather [hbm4b:s10+s4], $0x80, v62, vm0, $0xb8;
	[tilespmem:$0x18800] =	vst v63  }
0x49: {  	_ = 	snop  }
0x4a: {  	[tilespmem:s25], [sflag:$0x1] =	stream.indirect_vreg.gather [hbm4b:s1+s4], $0x80, v63, vm0, $0xb8;
	[tilespmem:$0x18800] =	vst v63  }
0x4b: {  	_ = 	snop  }
0x4c: {  	[tilespmem:s26], [sflag:$0x1] =	stream.indirect_vreg.gather [hbm4b:s8+s4], $0x80, v63, vm0, $0xb8;
	[tilespmem:$0x18800] =	vst v63  }
0x4d: {  	_ = 	snop  }
0x4e: {  	[tilespmem:s28], [sflag:$0x1] =	stream.indirect_vreg.gather [hbm4b:s9+s4], $0x80, v63, vm0, $0xb8;
	[tilespmem:$0x18800] =	vst v63  }
.Ltmp2:
0x4f: {  	_ = 	snop;
	(pc) =	sbr.rel .LBB2_2-.Ltmp2, $4  }
0x50: {  	[tilespmem:s29], [sflag:$0x1] =	stream.indirect_vreg.gather [hbm4b:s10+s4], $0x80, v63, vm0, $0xb8;
	[tilespmem:$0x18800] =	vst v63  }
0x51: {  	_ =	swait.ge [sflag:s30], $0x400  }
0x52: {  	s12 =	smov.u32 s14;
	[sflag:s30] =	ssyncset.done $0x0  }
0x53: {  	s13 =	smov.u32 s0;
	s15 =	simm.s32 $0x0;
	[sflag:s30] =	ssyncadd.s32 $0xFFFFFC00  }
.LBB2_6:
0x54: {  	s15 =	sadd.s32 $0x1, s15  }
0x55: {  	p3 =	sne.s32 s15, $0x40  }
.Ltmp3:
0x56: {  	_ = 	snop;
	(pc) =	sbr.rel @!p3 .LBB2_7-.Ltmp3, $3  }
0x57: {  	_ =	sdelay $0x1  }
0x58: {  	[hbm4b:s12+s4] =	stream.linear.scatter [tilespmem:s16], [sflag:$0x3], $0x4000, $0x38;
	[tilespmem:$0x18800] =	vst v63  }
0x59: {  	s12 =	sadd.s32 $0x800, s12;
	s13 =	sadd.s32 $0x10, s13  }
.LBB2_2:
0x5a: {  	p3 =	sgt.u32 s15, $0x3D  }
0x5b: {  	v6 =	vlaneseq.u32 @!p3  }
0x5c: {  	v7 =	vadd.s32 @!p3 s13, v6  }
0x5d: {  	vm1 =	vlt.s32 @!p3 v7, $0x7FFF  }
0x5e: {  	s16 =	sadd.s32 $0x2, s15;
	v7 =	vnsel @!p3 vm1, $0x7FFF, v7  }
0x5f: {  	s17 =	smul.u32 @!p3 $0xAB, s16;
	v8 =	vshll.u32 @!p3 v7, $0x3  }
0x60: {  	v9 =	vand.u32 @!p3 $0x7, v7;
	v8 =	vand.u32 @!p3 $0xFFFFFFC0, v8  }
0x61: {  	v10 =	vshrl.u32 @!p3 v6, $0x3;
	s17 =	sshrl.u32 @!p3 s17, $0xA;
	v8 =	vor.u32 @!p3 v9, v8;
	v9 =	vand.u32 @!p3 $0x7, v6  }
0x62: {  	p4 =	slt.u32 @!p3 s15, $0x4;
	v10 =	vmul.u32 @!p3 $0x8, v10;
	s17 =	sand.u32 @!p3 $0x3F, s17;
	v9 =	vperm.xlane @!p3 v8, v9  }
0x63: {  	p4 =	por p4, p3;
	s17 =	smul.u32 @!p3 $0x6, s17  }
0x64: {  	s18 =	simm.s32 @!p4 $0x3;
	v9 =	vadd.s32 @!p3 v10, v9  }
0x65: {  	_ =	swait.ge @!p4 [sflag:s18], $0x4000;
	s16 =	ssub.s32 @!p3 s16, s17  }
0x66: {  	[sflag:s18] =	ssyncset.done @!p4 $0x0;
	s16 =	sand.u32 @!p3 $0xFF, s16  }
0x67: {  	[sflag:s18] =	ssyncadd.s32 @!p4 $0xFFFFC000;
	s17 =	sshll.u32 @!p3 s16, $0x7  }
0x68: {  	vm1 =	vmmov @!p3 $0xffff;
	s16 =	sshll.u32 @!p3 s16, $0xE;
	[tilespmem:s17+$0x18000] =	vst @!p3 v7;
	s17 =	simm.s32 @!p3 $0x0  }
0x69: {  	v6 =	vor.u32 @!p3 $0x8, v6;
	[tilespmem:s16], [sflag:$0x1] =	stream.indirect_vreg.gather @!p3 [hbm4b:s1+s17], $0x80, v9, vm1, $0xb8;
	[tilespmem:$0x18800] =	vst v63  }
0x6a: {  	v6 =	vperm.xlane @!p3 v8, v6;
	s18 =	sor.u32 @!p3 $0x800, s16  }
0x6b: {  	[tilespmem:s18], [sflag:$0x1] =	stream.indirect_vreg.gather @!p3 [hbm4b:s8+s17], $0x80, v9, vm1, $0xb8;
	[tilespmem:$0x18800] =	vst v63  }
0x6c: {  	v6 =	vadd.s32 @!p3 v10, v6;
	s18 =	sor.u32 @!p3 $0x1000, s16  }
0x6d: {  	[tilespmem:s18], [sflag:$0x1] =	stream.indirect_vreg.gather @!p3 [hbm4b:s9+s17], $0x80, v9, vm1, $0xb8;
	[tilespmem:$0x18800] =	vst v63  }
0x6e: {  	s18 =	sor.u32 @!p3 $0x1800, s16  }
0x6f: {  	[tilespmem:s18], [sflag:$0x1] =	stream.indirect_vreg.gather @!p3 [hbm4b:s10+s17], $0x80, v9, vm1, $0xb8;
	[tilespmem:$0x18800] =	vst v63  }
0x70: {  	s18 =	sor.u32 @!p3 $0x2000, s16  }
0x71: {  	[tilespmem:s18], [sflag:$0x1] =	stream.indirect_vreg.gather @!p3 [hbm4b:s1+s17], $0x80, v6, vm1, $0xb8;
	[tilespmem:$0x18800] =	vst v63  }
0x72: {  	s18 =	sor.u32 @!p3 $0x2800, s16  }
0x73: {  	[tilespmem:s18], [sflag:$0x1] =	stream.indirect_vreg.gather @!p3 [hbm4b:s8+s17], $0x80, v6, vm1, $0xb8;
	[tilespmem:$0x18800] =	vst v63  }
0x74: {  	s18 =	sor.u32 @!p3 $0x3000, s16  }
0x75: {  	[tilespmem:s18], [sflag:$0x1] =	stream.indirect_vreg.gather @!p3 [hbm4b:s9+s17], $0x80, v6, vm1, $0xb8;
	[tilespmem:$0x18800] =	vst v63  }
0x76: {  	s16 =	sor.u32 @!p3 $0x3800, s16;
	s18 =	sor.u32 s2, s15  }
0x77: {  	[tilespmem:s16], [sflag:$0x1] =	stream.indirect_vreg.gather @!p3 [hbm4b:s10+s17], $0x80, v6, vm1, $0xb8;
	[tilespmem:$0x18800] =	vst v63  }
0x78: {  	p3 =	sne.s32 s18, $0x0  }
.Ltmp4:
0x79: {  	_ = 	snop;
	(pc) =	sbr.rel @p3 .LBB2_4-.Ltmp4, $4  }
0x7a: {  	_ = 	snop  }
0x7b: {  	_ =	swait.ge [sflag:s5], $0x4000  }
0x7c: {  	[sflag:s5] =	ssyncset.done $0x0  }
0x7d: {  	[sflag:s5] =	ssyncadd.s32 $0xFFFFC000  }
0x7e: {  	v7 =	vld [tilespmem:$0x18400]  }
0x7f: {  	v9 =	vld [tilespmem:$0x0]  }
0x80: {  	v10 =	vld [tilespmem:$0x18410]  }
0x81: {  	v12 =	vld [tilespmem:$0x10]  }
0x82: {  	v14 =	vld [tilespmem:$0x18420]  }
0x83: {  	v15 =	vld [tilespmem:$0x20]  }
0x84: {  	v16 =	vld [tilespmem:$0x18430]  }
0x85: {  	v17 =	vld [tilespmem:$0x30]  }
0x86: {  	v18 =	vld [tilespmem:$0x18440]  }
0x87: {  	v19 =	vld [tilespmem:$0x40]  }
0x88: {  	v20 =	vld [tilespmem:$0x18450]  }
0x89: {  	v21 =	vld [tilespmem:$0x50]  }
0x8a: {  	v22 =	vld [tilespmem:$0x18460]  }
0x8b: {  	v23 =	vld [tilespmem:$0x60]  }
0x8c: {  	v24 =	vld [tilespmem:$0x18470]  }
0x8d: {  	v25 =	vld [tilespmem:$0x70]  }
0x8e: {  	v26 =	vld [tilespmem:$0x18480]  }
0x8f: {  	v27 =	vld [tilespmem:$0x400]  }
0x90: {  	v28 =	vld [tilespmem:$0x18490]  }
0x91: {  	v29 =	vld [tilespmem:$0x410]  }
0x92: {  	v30 =	vld [tilespmem:$0x184A0]  }
0x93: {  	v31 =	vld [tilespmem:$0x420]  }
0x94: {  	v32 =	vld [tilespmem:$0x184B0]  }
0x95: {  	v33 =	vld [tilespmem:$0x430]  }
0x96: {  	v34 =	vld [tilespmem:$0x184C0]  }
0x97: {  	v35 =	vld [tilespmem:$0x440]  }
0x98: {  	v36 =	vld [tilespmem:$0x184D0]  }
0x99: {  	v37 =	vld [tilespmem:$0x450]  }
0x9a: {  	v38 =	vld [tilespmem:$0x184E0]  }
0x9b: {  	v39 =	vld [tilespmem:$0x460]  }
0x9c: {  	v40 =	vld [tilespmem:$0x184F0]  }
0x9d: {  	v41 =	vld [tilespmem:$0x470]  }
0x9e: {  	v42 =	vld [tilespmem:$0x18500]  }
0x9f: {  	v43 =	vld [tilespmem:$0x800]  }
0xa0: {  	v44 =	vld [tilespmem:$0x18510]  }
0xa1: {  	v45 =	vld [tilespmem:$0x810]  }
0xa2: {  	v46 =	vld [tilespmem:$0x18520]  }
0xa3: {  	v47 =	vld [tilespmem:$0x820]  }
0xa4: {  	v48 =	vld [tilespmem:$0x18530]  }
0xa5: {  	v49 =	vld [tilespmem:$0x830]  }
0xa6: {  	v50 =	vld [tilespmem:$0x18540]  }
0xa7: {  	v51 =	vld [tilespmem:$0x840]  }
0xa8: {  	v52 =	vld [tilespmem:$0x18550]  }
0xa9: {  	v53 =	vld [tilespmem:$0x850]  }
0xaa: {  	v54 =	vld [tilespmem:$0x18560]  }
0xab: {  	v55 =	vld [tilespmem:$0x860]  }
0xac: {  	v56 =	vld [tilespmem:$0x18570]  }
0xad: {  	v57 =	vld [tilespmem:$0x870]  }
0xae: {  	v58 =	vld [tilespmem:$0x18580]  }
0xaf: {  	v59 =	vld [tilespmem:$0xC00]  }
0xb0: {  	v60 =	vld [tilespmem:$0x18590]  }
0xb1: {  	v61 =	vld [tilespmem:$0xC10]  }
0xb2: {  	v62 =	vld [tilespmem:$0x185A0]  }
0xb3: {  	v63 =	vld [tilespmem:$0xC20]  }
0xb4: {  	v2 =	vld [tilespmem:$0x185B0]  }
0xb5: {  	v1 =	vld [tilespmem:$0xC30]  }
0xb6: {  	v4 =	vld [tilespmem:$0x185C0]  }
0xb7: {  	v3 =	vld [tilespmem:$0xC40]  }
0xb8: {  	v6 =	vld [tilespmem:$0x185D0]  }
0xb9: {  	v0 =	vld [tilespmem:$0x185F0]  }
0xba: {  	v5 =	vld [tilespmem:$0xC50]  }
0xbb: {  	v11 =	vld [tilespmem:$0x185E0]  }
0xbc: {  	v8 =	vld [tilespmem:$0xC60]  }
0xbd: {  	v13 =	vld [tilespmem:$0xC70]  }
0xbe: {  	[tilespmem:$0x1FF40] =	vst v0;
	v0 =	vld [tilespmem:$0x18600]  }
0xbf: {  	v10 =	vadd.f32 v12, v10;
	v12 =	vld [tilespmem:$0x1030]  }
0xc0: {  	v14 =	vadd.f32 v15, v14;
	v15 =	vadd.f32 v17, v16;
	v17 =	vld [tilespmem:$0x1040]  }
0xc1: {  	v21 =	vadd.f32 v21, v20;
	v20 =	vld [tilespmem:$0x18660]  }
0xc2: {  	v27 =	vadd.f32 v27, v26;
	v26 =	vld [tilespmem:$0x18690]  }
0xc3: {  	v1 =	vadd.f32 v1, v2;
	v2 =	vld [tilespmem:$0x18700]  }
0xc4: {  	v3 =	vadd.f32 v3, v4;
	v4 =	vld [tilespmem:$0x1800]  }
0xc5: {  	v5 =	vadd.f32 v5, v6;
	v6 =	vld [tilespmem:$0x18710]  }
0xc6: {  	v28 =	vadd.f32 v29, v28;
	v16 =	vmul.f32 $5.000000000e-01, v10;
	v10 =	vld [tilespmem:$0x18640]  }
0xc7: {  	v30 =	vadd.f32 v31, v30;
	v14 =	vmul.f32 $5.000000000e-01, v14;
	v29 =	vmul.f32 $5.000000000e-01, v27;
	v27 =	vld [tilespmem:$0x1410]  }
0xc8: {  	v32 =	vadd.f32 v33, v32;
	v15 =	vmul.f32 $5.000000000e-01, v15;
	v31 =	vmul.f32 $5.000000000e-01, v28;
	v28 =	vld [tilespmem:$0x186A0];
	[tilespmem:$0x10] =	vst v16  }
0xc9: {  	v34 =	vadd.f32 v35, v34;
	v33 =	vmul.f32 $5.000000000e-01, v30;
	v30 =	vld [tilespmem:$0x186B0];
	[tilespmem:$0x20] =	vst v14  }
0xca: {  	v36 =	vadd.f32 v37, v36;
	v35 =	vmul.f32 $5.000000000e-01, v32;
	v32 =	vld [tilespmem:$0x186C0];
	[tilespmem:$0x30] =	vst v15  }
0xcb: {  	v38 =	vadd.f32 v39, v38;
	v37 =	vmul.f32 $5.000000000e-01, v34;
	v34 =	vld [tilespmem:$0x186D0];
	[tilespmem:$0x400] =	vst v29  }
0xcc: {  	v46 =	vadd.f32 v47, v46;
	v39 =	vmul.f32 $5.000000000e-01, v36;
	v36 =	vld [tilespmem:$0x186E0];
	[tilespmem:$0x410] =	vst v31  }
0xcd: {  	v40 =	vadd.f32 v41, v40;
	v48 =	vadd.f32 v49, v48;
	v41 =	vmul.f32 $5.000000000e-01, v38;
	v38 =	vld [tilespmem:$0x186F0];
	[tilespmem:$0x420] =	vst v33  }
0xce: {  	v49 =	vmul.f32 $5.000000000e-01, v46;
	v46 =	vadd.f32 v8, v11;
	v8 =	vld [tilespmem:$0x1810];
	[tilespmem:$0x430] =	vst v35  }
0xcf: {  	v42 =	vadd.f32 v43, v42;
	v50 =	vadd.f32 v51, v50;
	v51 =	vmul.f32 $5.000000000e-01, v48;
	v48 =	vld [tilespmem:$0x1FF40];
	[tilespmem:$0x440] =	vst v37  }
0xd0: {  	v44 =	vadd.f32 v45, v44;
	v43 =	vmul.f32 $5.000000000e-01, v40;
	v11 =	vld [tilespmem:$0x18720];
	[tilespmem:$0x450] =	vst v39  }
0xd1: {  	v45 =	vmul.f32 $5.000000000e-01, v42;
	v16 =	vmul.f32 $5.000000000e-01, v21;
	v21 =	vld [tilespmem:$0x1060];
	[tilespmem:$0x460] =	vst v41  }
0xd2: {  	v24 =	vadd.f32 v25, v24;
	v47 =	vmul.f32 $5.000000000e-01, v44;
	v14 =	vadd.f32 v23, v22;
	v22 =	vld [tilespmem:$0x18670];
	[tilespmem:$0x470] =	vst v43  }
0xd3: {  	v23 =	vld [tilespmem:$0x1070];
	[tilespmem:$0x800] =	vst v45  }
0xd4: {  	v52 =	vadd.f32 v53, v52;
	v15 =	vmul.f32 $5.000000000e-01, v24;
	v24 =	vld [tilespmem:$0x18680];
	[tilespmem:$0x810] =	vst v47  }
0xd5: {  	v54 =	vadd.f32 v55, v54;
	v53 =	vmul.f32 $5.000000000e-01, v50;
	v29 =	vld [tilespmem:$0x1420];
	[tilespmem:$0x820] =	vst v49  }
0xd6: {  	v56 =	vadd.f32 v57, v56;
	v55 =	vmul.f32 $5.000000000e-01, v52;
	v31 =	vld [tilespmem:$0x1430];
	[tilespmem:$0x830] =	vst v51  }
0xd7: {  	v57 =	vmul.f32 $5.000000000e-01, v54;
	v33 =	vld [tilespmem:$0x1440];
	[tilespmem:$0x840] =	vst v53  }
0xd8: {  	v58 =	vadd.f32 v59, v58;
	v59 =	vmul.f32 $5.000000000e-01, v56;
	v35 =	vld [tilespmem:$0x1450];
	[tilespmem:$0x850] =	vst v55  }
0xd9: {  	v37 =	vld [tilespmem:$0x1460];
	[tilespmem:$0x860] =	vst v57  }
0xda: {  	v60 =	vadd.f32 v61, v60;
	v61 =	vmul.f32 $5.000000000e-01, v58;
	v39 =	vld [tilespmem:$0x1470];
	[tilespmem:$0x870] =	vst v59  }
0xdb: {  	v1 =	vmul.f32 $5.000000000e-01, v1;
	[tilespmem:$0x1FF50] =	vst v0;
	v0 =	vld [tilespmem:$0x1000]  }
0xdc: {  	[tilespmem:$0xC00] =	vst v61;
	v50 =	vld [tilespmem:$0x1FF50]  }
0xdd: {  	[tilespmem:$0xC30] =	vst v1;
	v25 =	vmul.f32 $5.000000000e-01, v14;
	v14 =	vld [tilespmem:$0x18730]  }
0xde: {  	v42 =	vadd.f32 v63, v62;
	v43 =	vmul.f32 $5.000000000e-01, v60;
	[tilespmem:$0x70] =	vst v15;
	v15 =	vld [tilespmem:$0x1850]  }
0xdf: {  	[tilespmem:$0x50] =	vst v16;
	v16 =	vld [tilespmem:$0x18760]  }
0xe0: {  	v44 =	vmul.f32 $5.000000000e-01, v42;
	[tilespmem:$0xC10] =	vst v43;
	v43 =	vld [tilespmem:$0x1860]  }
0xe1: {  	v45 =	vmul.f32 $5.000000000e-01, v3;
	[tilespmem:$0x1FF60] =	vst v0;
	v0 =	vld [tilespmem:$0x18610]  }
0xe2: {  	v47 =	vmul.f32 $5.000000000e-01, v5;
	[tilespmem:$0xC20] =	vst v44;
	v5 =	vadd.f32 v13, v48;
	v13 =	vld [tilespmem:$0x1820]  }
0xe3: {  	v49 =	vmul.f32 $5.000000000e-01, v46;
	[tilespmem:$0xC40] =	vst v45;
	v60 =	vadd.f32 v17, v10;
	v10 =	vld [tilespmem:$0x1840]  }
0xe4: {  	[tilespmem:$0xC50] =	vst v47;
	v48 =	vld [tilespmem:$0x1870]  }
0xe5: {  	[tilespmem:$0xC60] =	vst v49;
	v51 =	vld [tilespmem:$0x1FF60]  }
0xe6: {  	v45 =	vadd.f32 v27, v26;
	v52 =	vmul.f32 $5.000000000e-01, v5;
	[tilespmem:$0x1FF70] =	vst v0;
	v0 =	vld [tilespmem:$0x1010]  }
0xe7: {  	v26 =	vld [tilespmem:$0x1C20];
	[tilespmem:$0x60] =	vst v25;
	v63 =	vmul.f32 $5.000000000e-01, v60  }
0xe8: {  	v25 =	vld [tilespmem:$0x1400];
	v20 =	vadd.f32 v21, v20;
	v49 =	vmul.f32 $5.000000000e-01, v45;
	[tilespmem:$0xC70] =	vst v52  }
0xe9: {  	v40 =	vadd.f32 v23, v22;
	v60 =	vld [tilespmem:$0x1C10];
	[tilespmem:$0x1040] =	vst v63  }
0xea: {  	v47 =	vadd.f32 v29, v28;
	v29 =	vld [tilespmem:$0x187B0];
	v41 =	vmul.f32 $5.000000000e-01, v20;
	[tilespmem:$0x1410] =	vst v49  }
0xeb: {  	v44 =	vmul.f32 $5.000000000e-01, v40;
	v3 =	vadd.f32 v51, v50;
	[tilespmem:$0x1FF80] =	vst v0;
	v0 =	vld [tilespmem:$0x18620]  }
0xec: {  	v52 =	vmul.f32 $5.000000000e-01, v47;
	v63 =	vld [tilespmem:$0x187A0];
	[tilespmem:$0x1060] =	vst v41  }
0xed: {  	[tilespmem:$0x1070] =	vst v44;
	v53 =	vld [tilespmem:$0x1FF70];
	v50 =	vadd.f32 v31, v30;
	v55 =	vmul.f32 $5.000000000e-01, v3  }
0xee: {  	v42 =	vadd.f32 v25, v24;
	[tilespmem:$0x1420] =	vst v52;
	v54 =	vld [tilespmem:$0x1FF80]  }
0xef: {  	v2 =	vadd.f32 v4, v2;
	v51 =	vld [tilespmem:$0x18780];
	[tilespmem:$0x1000] =	vst v55;
	v55 =	vmul.f32 $5.000000000e-01, v50  }
0xf0: {  	v46 =	vmul.f32 $5.000000000e-01, v42;
	[tilespmem:$0x1FF90] =	vst v0;
	v0 =	vadd.f32 v9, v7;
	v7 =	vld [tilespmem:$0x18630]  }
0xf1: {  	v30 =	vmul.f32 $5.000000000e-01, v2;
	[tilespmem:$0x1430] =	vst v55;
	v55 =	vadd.f32 v26, v63;
	v9 =	vld [tilespmem:$0x1020]  }
0xf2: {  	v28 =	vadd.f32 v8, v6;
	[tilespmem:$0x1400] =	vst v46;
	v56 =	vld [tilespmem:$0x1FF90];
	v0 =	vmul.f32 $5.000000000e-01, v0  }
0xf3: {  	[tilespmem:$0x1800] =	vst v30;
	v2 =	vmul.f32 $5.000000000e-01, v55;
	v5 =	vadd.f32 v54, v53;
	v54 =	vld [tilespmem:$0x1C00]  }
0xf4: {  	v47 =	vld [tilespmem:$0x187E0];
	v53 =	vadd.f32 v33, v32;
	v33 =	vmul.f32 $5.000000000e-01, v28;
	[tilespmem:$0x0] =	vst v0;
	v0 =	vadd.f32 v19, v18  }
0xf5: {  	[tilespmem:$0x1C20] =	vst v2;
	v57 =	vmul.f32 $5.000000000e-01, v5;
	v18 =	vld [tilespmem:$0x18650];
	v58 =	vadd.f32 v12, v7  }
0xf6: {  	[tilespmem:$0x1810] =	vst v33;
	v19 =	vld [tilespmem:$0x1050];
	v0 =	vmul.f32 $5.000000000e-01, v0  }
0xf7: {  	v41 =	vld [tilespmem:$0x187D0];
	[tilespmem:$0x1010] =	vst v57;
	v3 =	vadd.f32 v9, v56;
	v61 =	vmul.f32 $5.000000000e-01, v58  }
0xf8: {  	v7 =	vld [tilespmem:$0x18740];
	v49 =	vadd.f32 v54, v51;
	v58 =	vmul.f32 $5.000000000e-01, v53;
	[tilespmem:$0x40] =	vst v0  }
0xf9: {  	v12 =	vld [tilespmem:$0x18750];
	v56 =	vadd.f32 v35, v34;
	v59 =	vmul.f32 $5.000000000e-01, v3;
	[tilespmem:$0x1030] =	vst v61  }
0xfa: {  	v31 =	vadd.f32 v13, v11;
	v57 =	vld [tilespmem:$0x18790];
	v54 =	vmul.f32 $5.000000000e-01, v49;
	[tilespmem:$0x1440] =	vst v58  }
0xfb: {  	v32 =	vld [tilespmem:$0x1C30];
	v62 =	vadd.f32 v19, v18;
	v61 =	vmul.f32 $5.000000000e-01, v56;
	[tilespmem:$0x1020] =	vst v59  }
0xfc: {  	v50 =	vld [tilespmem:$0x1C60];
	v59 =	vadd.f32 v37, v36;
	v36 =	vmul.f32 $5.000000000e-01, v31;
	[tilespmem:$0x1C00] =	vst v54  }
0xfd: {  	v44 =	vld [tilespmem:$0x1C50];
	v37 =	vadd.f32 v10, v7;
	v21 =	vmul.f32 $5.000000000e-01, v62;
	[tilespmem:$0x1450] =	vst v61  }
0xfe: {  	v9 =	vld [tilespmem:$0x1830];
	v40 =	vadd.f32 v15, v12;
	v25 =	vmul.f32 $5.000000000e-01, v59;
	[tilespmem:$0x1820] =	vst v36  }
0xff: {  	v35 =	vld [tilespmem:$0x187C0];
	v52 =	vadd.f32 v60, v57;
	v42 =	vmul.f32 $5.000000000e-01, v37;
	[tilespmem:$0x1050] =	vst v21  }
0x100: {  	v53 =	vld [tilespmem:$0x187F0];
	v57 =	vadd.f32 v32, v29;
	v45 =	vmul.f32 $5.000000000e-01, v40;
	[tilespmem:$0x1460] =	vst v25  }
0x101: {  	v18 =	vld [tilespmem:$0x18770];
	v60 =	vadd.f32 v50, v47;
	v4 =	vmul.f32 $5.000000000e-01, v52;
	[tilespmem:$0x1840] =	vst v42  }
0x102: {  	v56 =	vld [tilespmem:$0x1C70];
	v62 =	vadd.f32 v39, v38;
	v1 =	vmul.f32 $5.000000000e-01, v57;
	[tilespmem:$0x1850] =	vst v45  }
0x103: {  	v34 =	vadd.f32 v9, v14;
	v38 =	vld [tilespmem:$0x1C40];
	v63 =	vmul.f32 $5.000000000e-01, v60;
	[tilespmem:$0x1C10] =	vst v4  }
0x104: {  	v43 =	vadd.f32 v43, v16;
	v27 =	vmul.f32 $5.000000000e-01, v62;
	[tilespmem:$0x1C30] =	vst v1  }
0x105: {  	v59 =	vadd.f32 v44, v41;
	v39 =	vmul.f32 $5.000000000e-01, v34;
	[tilespmem:$0x1C60] =	vst v63  }
0x106: {  	v46 =	vadd.f32 v48, v18;
	v48 =	vmul.f32 $5.000000000e-01, v43;
	[tilespmem:$0x1470] =	vst v27  }
0x107: {  	v61 =	vadd.f32 v56, v53;
	v62 =	vmul.f32 $5.000000000e-01, v59;
	[tilespmem:$0x1830] =	vst v39  }
0x108: {  	v51 =	vmul.f32 $5.000000000e-01, v46;
	[tilespmem:$0x1860] =	vst v48;
	v58 =	vadd.f32 v38, v35  }
0x109: {  	[tilespmem:$0x1C50] =	vst v62;
	v1 =	vmul.f32 $5.000000000e-01, v61  }
0x10a: {  	[tilespmem:$0x1870] =	vst v51;
	v0 =	vmul.f32 $5.000000000e-01, v58  }
0x10b: {  	[tilespmem:$0x1C70] =	vst v1  }
0x10c: {  	[tilespmem:$0x1C40] =	vst v0  }
.LBB2_4:
0x10d: {  	s16 =	smul.u32 $0xAB, s15;
	_ =	sdelay $0x1  }
0x10e: {  	s16 =	sshrl.u32 s16, $0xA  }
0x10f: {  	p3 =	sne.s32 s15, $0x3F;
	s16 =	sand.u32 $0x3F, s16  }
0x110: {  	p3 =	por p3, p2;
	s16 =	smul.u32 $0x6, s16  }
.Ltmp5:
0x111: {  	_ = 	snop;
	(pc) =	sbr.rel @p3 .LBB2_6-.Ltmp5, $4  }
0x112: {  	s16 =	ssub.s32 s15, s16  }
0x113: {  	s16 =	sand.u32 $0xFF, s16  }
0x114: {  	s16 =	sshll.u32 s16, $0x10  }
0x115: {  	s16 =	sshrl.u32 s16, $0x2  }
0x116: {  	v0 =	vld [tilespmem:$0x18400];
	_ =	sdelay $0x4  }
0x117: {  	[tilespmem:s16+$0x2380] =	vst v0  }
0x118: {  	v0 =	vld [tilespmem:$0x18410];
	_ =	sdelay $0x4  }
0x119: {  	[tilespmem:s16+$0x2390] =	vst v0  }
0x11a: {  	v0 =	vld [tilespmem:$0x18420];
	_ =	sdelay $0x4  }
0x11b: {  	[tilespmem:s16+$0x23A0] =	vst v0  }
0x11c: {  	v0 =	vld [tilespmem:$0x18430];
	_ =	sdelay $0x4  }
0x11d: {  	[tilespmem:s16+$0x23B0] =	vst v0  }
0x11e: {  	v0 =	vld [tilespmem:$0x18440];
	_ =	sdelay $0x4  }
0x11f: {  	[tilespmem:s16+$0x23C0] =	vst v0  }
0x120: {  	v0 =	vld [tilespmem:$0x18450];
	_ =	sdelay $0x4  }
0x121: {  	[tilespmem:s16+$0x23D0] =	vst v0  }
0x122: {  	v0 =	vld [tilespmem:$0x18460];
	_ =	sdelay $0x4  }
0x123: {  	[tilespmem:s16+$0x23E0] =	vst v0  }
0x124: {  	v0 =	vld [tilespmem:$0x18470];
	_ =	sdelay $0x4  }
0x125: {  	[tilespmem:s16+$0x23F0] =	vst v0  }
0x126: {  	v0 =	vld [tilespmem:$0x18480];
	_ =	sdelay $0x4  }
0x127: {  	[tilespmem:s16+$0x2780] =	vst v0  }
0x128: {  	v0 =	vld [tilespmem:$0x18490];
	_ =	sdelay $0x4  }
0x129: {  	[tilespmem:s16+$0x2790] =	vst v0  }
0x12a: {  	v0 =	vld [tilespmem:$0x184A0];
	_ =	sdelay $0x4  }
0x12b: {  	[tilespmem:s16+$0x27A0] =	vst v0  }
0x12c: {  	v0 =	vld [tilespmem:$0x184B0];
	_ =	sdelay $0x4  }
0x12d: {  	[tilespmem:s16+$0x27B0] =	vst v0  }
0x12e: {  	v0 =	vld [tilespmem:$0x184C0];
	_ =	sdelay $0x4  }
0x12f: {  	[tilespmem:s16+$0x27C0] =	vst v0  }
0x130: {  	v0 =	vld [tilespmem:$0x184D0];
	_ =	sdelay $0x4  }
0x131: {  	[tilespmem:s16+$0x27D0] =	vst v0  }
0x132: {  	v0 =	vld [tilespmem:$0x184E0];
	_ =	sdelay $0x4  }
0x133: {  	[tilespmem:s16+$0x27E0] =	vst v0  }
0x134: {  	v0 =	vld [tilespmem:$0x184F0];
	_ =	sdelay $0x4  }
0x135: {  	[tilespmem:s16+$0x27F0] =	vst v0  }
0x136: {  	v0 =	vld [tilespmem:$0x18500];
	_ =	sdelay $0x4  }
0x137: {  	[tilespmem:s16+$0x2B80] =	vst v0  }
0x138: {  	v0 =	vld [tilespmem:$0x18510];
	_ =	sdelay $0x4  }
0x139: {  	[tilespmem:s16+$0x2B90] =	vst v0  }
0x13a: {  	v0 =	vld [tilespmem:$0x18520];
	_ =	sdelay $0x4  }
0x13b: {  	[tilespmem:s16+$0x2BA0] =	vst v0  }
0x13c: {  	v0 =	vld [tilespmem:$0x18530];
	_ =	sdelay $0x4  }
0x13d: {  	[tilespmem:s16+$0x2BB0] =	vst v0  }
0x13e: {  	v0 =	vld [tilespmem:$0x18540];
	_ =	sdelay $0x4  }
0x13f: {  	[tilespmem:s16+$0x2BC0] =	vst v0  }
0x140: {  	v0 =	vld [tilespmem:$0x18550];
	_ =	sdelay $0x4  }
0x141: {  	[tilespmem:s16+$0x2BD0] =	vst v0  }
0x142: {  	v0 =	vld [tilespmem:$0x18560];
	_ =	sdelay $0x4  }
0x143: {  	[tilespmem:s16+$0x2BE0] =	vst v0  }
0x144: {  	v0 =	vld [tilespmem:$0x18570];
	_ =	sdelay $0x4  }
0x145: {  	[tilespmem:s16+$0x2BF0] =	vst v0  }
0x146: {  	v0 =	vld [tilespmem:$0x18580];
	_ =	sdelay $0x4  }
0x147: {  	[tilespmem:s16+$0x2F80] =	vst v0  }
0x148: {  	v0 =	vld [tilespmem:$0x18590];
	_ =	sdelay $0x4  }
0x149: {  	[tilespmem:s16+$0x2F90] =	vst v0  }
0x14a: {  	v0 =	vld [tilespmem:$0x185A0];
	_ =	sdelay $0x4  }
0x14b: {  	[tilespmem:s16+$0x2FA0] =	vst v0  }
0x14c: {  	v0 =	vld [tilespmem:$0x185B0];
	_ =	sdelay $0x4  }
0x14d: {  	[tilespmem:s16+$0x2FB0] =	vst v0  }
0x14e: {  	v0 =	vld [tilespmem:$0x185C0];
	_ =	sdelay $0x4  }
0x14f: {  	[tilespmem:s16+$0x2FC0] =	vst v0  }
0x150: {  	v0 =	vld [tilespmem:$0x185D0];
	_ =	sdelay $0x4  }
0x151: {  	[tilespmem:s16+$0x2FD0] =	vst v0  }
0x152: {  	v0 =	vld [tilespmem:$0x185E0];
	_ =	sdelay $0x4  }
0x153: {  	[tilespmem:s16+$0x2FE0] =	vst v0  }
0x154: {  	v0 =	vld [tilespmem:$0x185F0];
	_ =	sdelay $0x4  }
0x155: {  	[tilespmem:s16+$0x2FF0] =	vst v0  }
0x156: {  	v0 =	vld [tilespmem:$0x18600];
	_ =	sdelay $0x4  }
0x157: {  	[tilespmem:s16+$0x3380] =	vst v0  }
0x158: {  	v0 =	vld [tilespmem:$0x18610];
	_ =	sdelay $0x4  }
0x159: {  	[tilespmem:s16+$0x3390] =	vst v0  }
0x15a: {  	v0 =	vld [tilespmem:$0x18620];
	_ =	sdelay $0x4  }
0x15b: {  	[tilespmem:s16+$0x33A0] =	vst v0  }
0x15c: {  	v0 =	vld [tilespmem:$0x18630];
	_ =	sdelay $0x4  }
0x15d: {  	[tilespmem:s16+$0x33B0] =	vst v0  }
0x15e: {  	v0 =	vld [tilespmem:$0x18640];
	_ =	sdelay $0x4  }
0x15f: {  	[tilespmem:s16+$0x33C0] =	vst v0  }
0x160: {  	v0 =	vld [tilespmem:$0x18650];
	_ =	sdelay $0x4  }
0x161: {  	[tilespmem:s16+$0x33D0] =	vst v0  }
0x162: {  	v0 =	vld [tilespmem:$0x18660];
	_ =	sdelay $0x4  }
0x163: {  	[tilespmem:s16+$0x33E0] =	vst v0  }
0x164: {  	v0 =	vld [tilespmem:$0x18670];
	_ =	sdelay $0x4  }
0x165: {  	[tilespmem:s16+$0x33F0] =	vst v0  }
0x166: {  	v0 =	vld [tilespmem:$0x18680];
	_ =	sdelay $0x4  }
0x167: {  	[tilespmem:s16+$0x3780] =	vst v0  }
0x168: {  	v0 =	vld [tilespmem:$0x18690];
	_ =	sdelay $0x4  }
0x169: {  	[tilespmem:s16+$0x3790] =	vst v0  }
0x16a: {  	v0 =	vld [tilespmem:$0x186A0];
	_ =	sdelay $0x4  }
0x16b: {  	[tilespmem:s16+$0x37A0] =	vst v0  }
0x16c: {  	v0 =	vld [tilespmem:$0x186B0];
	_ =	sdelay $0x4  }
0x16d: {  	[tilespmem:s16+$0x37B0] =	vst v0  }
0x16e: {  	v0 =	vld [tilespmem:$0x186C0];
	_ =	sdelay $0x4  }
0x16f: {  	[tilespmem:s16+$0x37C0] =	vst v0  }
0x170: {  	v0 =	vld [tilespmem:$0x186D0];
	_ =	sdelay $0x4  }
0x171: {  	[tilespmem:s16+$0x37D0] =	vst v0  }
0x172: {  	v0 =	vld [tilespmem:$0x186E0];
	_ =	sdelay $0x4  }
0x173: {  	[tilespmem:s16+$0x37E0] =	vst v0  }
0x174: {  	v0 =	vld [tilespmem:$0x186F0];
	_ =	sdelay $0x4  }
0x175: {  	[tilespmem:s16+$0x37F0] =	vst v0  }
0x176: {  	v0 =	vld [tilespmem:$0x18700];
	_ =	sdelay $0x4  }
0x177: {  	[tilespmem:s16+$0x3B80] =	vst v0  }
0x178: {  	v0 =	vld [tilespmem:$0x18710];
	_ =	sdelay $0x4  }
0x179: {  	[tilespmem:s16+$0x3B90] =	vst v0  }
0x17a: {  	v0 =	vld [tilespmem:$0x18720];
	_ =	sdelay $0x4  }
0x17b: {  	[tilespmem:s16+$0x3BA0] =	vst v0  }
0x17c: {  	v0 =	vld [tilespmem:$0x18730];
	_ =	sdelay $0x4  }
0x17d: {  	[tilespmem:s16+$0x3BB0] =	vst v0  }
0x17e: {  	v0 =	vld [tilespmem:$0x18740];
	_ =	sdelay $0x4  }
0x17f: {  	[tilespmem:s16+$0x3BC0] =	vst v0  }
0x180: {  	v0 =	vld [tilespmem:$0x18750];
	_ =	sdelay $0x4  }
0x181: {  	[tilespmem:s16+$0x3BD0] =	vst v0  }
0x182: {  	v0 =	vld [tilespmem:$0x18760];
	_ =	sdelay $0x4  }
0x183: {  	[tilespmem:s16+$0x3BE0] =	vst v0  }
0x184: {  	v0 =	vld [tilespmem:$0x18770];
	_ =	sdelay $0x4  }
0x185: {  	[tilespmem:s16+$0x3BF0] =	vst v0  }
0x186: {  	v0 =	vld [tilespmem:$0x18780];
	_ =	sdelay $0x4  }
0x187: {  	[tilespmem:s16+$0x3F80] =	vst v0  }
0x188: {  	v0 =	vld [tilespmem:$0x18790];
	_ =	sdelay $0x4  }
0x189: {  	[tilespmem:s16+$0x3F90] =	vst v0  }
0x18a: {  	v0 =	vld [tilespmem:$0x187A0];
	_ =	sdelay $0x4  }
0x18b: {  	[tilespmem:s16+$0x3FA0] =	vst v0  }
0x18c: {  	v0 =	vld [tilespmem:$0x187B0];
	_ =	sdelay $0x4  }
0x18d: {  	[tilespmem:s16+$0x3FB0] =	vst v0  }
0x18e: {  	v0 =	vld [tilespmem:$0x187C0];
	_ =	sdelay $0x4  }
0x18f: {  	[tilespmem:s16+$0x3FC0] =	vst v0  }
0x190: {  	v0 =	vld [tilespmem:$0x187D0];
	_ =	sdelay $0x4  }
0x191: {  	[tilespmem:s16+$0x3FD0] =	vst v0  }
0x192: {  	v0 =	vld [tilespmem:$0x187E0];
	_ =	sdelay $0x4  }
0x193: {  	[tilespmem:s16+$0x3FE0] =	vst v0  }
0x194: {  	v0 =	vld [tilespmem:$0x187F0]  }
.Ltmp6:
0x195: {  	_ = 	snop;
	(pc) =	sbr.rel .LBB2_6-.Ltmp6, $2  }
0x196: {  	_ =	sdelay $0x2  }
0x197: {  	[tilespmem:s16+$0x3FF0] =	vst v0  }
.LBB2_8:
0x198: {  	_ =	sfence.sel $0x180000  }
0x199: {  	[bflag:$0x0] =	sbarrier.arrive $0xFFFF  }
0x19a: {  	_ =	strace $0x90000047  }
0x19b: {  	s0 =	stileid.u32;
	[bflag:$0x2] =	sbarrier.arrive $0xFFFF  }
0x19c: {  	p0 =	sne.s32 s0, $0x0;
	s0 =	rddreg [dreg:$0x3]  }
0x19d: {  	s0 =	sadd.s32 @!p0 $0x100000, s0  }
0x19e: {  	[sflag:s0] =	ssyncadd.tile.s32 @!p0 $0x1;
	_ =	shalt  }
.Lfunc_end2:
_tile_overlayer_lowered:
.L_overlay_start_2:
0x19f: {  	(tag) =	ssettag $0x2  }
0x1a0: {  	s0 =	rddreg [dreg:$0x0];
	s2 =	stileid.u32  }
0x1a1: {  	s1 =	rddreg [dreg:$0x1];
	p0 =	sne.s32 s2, $0x0  }
0x1a2: {  	s3 =	rddreg [dreg:$0x2];
	[bflag:$0x3] =	sbarrier.arrive $0xFFFF;
	s2 =	simm.s32 @!p0 $0x1C04  }
0x1a3: {  	[timem:s3], [sflag:s2] =	dma.local @!p0 [hbm:s0], s1  }
0x1a4: {  	s0 =	simm.s32 @!p0 $0x4  }
0x1a5: {  	_ =	swait.ge @!p0 [sflag:s0], s1  }
0x1a6: {  	s1 =	ssub.s32 @!p0 $0x0, s1;
	[sflag:s0] =	ssyncset.done @!p0 $0x0  }
0x1a7: {  	[sflag:s0] =	ssyncadd.s32 @!p0 s1  }
0x1a8: {  	[bflag:$0x3] =	sbarrier.arrive $0xFFFF  }
0x1a9: {  	_ =	shalt  }

</sc_bundles>
